<compile_context>
chip_gen: v7x
topology: tpu7x:2x2x1
jax: 0.10.2.dev20260603
libtpu: 0.0.44.dev20260713+nightly
codegen_flags: <defaults>
</compile_context>

<pallas_src>
import functools

import jax
import jax.numpy as jnp
from jax import lax
from jax.experimental import pallas as pl
from jax.experimental.pallas import tpu as pltpu
from jax.experimental.pallas import tpu_sc as plsc

NC, NS = 2, 16
NW = NC * NS
B = 1024
S1_PER = 10
S2_PER = 25
D = 256
S1 = B * S1_PER
S2 = S1 * S2_PER
NB_W = B // NW
S1_W = NB_W * S1_PER
S2_W = S1_W * S2_PER
GP = 8
G_ROWS = GP * S2_PER
NG = S1_W // GP
N_CLS = 128
Q_PAR = S1_W // 4
Q_S2 = Q_PAR * S2_PER
H1_CHUNK = 80

_sc_mesh = plsc.VectorSubcoreMesh(
    core_axis_name="c", subcore_axis_name="s", num_cores=NC, num_subcores=NS
)


def _sc_body(nodes_hbm, adj_hbm, feat_hbm, c1_hbm, c2_hbm,
             h0_hbm, h1_hbm, m2_hbm,
             nodes_v, nd4_v, nm4_v, adj0_v, c1_v, s1_v, s1d4_v, s1m4_v,
             adj1_v, c2_v, s2_v,
             buf0, buf1, stage, sem0, sem1, sem2):
    w = lax.axis_index("s") * NC + lax.axis_index("c")
    iota = lax.iota(jnp.int32, 16)


    pltpu.sync_copy(nodes_hbm.at[pl.ds(w * NB_W, NB_W)], nodes_v)

    def nsplit_body(i, carry):
        nv = nodes_v[pl.ds(i * 16, 16)]
        nd4_v[pl.ds(i * 16, 16)] = nv // 4
        nm4_v[pl.ds(i * 16, 16)] = (nv % 4) * 32
        return carry

    lax.fori_loop(0, NB_W // 16, nsplit_body, 0)
    pltpu.async_copy(adj_hbm.at[nd4_v], adj0_v, sem2).wait()
    pltpu.sync_copy(c1_hbm.at[pl.ds(w * S1_W, S1_W)], c1_v)

    def s1_body(i, carry):
        e = i * 16 + iota
        r = e // S1_PER
        cv = c1_v[pl.ds(i * 16, 16)] + plsc.load_gather(nm4_v, [r])
        s1_v[pl.ds(i * 16, 16)] = plsc.load_gather(adj0_v, [r, cv])
        return carry

    lax.fori_loop(0, S1_W // 16, s1_body, 0)

    def s1split_body(i, carry):
        sv = s1_v[pl.ds(i * 16, 16)]
        s1d4_v[pl.ds(i * 16, 16)] = sv // 4
        s1m4_v[pl.ds(i * 16, 16)] = (sv % 4) * 32
        return carry

    lax.fori_loop(0, S1_W // 16, s1split_body, 0)

    pltpu.async_copy(feat_hbm.at[nodes_v], buf0.at[pl.ds(0, NB_W)], sem0)
    pltpu.async_copy(feat_hbm.at[s1_v.at[pl.ds(0, H1_CHUNK)]],
                     buf1.at[pl.ds(0, H1_CHUNK)], sem1)

    def s2_quarter(q, carry):
        pltpu.async_copy(adj_hbm.at[s1d4_v.at[pl.ds(q * Q_PAR, Q_PAR)]],
                         adj1_v, sem2).wait()
        pltpu.sync_copy(c2_hbm.at[pl.ds(w * S2_W + q * Q_S2, Q_S2)], c2_v)

        def s2_body(i, inner):
            e = q * Q_S2 + i * 16 + iota
            r = e // S2_PER
            cv = c2_v[pl.ds(i * 16, 16)] + plsc.load_gather(s1m4_v, [r])
            s2_v[pl.ds(q * Q_S2 + i * 16, 16)] = plsc.load_gather(
                adj1_v, [r - q * Q_PAR, cv])
            return inner

        lax.fori_loop(0, Q_S2 // 16, s2_body, 0)
        return carry

    lax.fori_loop(0, 4, s2_quarter, 0)

    def fire(g, buf, sem):
        off = g * G_ROWS
        pltpu.async_copy(feat_hbm.at[s2_v.at[pl.ds(off, 128)]],
                         buf.at[pl.ds(0, 128)], sem)
        pltpu.async_copy(feat_hbm.at[s2_v.at[pl.ds(off + 128, G_ROWS - 128)]],
                         buf.at[pl.ds(128, G_ROWS - 128)], sem)

    def drain(buf, sem):
        pltpu.make_async_copy(feat_hbm.at[pl.ds(0, G_ROWS)], buf, sem).wait()

    bufs = (buf0, buf1)
    sems = (sem0, sem1)

    def h1_fire(k):
        b = (k + 1) % 2
        pltpu.async_copy(feat_hbm.at[s1_v.at[pl.ds(k * H1_CHUNK, H1_CHUNK)]],
                         bufs[b].at[pl.ds(0, H1_CHUNK)], sems[b])

    def h1_drain_out(k):
        b = (k + 1) % 2
        pltpu.make_async_copy(feat_hbm.at[pl.ds(0, H1_CHUNK)],
                              bufs[b].at[pl.ds(0, H1_CHUNK)],
                              sems[b]).wait()
        pltpu.sync_copy(bufs[b].at[pl.ds(0, H1_CHUNK)],
                        h1_hbm.at[pl.ds(w * S1_W + k * H1_CHUNK, H1_CHUNK)])

    pltpu.make_async_copy(feat_hbm.at[pl.ds(0, NB_W)],
                          buf0.at[pl.ds(0, NB_W)], sem0).wait()
    pltpu.sync_copy(buf0.at[pl.ds(0, NB_W)], h0_hbm.at[pl.ds(w * NB_W, NB_W)])
    h1_fire(1)
    h1_drain_out(0)
    h1_fire(2)
    h1_drain_out(1)
    h1_fire(3)
    h1_drain_out(2)
    fire(0, buf1, sem1)
    h1_drain_out(3)
    fire(1, buf0, sem0)

    def process(g, buf):
        def par_body(p, carry):
            base = p * S2_PER

            def row_body(r, acc):
                row = base + r
                return tuple(acc[c] + buf[row, pl.ds(c * 16, 16)]
                             for c in range(16))

            acc0 = tuple(jnp.zeros((16,), jnp.float32) for _ in range(16))
            acc = lax.fori_loop(0, S2_PER, row_body, acc0)
            for c in range(16):
                stage[p, pl.ds(c * 16, 16)] = acc[c] * (1.0 / S2_PER)
            return carry

        lax.fori_loop(0, GP, par_body, 0)
        pltpu.sync_copy(stage, m2_hbm.at[pl.ds(w * S1_W + g * GP, GP)])

    def m2_body(t, carry):
        g0 = 2 * t
        drain(buf1, sem1)
        process(g0, buf1)

        @pl.when(t < NG // 2 - 1)
        def _():
            fire(g0 + 2, buf1, sem1)

        drain(buf0, sem0)
        process(g0 + 1, buf0)

        @pl.when(t < NG // 2 - 1)
        def _():
            fire(g0 + 3, buf0, sem0)

        return carry

    lax.fori_loop(0, NG // 2, m2_body, 0)


_sc_gather = functools.partial(
    pl.kernel,
    out_type=(
        jax.ShapeDtypeStruct((B, D), jnp.float32),
        jax.ShapeDtypeStruct((S1, D), jnp.float32),
        jax.ShapeDtypeStruct((S1, D), jnp.float32),
    ),
    mesh=_sc_mesh,
    compiler_params=pltpu.CompilerParams(needs_layout_passes=False, use_tc_tiling_on_sc=True),
    scratch_types=[
        pltpu.VMEM((NB_W,), jnp.int32),
        pltpu.VMEM((NB_W,), jnp.int32),
        pltpu.VMEM((NB_W,), jnp.int32),
        pltpu.VMEM((NB_W, 128), jnp.int32),
        pltpu.VMEM((S1_W,), jnp.int32),
        pltpu.VMEM((S1_W,), jnp.int32),
        pltpu.VMEM((S1_W,), jnp.int32),
        pltpu.VMEM((S1_W,), jnp.int32),
        pltpu.VMEM((Q_PAR, 128), jnp.int32),
        pltpu.VMEM((Q_S2,), jnp.int32),
        pltpu.VMEM((S2_W,), jnp.int32),
        pltpu.VMEM((G_ROWS, D), jnp.float32),
        pltpu.VMEM((G_ROWS, D), jnp.float32),
        pltpu.VMEM((GP, D), jnp.float32),
        pltpu.SemaphoreType.DMA,
        pltpu.SemaphoreType.DMA,
        pltpu.SemaphoreType.DMA,
    ],
)(_sc_body)


T1_ROWS = 1280
T1_OUT = T1_ROWS // S1_PER
T1_STEPS = S1 // T1_ROWS


def _tc_body(h1_ref, m2_ref, h0_ref, w1_ref, w2_ref, fcw_ref, fcb_ref,
             out_ref, a1m_s, h1m_s):
    i = pl.program_id(0)
    h1b = h1_ref[...]
    w1 = w1_ref[...]
    x = (jnp.dot(h1b, w1[:D], preferred_element_type=jnp.float32)
         + jnp.dot(m2_ref[...], w1[D:], preferred_element_type=jnp.float32))
    x = jnp.maximum(x, 0.0)
    nrm = jnp.sqrt(jnp.sum(x * x, axis=1, keepdims=True))
    a1 = x / (nrm + 1e-8)
    a1m_s[pl.ds(i * T1_OUT, T1_OUT), :] = jnp.mean(
        a1.reshape(T1_OUT, S1_PER, D), axis=1)
    h1m_s[pl.ds(i * T1_OUT, T1_OUT), :] = jnp.mean(
        h1b.reshape(T1_OUT, S1_PER, D), axis=1)

    @pl.when(i == T1_STEPS - 1)
    def _():
        x0 = (jnp.dot(h0_ref[...], w1[:D], preferred_element_type=jnp.float32)
              + jnp.dot(h1m_s[...], w1[D:], preferred_element_type=jnp.float32))
        x0 = jnp.maximum(x0, 0.0)
        a0 = x0 / (jnp.sqrt(jnp.sum(x0 * x0, axis=1, keepdims=True)) + 1e-8)
        w2 = w2_ref[...]
        y = (jnp.dot(a0, w2[:D], preferred_element_type=jnp.float32)
             + jnp.dot(a1m_s[...], w2[D:], preferred_element_type=jnp.float32))
        y = jnp.maximum(y, 0.0)
        b0 = y / (jnp.sqrt(jnp.sum(y * y, axis=1, keepdims=True)) + 1e-8)
        out_ref[...] = (jnp.dot(b0, fcw_ref[...],
                                preferred_element_type=jnp.float32)
                        + fcb_ref[...])


def _tc(h1, m2, h0, W1, W2, fc_w, fc_b):
    return pl.pallas_call(
        _tc_body,
        grid=(T1_STEPS,),
        in_specs=[
            pl.BlockSpec((T1_ROWS, D), lambda i: (i, 0)),
            pl.BlockSpec((T1_ROWS, D), lambda i: (i, 0)),
            pl.BlockSpec((B, D), lambda i: (0, 0)),
            pl.BlockSpec((2 * D, D), lambda i: (0, 0)),
            pl.BlockSpec((2 * D, D), lambda i: (0, 0)),
            pl.BlockSpec((D, N_CLS), lambda i: (0, 0)),
            pl.BlockSpec((1, N_CLS), lambda i: (0, 0)),
        ],
        out_specs=pl.BlockSpec((B, N_CLS), lambda i: (0, 0)),
        out_shape=jax.ShapeDtypeStruct((B, N_CLS), jnp.float32),
        scratch_shapes=[
            pltpu.VMEM((B, D), jnp.float32),
            pltpu.VMEM((B, D), jnp.float32),
        ],
    )(h1, m2, h0, W1, W2, fc_w, fc_b.reshape(1, -1))


def kernel(nodes, features, adj, W1, W2, fc_w, fc_b):
    nodes = nodes.astype(jnp.int32)
    max_deg = adj.shape[1]
    adj = adj.astype(jnp.int32).reshape(-1, 128)
    key = jax.random.key(42)
    key, sub = jax.random.split(key)
    cols1 = jax.random.randint(sub, (B, S1_PER), 0, max_deg)
    key, sub = jax.random.split(key)
    cols2 = jax.random.randint(sub, (S1, S2_PER), 0, max_deg)
    c1 = cols1.reshape(-1).astype(jnp.int32)
    c2 = cols2.reshape(-1).astype(jnp.int32)

    h0, h1, m2 = _sc_gather(nodes, adj, features, c1, c2)
    return _tc(h1, m2, h0, W1, W2, fc_w, fc_b)

# --- scband reference (transcript-rebuilt; emitter-appended) ---
"""Pipeline reference for scband-sample-and-aggregate-28003186770125 (READ-ONLY COPY).

The authoritative reference and input builder live on the scoring server;
editing this copy changes nothing except your own understanding.
"""

import jax, jax.numpy as jnp
import numpy as np

N_NODES = 50000
D_FEAT = 256
MAX_DEG = 32
BATCH = 1024
N_SAMPLES = [25, 10]
HID = 256
N_CLASSES = 128
NUM_AGGS = 2


def setup_inputs(seed: int = 0) -> dict:
    key = jax.random.key(seed)
    k1, k2, k3, k4, k5, k6 = jax.random.split(key, 6)
    nodes = jax.random.randint(k1, (BATCH,), 0, N_NODES, dtype=jnp.int64) if jax.config.jax_enable_x64 else jax.random.randint(k1, (BATCH,), 0, N_NODES).astype(jnp.int32)
    features = jax.random.normal(k2, (N_NODES, D_FEAT), dtype=jnp.float32)
    adj = jax.random.randint(k3, (N_NODES, MAX_DEG), 0, N_NODES).astype(jnp.int32)
    W1 = jax.random.normal(k4, (2 * D_FEAT, HID), dtype=jnp.float32) * 0.05
    W2 = jax.random.normal(k5, (2 * HID, HID), dtype=jnp.float32) * 0.05
    fc_w = jax.random.normal(k6, (HID, N_CLASSES), dtype=jnp.float32) * 0.05
    fc_b = jnp.zeros((N_CLASSES,), dtype=jnp.float32)
    return {"nodes": nodes, "features": features, "adj": adj, "W1": W1, "W2": W2, "fc_w": fc_w, "fc_b": fc_b}


def _sample(nodes, adj):
    """Uniform neighbor sampler: samples[k+1] = n_samples[num_aggs-k-1] neighbors of each node in samples[k]."""
    key = jax.random.key(42)
    samples = [nodes]
    for k in range(NUM_AGGS):
        t = NUM_AGGS - k - 1
        key, sub = jax.random.split(key)
        cur = samples[k]
        cols = jax.random.randint(sub, (cur.shape[0], N_SAMPLES[t]), 0, adj.shape[1])
        rows = jnp.take(adj, cur, axis=0)  # gather adjacency rows [len(cur), MAX_DEG]
        neigh = jnp.take_along_axis(rows, cols, axis=1).reshape(-1)
        samples.append(neigh)
    return samples


def _aggregate(samples, features, W1, W2):
    # prep = identity (use_original_features)
    hidden = [jnp.take(features, s, axis=0) for s in samples]
    Ws = [W1, W2]
    for layer in range(NUM_AGGS):
        next_hidden = []
        for hop in range(NUM_AGGS - layer):
            h_self = hidden[hop]
            h_neigh = hidden[hop + 1]
            ratio = h_neigh.shape[0] // h_self.shape[0]
            neigh_mean = h_neigh.reshape(h_self.shape[0], ratio, h_neigh.shape[1]).mean(axis=1)
            h = jnp.concatenate([h_self, neigh_mean], axis=1) @ Ws[layer]
            h = jax.nn.relu(h)
            h = h / (jnp.linalg.norm(h, axis=1, keepdims=True) + 1e-8)
            next_hidden.append(h)
        hidden = next_hidden
    return hidden[0]


def reference(nodes, features, adj, W1, W2, fc_w, fc_b):
    samples = _sample(nodes, adj)
    emb = _aggregate(samples, features, W1, W2)
    scores = emb @ fc_w + fc_b
    return scores

if __name__ == "__main__":
    import jax
    _d = setup_inputs()
    print(jax.jit(kernel)(*tuple(_d.values())))

</pallas_src>

<mosaic_0001>
#map = affine_map<(d0, d1) -> (0)>
#map1 = affine_map<(d0, d1) -> (0, 0)>
module attributes {stable_mosaic.version = 14 : i64} {
  func.func @_sc_body(%arg0: i32, %arg1: i32, %arg2: memref<1024xi32, #tpu.memory_space<hbm>>, %arg3: memref<12500x128xi32, #tpu.memory_space<hbm>>, %arg4: memref<50000x256xf32, #tpu.memory_space<hbm>>, %arg5: memref<10240xi32, #tpu.memory_space<hbm>>, %arg6: memref<256000xi32, #tpu.memory_space<hbm>>, %arg7: memref<1024x256xf32, #tpu.memory_space<hbm>>, %arg8: memref<10240x256xf32, #tpu.memory_space<hbm>>, %arg9: memref<10240x256xf32, #tpu.memory_space<hbm>>, %arg10: memref<32xi32, #tpu.memory_space<vmem>>, %arg11: memref<32xi32, #tpu.memory_space<vmem>>, %arg12: memref<32xi32, #tpu.memory_space<vmem>>, %arg13: memref<32x128xi32, #tpu.memory_space<vmem>>, %arg14: memref<320xi32, #tpu.memory_space<vmem>>, %arg15: memref<320xi32, #tpu.memory_space<vmem>>, %arg16: memref<320xi32, #tpu.memory_space<vmem>>, %arg17: memref<320xi32, #tpu.memory_space<vmem>>, %arg18: memref<80x128xi32, #tpu.memory_space<vmem>>, %arg19: memref<2000xi32, #tpu.memory_space<vmem>>, %arg20: memref<8000xi32, #tpu.memory_space<vmem>>, %arg21: memref<200x256xf32, #tpu.memory_space<vmem>>, %arg22: memref<200x256xf32, #tpu.memory_space<vmem>>, %arg23: memref<8x256xf32, #tpu.memory_space<vmem>>, %arg24: memref<!tpu.dma_semaphore, #tpu.memory_space<semaphore_mem>>, %arg25: memref<!tpu.dma_semaphore, #tpu.memory_space<semaphore_mem>>, %arg26: memref<!tpu.dma_semaphore, #tpu.memory_space<semaphore_mem>>) attributes {dimension_semantics = [#tpu.dimension_semantics<core_parallel>, #tpu.dimension_semantics<subcore_parallel>], iteration_bounds = array<i64: 2, 16>, scalar_prefetch = 0 : i64, scratch_operands = 17 : i64, tpu.core_type = #tpu.core_type<sc_vector_subcore>, window_params = [{transform_indices = #map}, {transform_indices = #map1}, {transform_indices = #map1}, {transform_indices = #map}, {transform_indices = #map}, {transform_indices = #map1}, {transform_indices = #map1}, {transform_indices = #map1}]} {
    %mul3A = arith.constant 2 : i32
    %mul3A_0 = arith.muli %arg1, %mul3A : i32
    %add3A = arith.addi %mul3A_0, %arg0 : i32
    %iota3A = tpu.iota {dimensions = array<i32: 0>} : vector<16xi32>
    %mul3A_1 = arith.constant 32 : i32
    %mul3A_2 = arith.muli %add3A, %mul3A_1 : i32
    "tpu.region"() ({
      %run_scoped3A = tpu.sem_alloc : memref<!tpu.dma_semaphore, #tpu.memory_space<semaphore_mem>>
      %dma_start3A_186 = tpu.memref_slice %arg2[%mul3A_2] : memref<1024xi32, #tpu.memory_space<hbm>> -> memref<32xi32, #tpu.memory_space<hbm>>
      %dma_start3A_187 = tpu.memref_slice %arg2[%mul3A_2] : memref<1024xi32, #tpu.memory_space<hbm>> -> memref<32xi32, #tpu.memory_space<hbm>>
      tpu.enqueue_dma source(%dma_start3A_187 : memref<32xi32, #tpu.memory_space<hbm>>) target(%arg10 : memref<32xi32, #tpu.memory_space<vmem>>) target_semaphore(%run_scoped3A : memref<!tpu.dma_semaphore, #tpu.memory_space<semaphore_mem>>)
      %dma_wait3A_188 = tpu.memref_slice %arg2[%mul3A_2] : memref<1024xi32, #tpu.memory_space<hbm>> -> memref<32xi32, #tpu.memory_space<hbm>>
      %dma_wait3A_189 = tpu.memref_slice %arg2[%mul3A_2] : memref<1024xi32, #tpu.memory_space<hbm>> -> memref<32xi32, #tpu.memory_space<hbm>>
      tpu.wait_dma2 semaphore(%run_scoped3A : memref<!tpu.dma_semaphore, #tpu.memory_space<semaphore_mem>>) src(%dma_wait3A_189 : memref<32xi32, #tpu.memory_space<hbm>>) dst(%arg10 : memref<32xi32, #tpu.memory_space<vmem>>)
      tpu.yield
    }) : () -> ()
    %scan3A = arith.constant 0 : i32
    %scan3A_3 = arith.constant 0 : i32
    %scan3A_4 = arith.constant 2 : i32
    %scan3A_5 = arith.addi %scan3A_3, %scan3A_4 : i32
    %scan3A_6 = arith.constant 1 : i32
    scf.for %scan3A_186 = %scan3A_3 to %scan3A_5 step %scan3A_6  : i32 {
      %mul3A_187 = arith.constant 16 : i32
      %mul3A_188 = arith.muli %scan3A_186, %mul3A_187 : i32
      %get3A = arith.index_cast %mul3A_188 : i32 to index
      %get3A_189 = tpu.vector_load %arg10[%get3A] {strides = array<i32>} : memref<32xi32, #tpu.memory_space<vmem>>, vector<16xi32>,
      %jit3A = arith.constant 4 : i32
      %div3A = vector.broadcast %jit3A : i32 to vector<16xi32>
      %div3A_190 = arith.divsi %get3A_189, %div3A : vector<16xi32>
      %sign3A = arith.constant 0 : i32
      %sign3A_191 = vector.broadcast %sign3A : i32 to vector<16xi32>
      %sign3A_192 = arith.cmpi sgt, %get3A_189, %sign3A_191 : vector<16xi32>
      %sign3A_193 = arith.extui %sign3A_192 : vector<16xi1> to vector<16xi32>
      %sign3A_194 = arith.constant 0 : i32
      %sign3A_195 = vector.broadcast %sign3A_194 : i32 to vector<16xi32>
      %sign3A_196 = arith.cmpi slt, %get3A_189, %sign3A_195 : vector<16xi32>
      %sign3A_197 = arith.extui %sign3A_196 : vector<16xi1> to vector<16xi32>
      %sign3A_198 = arith.subi %sign3A_193, %sign3A_197 : vector<16xi32>
      %sign3A_199 = arith.constant 0 : i32
      %sign3A_200 = arith.cmpi sgt, %jit3A, %sign3A_199 : i32
      %sign3A_201 = arith.extui %sign3A_200 : i1 to i32
      %sign3A_202 = arith.constant 0 : i32
      %sign3A_203 = arith.cmpi slt, %jit3A, %sign3A_202 : i32
      %sign3A_204 = arith.extui %sign3A_203 : i1 to i32
      %sign3A_205 = arith.subi %sign3A_201, %sign3A_204 : i32
      %ne3A = vector.broadcast %sign3A_205 : i32 to vector<16xi32>
      %ne3A_206 = arith.cmpi ne, %sign3A_198, %ne3A : vector<16xi32>
      %rem3A = vector.broadcast %jit3A : i32 to vector<16xi32>
      %rem3A_207 = arith.remsi %get3A_189, %rem3A : vector<16xi32>
      %ne3A_208 = arith.constant 0 : i32
      %ne3A_209 = vector.broadcast %ne3A_208 : i32 to vector<16xi32>
      %ne3A_210 = arith.cmpi ne, %rem3A_207, %ne3A_209 : vector<16xi32>
      %and3A = arith.andi %ne3A_206, %ne3A_210 : vector<16xi1>
      %sub3A = arith.constant 1 : i32
      %sub3A_211 = vector.broadcast %sub3A : i32 to vector<16xi32>
      %sub3A_212 = arith.subi %div3A_190, %sub3A_211 : vector<16xi32>
      %select_n3A = arith.select %and3A, %sub3A_212, %div3A_190 : vector<16xi1>, vector<16xi32>
      %mul3A_213 = arith.constant 16 : i32
      %mul3A_214 = arith.muli %scan3A_186, %mul3A_213 : i32
      %swap3A = arith.index_cast %mul3A_214 : i32 to index
      %swap3A_215 = tpu.vector_load %arg11[%swap3A] {strides = array<i32>} : memref<32xi32, #tpu.memory_space<vmem>>, vector<16xi32>,
      tpu.vector_store %arg11[%swap3A], %select_n3A {strides = array<i32>} : memref<32xi32, #tpu.memory_space<vmem>>, vector<16xi32>,
      %jit3A_216 = arith.constant 4 : i32
      %eq3A = arith.constant 0 : i32
      %eq3A_217 = arith.cmpi eq, %jit3A_216, %eq3A : i32
      %jit3A_218 = arith.constant 1 : i32
      %select_n3A_219 = arith.select %eq3A_217, %jit3A_218, %jit3A_216 : i32
      %rem3A_220 = vector.broadcast %select_n3A_219 : i32 to vector<16xi32>
      %rem3A_221 = arith.remsi %get3A_189, %rem3A_220 : vector<16xi32>
      %ne3A_222 = arith.constant 0 : i32
      %ne3A_223 = vector.broadcast %ne3A_222 : i32 to vector<16xi32>
      %ne3A_224 = arith.cmpi ne, %rem3A_221, %ne3A_223 : vector<16xi32>
      %lt3A = arith.constant 0 : i32
      %lt3A_225 = vector.broadcast %lt3A : i32 to vector<16xi32>
      %lt3A_226 = arith.cmpi slt, %rem3A_221, %lt3A_225 : vector<16xi32>
      %lt3A_227 = arith.constant 0 : i32
      %lt3A_228 = arith.cmpi slt, %select_n3A_219, %lt3A_227 : i32
      %ne3A_229 = vector.broadcast %lt3A_228 : i1 to vector<16xi1>
      %ne3A_230 = vector.broadcast %ne3A_229 : vector<16xi1> to vector<16xi1>
      %ne3A_231 = arith.xori %lt3A_226, %ne3A_230 : vector<16xi1>
      %and3A_232 = arith.andi %ne3A_231, %ne3A_224 : vector<16xi1>
      %add3A_233 = vector.broadcast %select_n3A_219 : i32 to vector<16xi32>
      %add3A_234 = arith.addi %rem3A_221, %add3A_233 : vector<16xi32>
      %select_n3A_235 = arith.select %and3A_232, %add3A_234, %rem3A_221 : vector<16xi1>, vector<16xi32>
      %mul3A_236 = arith.constant 32 : i32
      %mul3A_237 = vector.broadcast %mul3A_236 : i32 to vector<16xi32>
      %mul3A_238 = arith.muli %select_n3A_235, %mul3A_237 : vector<16xi32>
      %mul3A_239 = arith.constant 16 : i32
      %mul3A_240 = arith.muli %scan3A_186, %mul3A_239 : i32
      %swap3A_241 = arith.index_cast %mul3A_240 : i32 to index
      %swap3A_242 = tpu.vector_load %arg12[%swap3A_241] {strides = array<i32>} : memref<32xi32, #tpu.memory_space<vmem>>, vector<16xi32>,
      tpu.vector_store %arg12[%swap3A_241], %mul3A_238 {strides = array<i32>} : memref<32xi32, #tpu.memory_space<vmem>>, vector<16xi32>,
    }
    %scan3A_7 = arith.constant 2 : i32
    %dma_start3A = arith.constant 0 : i32
    %dma_start3A_8 = arith.constant 0 : i32
    %dma_start3A_9 = tpu.memref_slice %arg3[%dma_start3A, %dma_start3A_8] : memref<12500x128xi32, #tpu.memory_space<hbm>> -> memref<12500x128xi32, #tpu.memory_space<hbm>>
    tpu.enqueue_indirect_dma source(%dma_start3A_9 : memref<12500x128xi32, #tpu.memory_space<hbm>>) target(%arg13 : memref<32x128xi32, #tpu.memory_space<vmem>>) offsets(%arg11 : memref<32xi32, #tpu.memory_space<vmem>>) semaphore(%arg26 : memref<!tpu.dma_semaphore, #tpu.memory_space<semaphore_mem>>)
    %dma_wait3A = arith.constant 0 : i32
    %dma_wait3A_10 = arith.constant 0 : i32
    %dma_wait3A_11 = tpu.memref_slice %arg3[%dma_wait3A, %dma_wait3A_10] : memref<12500x128xi32, #tpu.memory_space<hbm>> -> memref<12500x128xi32, #tpu.memory_space<hbm>>
    tpu.wait_indirect_dma semaphore(%arg26 : memref<!tpu.dma_semaphore, #tpu.memory_space<semaphore_mem>>) src(%dma_wait3A_11 : memref<12500x128xi32, #tpu.memory_space<hbm>>) dst(%arg13 : memref<32x128xi32, #tpu.memory_space<vmem>>)
    %mul3A_12 = arith.constant 320 : i32
    %mul3A_13 = arith.muli %add3A, %mul3A_12 : i32
    "tpu.region"() ({
      %run_scoped3A = tpu.sem_alloc : memref<!tpu.dma_semaphore, #tpu.memory_space<semaphore_mem>>
      %dma_start3A_186 = tpu.memref_slice %arg5[%mul3A_13] : memref<10240xi32, #tpu.memory_space<hbm>> -> memref<320xi32, #tpu.memory_space<hbm>>
      %dma_start3A_187 = tpu.memref_slice %arg5[%mul3A_13] : memref<10240xi32, #tpu.memory_space<hbm>> -> memref<320xi32, #tpu.memory_space<hbm>>
      tpu.enqueue_dma source(%dma_start3A_187 : memref<320xi32, #tpu.memory_space<hbm>>) target(%arg14 : memref<320xi32, #tpu.memory_space<vmem>>) target_semaphore(%run_scoped3A : memref<!tpu.dma_semaphore, #tpu.memory_space<semaphore_mem>>)
      %dma_wait3A_188 = tpu.memref_slice %arg5[%mul3A_13] : memref<10240xi32, #tpu.memory_space<hbm>> -> memref<320xi32, #tpu.memory_space<hbm>>
      %dma_wait3A_189 = tpu.memref_slice %arg5[%mul3A_13] : memref<10240xi32, #tpu.memory_space<hbm>> -> memref<320xi32, #tpu.memory_space<hbm>>
      tpu.wait_dma2 semaphore(%run_scoped3A : memref<!tpu.dma_semaphore, #tpu.memory_space<semaphore_mem>>) src(%dma_wait3A_189 : memref<320xi32, #tpu.memory_space<hbm>>) dst(%arg14 : memref<320xi32, #tpu.memory_space<vmem>>)
      tpu.yield
    }) : () -> ()
    %scan3A_14 = arith.constant 0 : i32
    %scan3A_15 = arith.constant 0 : i32
    %scan3A_16 = arith.constant 20 : i32
    %scan3A_17 = arith.addi %scan3A_15, %scan3A_16 : i32
    %scan3A_18 = arith.constant 1 : i32
    scf.for %scan3A_186 = %scan3A_15 to %scan3A_17 step %scan3A_18  : i32 {
      %mul3A_187 = arith.constant 16 : i32
      %mul3A_188 = arith.muli %scan3A_186, %mul3A_187 : i32
      %add3A_189 = vector.broadcast %mul3A_188 : i32 to vector<16xi32>
      %add3A_190 = arith.addi %add3A_189, %iota3A : vector<16xi32>
      %jit3A = arith.constant 10 : i32
      %div3A = vector.broadcast %jit3A : i32 to vector<16xi32>
      %div3A_191 = arith.divsi %add3A_190, %div3A : vector<16xi32>
      %sign3A = arith.constant 0 : i32
      %sign3A_192 = vector.broadcast %sign3A : i32 to vector<16xi32>
      %sign3A_193 = arith.cmpi sgt, %add3A_190, %sign3A_192 : vector<16xi32>
      %sign3A_194 = arith.extui %sign3A_193 : vector<16xi1> to vector<16xi32>
      %sign3A_195 = arith.constant 0 : i32
      %sign3A_196 = vector.broadcast %sign3A_195 : i32 to vector<16xi32>
      %sign3A_197 = arith.cmpi slt, %add3A_190, %sign3A_196 : vector<16xi32>
      %sign3A_198 = arith.extui %sign3A_197 : vector<16xi1> to vector<16xi32>
      %sign3A_199 = arith.subi %sign3A_194, %sign3A_198 : vector<16xi32>
      %sign3A_200 = arith.constant 0 : i32
      %sign3A_201 = arith.cmpi sgt, %jit3A, %sign3A_200 : i32
      %sign3A_202 = arith.extui %sign3A_201 : i1 to i32
      %sign3A_203 = arith.constant 0 : i32
      %sign3A_204 = arith.cmpi slt, %jit3A, %sign3A_203 : i32
      %sign3A_205 = arith.extui %sign3A_204 : i1 to i32
      %sign3A_206 = arith.subi %sign3A_202, %sign3A_205 : i32
      %ne3A = vector.broadcast %sign3A_206 : i32 to vector<16xi32>
      %ne3A_207 = arith.cmpi ne, %sign3A_199, %ne3A : vector<16xi32>
      %rem3A = vector.broadcast %jit3A : i32 to vector<16xi32>
      %rem3A_208 = arith.remsi %add3A_190, %rem3A : vector<16xi32>
      %ne3A_209 = arith.constant 0 : i32
      %ne3A_210 = vector.broadcast %ne3A_209 : i32 to vector<16xi32>
      %ne3A_211 = arith.cmpi ne, %rem3A_208, %ne3A_210 : vector<16xi32>
      %and3A = arith.andi %ne3A_207, %ne3A_211 : vector<16xi1>
      %sub3A = arith.constant 1 : i32
      %sub3A_212 = vector.broadcast %sub3A : i32 to vector<16xi32>
      %sub3A_213 = arith.subi %div3A_191, %sub3A_212 : vector<16xi32>
      %select_n3A = arith.select %and3A, %sub3A_213, %div3A_191 : vector<16xi1>, vector<16xi32>
      %mul3A_214 = arith.constant 16 : i32
      %mul3A_215 = arith.muli %scan3A_186, %mul3A_214 : i32
      %get3A = arith.index_cast %mul3A_215 : i32 to index
      %get3A_216 = tpu.vector_load %arg14[%get3A] {strides = array<i32>} : memref<320xi32, #tpu.memory_space<vmem>>, vector<16xi32>,
      %gather3A = tpu.vector_load_idx %arg12[%select_n3A] : memref<32xi32, #tpu.memory_space<vmem>>[vector<16xi32>], vector<16xi32>,
      %add3A_217 = arith.addi %get3A_216, %gather3A : vector<16xi32>
      %gather3A_218 = tpu.vector_load_idx %arg13[%select_n3A, %add3A_217] : memref<32x128xi32, #tpu.memory_space<vmem>>[vector<16xi32>, vector<16xi32>], vector<16xi32>,
      %mul3A_219 = arith.constant 16 : i32
      %mul3A_220 = arith.muli %scan3A_186, %mul3A_219 : i32
      %swap3A = arith.index_cast %mul3A_220 : i32 to index
      %swap3A_221 = tpu.vector_load %arg15[%swap3A] {strides = array<i32>} : memref<320xi32, #tpu.memory_space<vmem>>, vector<16xi32>,
      tpu.vector_store %arg15[%swap3A], %gather3A_218 {strides = array<i32>} : memref<320xi32, #tpu.memory_space<vmem>>, vector<16xi32>,
    }
    %scan3A_19 = arith.constant 20 : i32
    %scan3A_20 = arith.constant 0 : i32
    %scan3A_21 = arith.constant 0 : i32
    %scan3A_22 = arith.constant 20 : i32
    %scan3A_23 = arith.addi %scan3A_21, %scan3A_22 : i32
    %scan3A_24 = arith.constant 1 : i32
    scf.for %scan3A_186 = %scan3A_21 to %scan3A_23 step %scan3A_24  : i32 {
      %mul3A_187 = arith.constant 16 : i32
      %mul3A_188 = arith.muli %scan3A_186, %mul3A_187 : i32
      %get3A = arith.index_cast %mul3A_188 : i32 to index
      %get3A_189 = tpu.vector_load %arg15[%get3A] {strides = array<i32>} : memref<320xi32, #tpu.memory_space<vmem>>, vector<16xi32>,
      %jit3A = arith.constant 4 : i32
      %div3A = vector.broadcast %jit3A : i32 to vector<16xi32>
      %div3A_190 = arith.divsi %get3A_189, %div3A : vector<16xi32>
      %sign3A = arith.constant 0 : i32
      %sign3A_191 = vector.broadcast %sign3A : i32 to vector<16xi32>
      %sign3A_192 = arith.cmpi sgt, %get3A_189, %sign3A_191 : vector<16xi32>
      %sign3A_193 = arith.extui %sign3A_192 : vector<16xi1> to vector<16xi32>
      %sign3A_194 = arith.constant 0 : i32
      %sign3A_195 = vector.broadcast %sign3A_194 : i32 to vector<16xi32>
      %sign3A_196 = arith.cmpi slt, %get3A_189, %sign3A_195 : vector<16xi32>
      %sign3A_197 = arith.extui %sign3A_196 : vector<16xi1> to vector<16xi32>
      %sign3A_198 = arith.subi %sign3A_193, %sign3A_197 : vector<16xi32>
      %sign3A_199 = arith.constant 0 : i32
      %sign3A_200 = arith.cmpi sgt, %jit3A, %sign3A_199 : i32
      %sign3A_201 = arith.extui %sign3A_200 : i1 to i32
      %sign3A_202 = arith.constant 0 : i32
      %sign3A_203 = arith.cmpi slt, %jit3A, %sign3A_202 : i32
      %sign3A_204 = arith.extui %sign3A_203 : i1 to i32
      %sign3A_205 = arith.subi %sign3A_201, %sign3A_204 : i32
      %ne3A = vector.broadcast %sign3A_205 : i32 to vector<16xi32>
      %ne3A_206 = arith.cmpi ne, %sign3A_198, %ne3A : vector<16xi32>
      %rem3A = vector.broadcast %jit3A : i32 to vector<16xi32>
      %rem3A_207 = arith.remsi %get3A_189, %rem3A : vector<16xi32>
      %ne3A_208 = arith.constant 0 : i32
      %ne3A_209 = vector.broadcast %ne3A_208 : i32 to vector<16xi32>
      %ne3A_210 = arith.cmpi ne, %rem3A_207, %ne3A_209 : vector<16xi32>
      %and3A = arith.andi %ne3A_206, %ne3A_210 : vector<16xi1>
      %sub3A = arith.constant 1 : i32
      %sub3A_211 = vector.broadcast %sub3A : i32 to vector<16xi32>
      %sub3A_212 = arith.subi %div3A_190, %sub3A_211 : vector<16xi32>
      %select_n3A = arith.select %and3A, %sub3A_212, %div3A_190 : vector<16xi1>, vector<16xi32>
      %mul3A_213 = arith.constant 16 : i32
      %mul3A_214 = arith.muli %scan3A_186, %mul3A_213 : i32
      %swap3A = arith.index_cast %mul3A_214 : i32 to index
      %swap3A_215 = tpu.vector_load %arg16[%swap3A] {strides = array<i32>} : memref<320xi32, #tpu.memory_space<vmem>>, vector<16xi32>,
      tpu.vector_store %arg16[%swap3A], %select_n3A {strides = array<i32>} : memref<320xi32, #tpu.memory_space<vmem>>, vector<16xi32>,
      %jit3A_216 = arith.constant 4 : i32
      %eq3A = arith.constant 0 : i32
      %eq3A_217 = arith.cmpi eq, %jit3A_216, %eq3A : i32
      %jit3A_218 = arith.constant 1 : i32
      %select_n3A_219 = arith.select %eq3A_217, %jit3A_218, %jit3A_216 : i32
      %rem3A_220 = vector.broadcast %select_n3A_219 : i32 to vector<16xi32>
      %rem3A_221 = arith.remsi %get3A_189, %rem3A_220 : vector<16xi32>
      %ne3A_222 = arith.constant 0 : i32
      %ne3A_223 = vector.broadcast %ne3A_222 : i32 to vector<16xi32>
      %ne3A_224 = arith.cmpi ne, %rem3A_221, %ne3A_223 : vector<16xi32>
      %lt3A = arith.constant 0 : i32
      %lt3A_225 = vector.broadcast %lt3A : i32 to vector<16xi32>
      %lt3A_226 = arith.cmpi slt, %rem3A_221, %lt3A_225 : vector<16xi32>
      %lt3A_227 = arith.constant 0 : i32
      %lt3A_228 = arith.cmpi slt, %select_n3A_219, %lt3A_227 : i32
      %ne3A_229 = vector.broadcast %lt3A_228 : i1 to vector<16xi1>
      %ne3A_230 = vector.broadcast %ne3A_229 : vector<16xi1> to vector<16xi1>
      %ne3A_231 = arith.xori %lt3A_226, %ne3A_230 : vector<16xi1>
      %and3A_232 = arith.andi %ne3A_231, %ne3A_224 : vector<16xi1>
      %add3A_233 = vector.broadcast %select_n3A_219 : i32 to vector<16xi32>
      %add3A_234 = arith.addi %rem3A_221, %add3A_233 : vector<16xi32>
      %select_n3A_235 = arith.select %and3A_232, %add3A_234, %rem3A_221 : vector<16xi1>, vector<16xi32>
      %mul3A_236 = arith.constant 32 : i32
      %mul3A_237 = vector.broadcast %mul3A_236 : i32 to vector<16xi32>
      %mul3A_238 = arith.muli %select_n3A_235, %mul3A_237 : vector<16xi32>
      %mul3A_239 = arith.constant 16 : i32
      %mul3A_240 = arith.muli %scan3A_186, %mul3A_239 : i32
      %swap3A_241 = arith.index_cast %mul3A_240 : i32 to index
      %swap3A_242 = tpu.vector_load %arg17[%swap3A_241] {strides = array<i32>} : memref<320xi32, #tpu.memory_space<vmem>>, vector<16xi32>,
      tpu.vector_store %arg17[%swap3A_241], %mul3A_238 {strides = array<i32>} : memref<320xi32, #tpu.memory_space<vmem>>, vector<16xi32>,
    }
    %scan3A_25 = arith.constant 20 : i32
    %dma_start3A_26 = arith.constant 0 : i32
    %dma_start3A_27 = arith.constant 0 : i32
    %dma_start3A_28 = tpu.memref_slice %arg21[%dma_start3A_26, %dma_start3A_27] : memref<200x256xf32, #tpu.memory_space<vmem>> -> memref<32x256xf32, #tpu.memory_space<vmem>>
    %dma_start3A_29 = arith.constant 0 : i32
    %dma_start3A_30 = arith.constant 0 : i32
    %dma_start3A_31 = tpu.memref_slice %arg4[%dma_start3A_29, %dma_start3A_30] : memref<50000x256xf32, #tpu.memory_space<hbm>> -> memref<50000x256xf32, #tpu.memory_space<hbm>>
    tpu.enqueue_indirect_dma source(%dma_start3A_31 : memref<50000x256xf32, #tpu.memory_space<hbm>>) target(%dma_start3A_28 : memref<32x256xf32, #tpu.memory_space<vmem>>) offsets(%arg10 : memref<32xi32, #tpu.memory_space<vmem>>) semaphore(%arg24 : memref<!tpu.dma_semaphore, #tpu.memory_space<semaphore_mem>>)
    %dma_start3A_32 = arith.constant 0 : i32
    %dma_start3A_33 = arith.constant 0 : i32
    %dma_start3A_34 = tpu.memref_slice %arg22[%dma_start3A_32, %dma_start3A_33] : memref<200x256xf32, #tpu.memory_space<vmem>> -> memref<80x256xf32, #tpu.memory_space<vmem>>
    %dma_start3A_35 = arith.constant 0 : i32
    %dma_start3A_36 = tpu.memref_slice %arg15[%dma_start3A_35] : memref<320xi32, #tpu.memory_space<vmem>> -> memref<80xi32, #tpu.memory_space<vmem>>
    %dma_start3A_37 = arith.constant 0 : i32
    %dma_start3A_38 = arith.constant 0 : i32
    %dma_start3A_39 = tpu.memref_slice %arg4[%dma_start3A_37, %dma_start3A_38] : memref<50000x256xf32, #tpu.memory_space<hbm>> -> memref<50000x256xf32, #tpu.memory_space<hbm>>
    tpu.enqueue_indirect_dma source(%dma_start3A_39 : memref<50000x256xf32, #tpu.memory_space<hbm>>) target(%dma_start3A_34 : memref<80x256xf32, #tpu.memory_space<vmem>>) offsets(%dma_start3A_36 : memref<80xi32, #tpu.memory_space<vmem>>) semaphore(%arg25 : memref<!tpu.dma_semaphore, #tpu.memory_space<semaphore_mem>>)
    %scan3A_40 = arith.constant 0 : i32
    %scan3A_41 = arith.constant 0 : i32
    %scan3A_42 = arith.constant 4 : i32
    %scan3A_43 = arith.addi %scan3A_41, %scan3A_42 : i32
    %scan3A_44 = arith.constant 1 : i32
    scf.for %scan3A_186 = %scan3A_41 to %scan3A_43 step %scan3A_44  : i32 {
      %mul3A_187 = arith.constant 80 : i32
      %mul3A_188 = arith.muli %scan3A_186, %mul3A_187 : i32
      %dma_start3A_189 = tpu.memref_slice %arg16[%mul3A_188] : memref<320xi32, #tpu.memory_space<vmem>> -> memref<80xi32, #tpu.memory_space<vmem>>
      %dma_start3A_190 = arith.constant 0 : i32
      %dma_start3A_191 = arith.constant 0 : i32
      %dma_start3A_192 = tpu.memref_slice %arg3[%dma_start3A_190, %dma_start3A_191] : memref<12500x128xi32, #tpu.memory_space<hbm>> -> memref<12500x128xi32, #tpu.memory_space<hbm>>
      tpu.enqueue_indirect_dma source(%dma_start3A_192 : memref<12500x128xi32, #tpu.memory_space<hbm>>) target(%arg18 : memref<80x128xi32, #tpu.memory_space<vmem>>) offsets(%dma_start3A_189 : memref<80xi32, #tpu.memory_space<vmem>>) semaphore(%arg26 : memref<!tpu.dma_semaphore, #tpu.memory_space<semaphore_mem>>)
      %dma_wait3A_193 = tpu.memref_slice %arg16[%mul3A_188] : memref<320xi32, #tpu.memory_space<vmem>> -> memref<80xi32, #tpu.memory_space<vmem>>
      %dma_wait3A_194 = arith.constant 0 : i32
      %dma_wait3A_195 = arith.constant 0 : i32
      %dma_wait3A_196 = tpu.memref_slice %arg3[%dma_wait3A_194, %dma_wait3A_195] : memref<12500x128xi32, #tpu.memory_space<hbm>> -> memref<12500x128xi32, #tpu.memory_space<hbm>>
      tpu.wait_indirect_dma semaphore(%arg26 : memref<!tpu.dma_semaphore, #tpu.memory_space<semaphore_mem>>) src(%dma_wait3A_196 : memref<12500x128xi32, #tpu.memory_space<hbm>>) dst(%arg18 : memref<80x128xi32, #tpu.memory_space<vmem>>)
      %mul3A_197 = arith.constant 8000 : i32
      %mul3A_198 = arith.muli %add3A, %mul3A_197 : i32
      %mul3A_199 = arith.constant 2000 : i32
      %mul3A_200 = arith.muli %scan3A_186, %mul3A_199 : i32
      %add3A_201 = arith.addi %mul3A_198, %mul3A_200 : i32
      "tpu.region"() ({
        %run_scoped3A = tpu.sem_alloc : memref<!tpu.dma_semaphore, #tpu.memory_space<semaphore_mem>>
        %dma_start3A_208 = tpu.memref_slice %arg6[%add3A_201] : memref<256000xi32, #tpu.memory_space<hbm>> -> memref<2000xi32, #tpu.memory_space<hbm>>
        %dma_start3A_209 = tpu.memref_slice %arg6[%add3A_201] : memref<256000xi32, #tpu.memory_space<hbm>> -> memref<2000xi32, #tpu.memory_space<hbm>>
        tpu.enqueue_dma source(%dma_start3A_209 : memref<2000xi32, #tpu.memory_space<hbm>>) target(%arg19 : memref<2000xi32, #tpu.memory_space<vmem>>) target_semaphore(%run_scoped3A : memref<!tpu.dma_semaphore, #tpu.memory_space<semaphore_mem>>)
        %dma_wait3A_210 = tpu.memref_slice %arg6[%add3A_201] : memref<256000xi32, #tpu.memory_space<hbm>> -> memref<2000xi32, #tpu.memory_space<hbm>>
        %dma_wait3A_211 = tpu.memref_slice %arg6[%add3A_201] : memref<256000xi32, #tpu.memory_space<hbm>> -> memref<2000xi32, #tpu.memory_space<hbm>>
        tpu.wait_dma2 semaphore(%run_scoped3A : memref<!tpu.dma_semaphore, #tpu.memory_space<semaphore_mem>>) src(%dma_wait3A_211 : memref<2000xi32, #tpu.memory_space<hbm>>) dst(%arg19 : memref<2000xi32, #tpu.memory_space<vmem>>)
        tpu.yield
      }) : () -> ()
      %scan3A_202 = arith.constant 0 : i32
      %scan3A_203 = arith.constant 0 : i32
      %scan3A_204 = arith.constant 125 : i32
      %scan3A_205 = arith.addi %scan3A_203, %scan3A_204 : i32
      %scan3A_206 = arith.constant 1 : i32
      scf.for %scan3A_208 = %scan3A_203 to %scan3A_205 step %scan3A_206  : i32 {
        %mul3A_209 = arith.constant 2000 : i32
        %mul3A_210 = arith.muli %scan3A_186, %mul3A_209 : i32
        %mul3A_211 = arith.constant 16 : i32
        %mul3A_212 = arith.muli %scan3A_208, %mul3A_211 : i32
        %add3A_213 = arith.addi %mul3A_210, %mul3A_212 : i32
        %add3A_214 = vector.broadcast %add3A_213 : i32 to vector<16xi32>
        %add3A_215 = arith.addi %add3A_214, %iota3A : vector<16xi32>
        %jit3A = arith.constant 25 : i32
        %div3A = vector.broadcast %jit3A : i32 to vector<16xi32>
        %div3A_216 = arith.divsi %add3A_215, %div3A : vector<16xi32>
        %sign3A = arith.constant 0 : i32
        %sign3A_217 = vector.broadcast %sign3A : i32 to vector<16xi32>
        %sign3A_218 = arith.cmpi sgt, %add3A_215, %sign3A_217 : vector<16xi32>
        %sign3A_219 = arith.extui %sign3A_218 : vector<16xi1> to vector<16xi32>
        %sign3A_220 = arith.constant 0 : i32
        %sign3A_221 = vector.broadcast %sign3A_220 : i32 to vector<16xi32>
        %sign3A_222 = arith.cmpi slt, %add3A_215, %sign3A_221 : vector<16xi32>
        %sign3A_223 = arith.extui %sign3A_222 : vector<16xi1> to vector<16xi32>
        %sign3A_224 = arith.subi %sign3A_219, %sign3A_223 : vector<16xi32>
        %sign3A_225 = arith.constant 0 : i32
        %sign3A_226 = arith.cmpi sgt, %jit3A, %sign3A_225 : i32
        %sign3A_227 = arith.extui %sign3A_226 : i1 to i32
        %sign3A_228 = arith.constant 0 : i32
        %sign3A_229 = arith.cmpi slt, %jit3A, %sign3A_228 : i32
        %sign3A_230 = arith.extui %sign3A_229 : i1 to i32
        %sign3A_231 = arith.subi %sign3A_227, %sign3A_230 : i32
        %ne3A = vector.broadcast %sign3A_231 : i32 to vector<16xi32>
        %ne3A_232 = arith.cmpi ne, %sign3A_224, %ne3A : vector<16xi32>
        %rem3A = vector.broadcast %jit3A : i32 to vector<16xi32>
        %rem3A_233 = arith.remsi %add3A_215, %rem3A : vector<16xi32>
        %ne3A_234 = arith.constant 0 : i32
        %ne3A_235 = vector.broadcast %ne3A_234 : i32 to vector<16xi32>
        %ne3A_236 = arith.cmpi ne, %rem3A_233, %ne3A_235 : vector<16xi32>
        %and3A = arith.andi %ne3A_232, %ne3A_236 : vector<16xi1>
        %sub3A = arith.constant 1 : i32
        %sub3A_237 = vector.broadcast %sub3A : i32 to vector<16xi32>
        %sub3A_238 = arith.subi %div3A_216, %sub3A_237 : vector<16xi32>
        %select_n3A = arith.select %and3A, %sub3A_238, %div3A_216 : vector<16xi1>, vector<16xi32>
        %mul3A_239 = arith.constant 16 : i32
        %mul3A_240 = arith.muli %scan3A_208, %mul3A_239 : i32
        %get3A = arith.index_cast %mul3A_240 : i32 to index
        %get3A_241 = tpu.vector_load %arg19[%get3A] {strides = array<i32>} : memref<2000xi32, #tpu.memory_space<vmem>>, vector<16xi32>,
        %gather3A = tpu.vector_load_idx %arg17[%select_n3A] : memref<320xi32, #tpu.memory_space<vmem>>[vector<16xi32>], vector<16xi32>,
        %add3A_242 = arith.addi %get3A_241, %gather3A : vector<16xi32>
        %mul3A_243 = arith.constant 80 : i32
        %mul3A_244 = arith.muli %scan3A_186, %mul3A_243 : i32
        %sub3A_245 = vector.broadcast %mul3A_244 : i32 to vector<16xi32>
        %sub3A_246 = arith.subi %select_n3A, %sub3A_245 : vector<16xi32>
        %gather3A_247 = tpu.vector_load_idx %arg18[%sub3A_246, %add3A_242] : memref<80x128xi32, #tpu.memory_space<vmem>>[vector<16xi32>, vector<16xi32>], vector<16xi32>,
        %mul3A_248 = arith.constant 2000 : i32
        %mul3A_249 = arith.muli %scan3A_186, %mul3A_248 : i32
        %mul3A_250 = arith.constant 16 : i32
        %mul3A_251 = arith.muli %scan3A_208, %mul3A_250 : i32
        %add3A_252 = arith.addi %mul3A_249, %mul3A_251 : i32
        %swap3A = arith.index_cast %add3A_252 : i32 to index
        %swap3A_253 = tpu.vector_load %arg20[%swap3A] {strides = array<i32>} : memref<8000xi32, #tpu.memory_space<vmem>>, vector<16xi32>,
        tpu.vector_store %arg20[%swap3A], %gather3A_247 {strides = array<i32>} : memref<8000xi32, #tpu.memory_space<vmem>>, vector<16xi32>,
      }
      %scan3A_207 = arith.constant 125 : i32
    }
    %scan3A_45 = arith.constant 4 : i32
    %dma_wait3A_46 = arith.constant 0 : i32
    %dma_wait3A_47 = arith.constant 0 : i32
    %dma_wait3A_48 = tpu.memref_slice %arg21[%dma_wait3A_46, %dma_wait3A_47] : memref<200x256xf32, #tpu.memory_space<vmem>> -> memref<32x256xf32, #tpu.memory_space<vmem>>
    %dma_wait3A_49 = arith.constant 0 : i32
    %dma_wait3A_50 = arith.constant 0 : i32
    %dma_wait3A_51 = tpu.memref_slice %arg4[%dma_wait3A_49, %dma_wait3A_50] : memref<50000x256xf32, #tpu.memory_space<hbm>> -> memref<32x256xf32, #tpu.memory_space<hbm>>
    %dma_wait3A_52 = arith.constant 0 : i32
    %dma_wait3A_53 = arith.constant 0 : i32
    %dma_wait3A_54 = tpu.memref_slice %arg21[%dma_wait3A_52, %dma_wait3A_53] : memref<200x256xf32, #tpu.memory_space<vmem>> -> memref<32x256xf32, #tpu.memory_space<vmem>>
    %dma_wait3A_55 = arith.constant 0 : i32
    %dma_wait3A_56 = arith.constant 0 : i32
    %dma_wait3A_57 = tpu.memref_slice %arg4[%dma_wait3A_55, %dma_wait3A_56] : memref<50000x256xf32, #tpu.memory_space<hbm>> -> memref<32x256xf32, #tpu.memory_space<hbm>>
    tpu.wait_dma2 semaphore(%arg24 : memref<!tpu.dma_semaphore, #tpu.memory_space<semaphore_mem>>) src(%dma_wait3A_57 : memref<32x256xf32, #tpu.memory_space<hbm>>) dst(%dma_wait3A_54 : memref<32x256xf32, #tpu.memory_space<vmem>>)
    %mul3A_58 = arith.constant 32 : i32
    %mul3A_59 = arith.muli %add3A, %mul3A_58 : i32
    "tpu.region"() ({
      %run_scoped3A = tpu.sem_alloc : memref<!tpu.dma_semaphore, #tpu.memory_space<semaphore_mem>>
      %dma_start3A_186 = arith.constant 0 : i32
      %dma_start3A_187 = arith.constant 0 : i32
      %dma_start3A_188 = tpu.memref_slice %arg21[%dma_start3A_186, %dma_start3A_187] : memref<200x256xf32, #tpu.memory_space<vmem>> -> memref<32x256xf32, #tpu.memory_space<vmem>>
      %dma_start3A_189 = arith.constant 0 : i32
      %dma_start3A_190 = tpu.memref_slice %arg7[%mul3A_59, %dma_start3A_189] : memref<1024x256xf32, #tpu.memory_space<hbm>> -> memref<32x256xf32, #tpu.memory_space<hbm>>
      %dma_start3A_191 = arith.constant 0 : i32
      %dma_start3A_192 = tpu.memref_slice %arg7[%mul3A_59, %dma_start3A_191] : memref<1024x256xf32, #tpu.memory_space<hbm>> -> memref<32x256xf32, #tpu.memory_space<hbm>>
      %dma_start3A_193 = arith.constant 0 : i32
      %dma_start3A_194 = arith.constant 0 : i32
      %dma_start3A_195 = tpu.memref_slice %arg21[%dma_start3A_193, %dma_start3A_194] : memref<200x256xf32, #tpu.memory_space<vmem>> -> memref<32x256xf32, #tpu.memory_space<vmem>>
      tpu.enqueue_dma source(%dma_start3A_195 : memref<32x256xf32, #tpu.memory_space<vmem>>) target(%dma_start3A_192 : memref<32x256xf32, #tpu.memory_space<hbm>>) target_semaphore(%run_scoped3A : memref<!tpu.dma_semaphore, #tpu.memory_space<semaphore_mem>>)
      %dma_wait3A_196 = arith.constant 0 : i32
      %dma_wait3A_197 = arith.constant 0 : i32
      %dma_wait3A_198 = tpu.memref_slice %arg21[%dma_wait3A_196, %dma_wait3A_197] : memref<200x256xf32, #tpu.memory_space<vmem>> -> memref<32x256xf32, #tpu.memory_space<vmem>>
      %dma_wait3A_199 = arith.constant 0 : i32
      %dma_wait3A_200 = tpu.memref_slice %arg7[%mul3A_59, %dma_wait3A_199] : memref<1024x256xf32, #tpu.memory_space<hbm>> -> memref<32x256xf32, #tpu.memory_space<hbm>>
      %dma_wait3A_201 = arith.constant 0 : i32
      %dma_wait3A_202 = tpu.memref_slice %arg7[%mul3A_59, %dma_wait3A_201] : memref<1024x256xf32, #tpu.memory_space<hbm>> -> memref<32x256xf32, #tpu.memory_space<hbm>>
      %dma_wait3A_203 = arith.constant 0 : i32
      %dma_wait3A_204 = arith.constant 0 : i32
      %dma_wait3A_205 = tpu.memref_slice %arg21[%dma_wait3A_203, %dma_wait3A_204] : memref<200x256xf32, #tpu.memory_space<vmem>> -> memref<32x256xf32, #tpu.memory_space<vmem>>
      tpu.wait_dma2 semaphore(%run_scoped3A : memref<!tpu.dma_semaphore, #tpu.memory_space<semaphore_mem>>) src(%dma_wait3A_205 : memref<32x256xf32, #tpu.memory_space<vmem>>) dst(%dma_wait3A_202 : memref<32x256xf32, #tpu.memory_space<hbm>>)
      tpu.yield
    }) : () -> ()
    %dma_start3A_60 = arith.constant 0 : i32
    %dma_start3A_61 = arith.constant 0 : i32
    %dma_start3A_62 = tpu.memref_slice %arg21[%dma_start3A_60, %dma_start3A_61] : memref<200x256xf32, #tpu.memory_space<vmem>> -> memref<80x256xf32, #tpu.memory_space<vmem>>
    %dma_start3A_63 = arith.constant 80 : i32
    %dma_start3A_64 = tpu.memref_slice %arg15[%dma_start3A_63] : memref<320xi32, #tpu.memory_space<vmem>> -> memref<80xi32, #tpu.memory_space<vmem>>
    %dma_start3A_65 = arith.constant 0 : i32
    %dma_start3A_66 = arith.constant 0 : i32
    %dma_start3A_67 = tpu.memref_slice %arg4[%dma_start3A_65, %dma_start3A_66] : memref<50000x256xf32, #tpu.memory_space<hbm>> -> memref<50000x256xf32, #tpu.memory_space<hbm>>
    tpu.enqueue_indirect_dma source(%dma_start3A_67 : memref<50000x256xf32, #tpu.memory_space<hbm>>) target(%dma_start3A_62 : memref<80x256xf32, #tpu.memory_space<vmem>>) offsets(%dma_start3A_64 : memref<80xi32, #tpu.memory_space<vmem>>) semaphore(%arg24 : memref<!tpu.dma_semaphore, #tpu.memory_space<semaphore_mem>>)
    %dma_wait3A_68 = arith.constant 0 : i32
    %dma_wait3A_69 = arith.constant 0 : i32
    %dma_wait3A_70 = tpu.memref_slice %arg22[%dma_wait3A_68, %dma_wait3A_69] : memref<200x256xf32, #tpu.memory_space<vmem>> -> memref<80x256xf32, #tpu.memory_space<vmem>>
    %dma_wait3A_71 = arith.constant 0 : i32
    %dma_wait3A_72 = arith.constant 0 : i32
    %dma_wait3A_73 = tpu.memref_slice %arg4[%dma_wait3A_71, %dma_wait3A_72] : memref<50000x256xf32, #tpu.memory_space<hbm>> -> memref<80x256xf32, #tpu.memory_space<hbm>>
    %dma_wait3A_74 = arith.constant 0 : i32
    %dma_wait3A_75 = arith.constant 0 : i32
    %dma_wait3A_76 = tpu.memref_slice %arg22[%dma_wait3A_74, %dma_wait3A_75] : memref<200x256xf32, #tpu.memory_space<vmem>> -> memref<80x256xf32, #tpu.memory_space<vmem>>
    %dma_wait3A_77 = arith.constant 0 : i32
    %dma_wait3A_78 = arith.constant 0 : i32
    %dma_wait3A_79 = tpu.memref_slice %arg4[%dma_wait3A_77, %dma_wait3A_78] : memref<50000x256xf32, #tpu.memory_space<hbm>> -> memref<80x256xf32, #tpu.memory_space<hbm>>
    tpu.wait_dma2 semaphore(%arg25 : memref<!tpu.dma_semaphore, #tpu.memory_space<semaphore_mem>>) src(%dma_wait3A_79 : memref<80x256xf32, #tpu.memory_space<hbm>>) dst(%dma_wait3A_76 : memref<80x256xf32, #tpu.memory_space<vmem>>)
    %mul3A_80 = arith.constant 320 : i32
    %mul3A_81 = arith.muli %add3A, %mul3A_80 : i32
    %add3A_82 = arith.constant 0 : i32
    %add3A_83 = arith.addi %mul3A_81, %add3A_82 : i32
    "tpu.region"() ({
      %run_scoped3A = tpu.sem_alloc : memref<!tpu.dma_semaphore, #tpu.memory_space<semaphore_mem>>
      %dma_start3A_186 = arith.constant 0 : i32
      %dma_start3A_187 = arith.constant 0 : i32
      %dma_start3A_188 = tpu.memref_slice %arg22[%dma_start3A_186, %dma_start3A_187] : memref<200x256xf32, #tpu.memory_space<vmem>> -> memref<80x256xf32, #tpu.memory_space<vmem>>
      %dma_start3A_189 = arith.constant 0 : i32
      %dma_start3A_190 = tpu.memref_slice %arg8[%add3A_83, %dma_start3A_189] : memref<10240x256xf32, #tpu.memory_space<hbm>> -> memref<80x256xf32, #tpu.memory_space<hbm>>
      %dma_start3A_191 = arith.constant 0 : i32
      %dma_start3A_192 = tpu.memref_slice %arg8[%add3A_83, %dma_start3A_191] : memref<10240x256xf32, #tpu.memory_space<hbm>> -> memref<80x256xf32, #tpu.memory_space<hbm>>
      %dma_start3A_193 = arith.constant 0 : i32
      %dma_start3A_194 = arith.constant 0 : i32
      %dma_start3A_195 = tpu.memref_slice %arg22[%dma_start3A_193, %dma_start3A_194] : memref<200x256xf32, #tpu.memory_space<vmem>> -> memref<80x256xf32, #tpu.memory_space<vmem>>
      tpu.enqueue_dma source(%dma_start3A_195 : memref<80x256xf32, #tpu.memory_space<vmem>>) target(%dma_start3A_192 : memref<80x256xf32, #tpu.memory_space<hbm>>) target_semaphore(%run_scoped3A : memref<!tpu.dma_semaphore, #tpu.memory_space<semaphore_mem>>)
      %dma_wait3A_196 = arith.constant 0 : i32
      %dma_wait3A_197 = arith.constant 0 : i32
      %dma_wait3A_198 = tpu.memref_slice %arg22[%dma_wait3A_196, %dma_wait3A_197] : memref<200x256xf32, #tpu.memory_space<vmem>> -> memref<80x256xf32, #tpu.memory_space<vmem>>
      %dma_wait3A_199 = arith.constant 0 : i32
      %dma_wait3A_200 = tpu.memref_slice %arg8[%add3A_83, %dma_wait3A_199] : memref<10240x256xf32, #tpu.memory_space<hbm>> -> memref<80x256xf32, #tpu.memory_space<hbm>>
      %dma_wait3A_201 = arith.constant 0 : i32
      %dma_wait3A_202 = tpu.memref_slice %arg8[%add3A_83, %dma_wait3A_201] : memref<10240x256xf32, #tpu.memory_space<hbm>> -> memref<80x256xf32, #tpu.memory_space<hbm>>
      %dma_wait3A_203 = arith.constant 0 : i32
      %dma_wait3A_204 = arith.constant 0 : i32
      %dma_wait3A_205 = tpu.memref_slice %arg22[%dma_wait3A_203, %dma_wait3A_204] : memref<200x256xf32, #tpu.memory_space<vmem>> -> memref<80x256xf32, #tpu.memory_space<vmem>>
      tpu.wait_dma2 semaphore(%run_scoped3A : memref<!tpu.dma_semaphore, #tpu.memory_space<semaphore_mem>>) src(%dma_wait3A_205 : memref<80x256xf32, #tpu.memory_space<vmem>>) dst(%dma_wait3A_202 : memref<80x256xf32, #tpu.memory_space<hbm>>)
      tpu.yield
    }) : () -> ()
    %dma_start3A_84 = arith.constant 0 : i32
    %dma_start3A_85 = arith.constant 0 : i32
    %dma_start3A_86 = tpu.memref_slice %arg22[%dma_start3A_84, %dma_start3A_85] : memref<200x256xf32, #tpu.memory_space<vmem>> -> memref<80x256xf32, #tpu.memory_space<vmem>>
    %dma_start3A_87 = arith.constant 160 : i32
    %dma_start3A_88 = tpu.memref_slice %arg15[%dma_start3A_87] : memref<320xi32, #tpu.memory_space<vmem>> -> memref<80xi32, #tpu.memory_space<vmem>>
    %dma_start3A_89 = arith.constant 0 : i32
    %dma_start3A_90 = arith.constant 0 : i32
    %dma_start3A_91 = tpu.memref_slice %arg4[%dma_start3A_89, %dma_start3A_90] : memref<50000x256xf32, #tpu.memory_space<hbm>> -> memref<50000x256xf32, #tpu.memory_space<hbm>>
    tpu.enqueue_indirect_dma source(%dma_start3A_91 : memref<50000x256xf32, #tpu.memory_space<hbm>>) target(%dma_start3A_86 : memref<80x256xf32, #tpu.memory_space<vmem>>) offsets(%dma_start3A_88 : memref<80xi32, #tpu.memory_space<vmem>>) semaphore(%arg25 : memref<!tpu.dma_semaphore, #tpu.memory_space<semaphore_mem>>)
    %dma_wait3A_92 = arith.constant 0 : i32
    %dma_wait3A_93 = arith.constant 0 : i32
    %dma_wait3A_94 = tpu.memref_slice %arg21[%dma_wait3A_92, %dma_wait3A_93] : memref<200x256xf32, #tpu.memory_space<vmem>> -> memref<80x256xf32, #tpu.memory_space<vmem>>
    %dma_wait3A_95 = arith.constant 0 : i32
    %dma_wait3A_96 = arith.constant 0 : i32
    %dma_wait3A_97 = tpu.memref_slice %arg4[%dma_wait3A_95, %dma_wait3A_96] : memref<50000x256xf32, #tpu.memory_space<hbm>> -> memref<80x256xf32, #tpu.memory_space<hbm>>
    %dma_wait3A_98 = arith.constant 0 : i32
    %dma_wait3A_99 = arith.constant 0 : i32
    %dma_wait3A_100 = tpu.memref_slice %arg21[%dma_wait3A_98, %dma_wait3A_99] : memref<200x256xf32, #tpu.memory_space<vmem>> -> memref<80x256xf32, #tpu.memory_space<vmem>>
    %dma_wait3A_101 = arith.constant 0 : i32
    %dma_wait3A_102 = arith.constant 0 : i32
    %dma_wait3A_103 = tpu.memref_slice %arg4[%dma_wait3A_101, %dma_wait3A_102] : memref<50000x256xf32, #tpu.memory_space<hbm>> -> memref<80x256xf32, #tpu.memory_space<hbm>>
    tpu.wait_dma2 semaphore(%arg24 : memref<!tpu.dma_semaphore, #tpu.memory_space<semaphore_mem>>) src(%dma_wait3A_103 : memref<80x256xf32, #tpu.memory_space<hbm>>) dst(%dma_wait3A_100 : memref<80x256xf32, #tpu.memory_space<vmem>>)
    %mul3A_104 = arith.constant 320 : i32
    %mul3A_105 = arith.muli %add3A, %mul3A_104 : i32
    %add3A_106 = arith.constant 80 : i32
    %add3A_107 = arith.addi %mul3A_105, %add3A_106 : i32
    "tpu.region"() ({
      %run_scoped3A = tpu.sem_alloc : memref<!tpu.dma_semaphore, #tpu.memory_space<semaphore_mem>>
      %dma_start3A_186 = arith.constant 0 : i32
      %dma_start3A_187 = arith.constant 0 : i32
      %dma_start3A_188 = tpu.memref_slice %arg21[%dma_start3A_186, %dma_start3A_187] : memref<200x256xf32, #tpu.memory_space<vmem>> -> memref<80x256xf32, #tpu.memory_space<vmem>>
      %dma_start3A_189 = arith.constant 0 : i32
      %dma_start3A_190 = tpu.memref_slice %arg8[%add3A_107, %dma_start3A_189] : memref<10240x256xf32, #tpu.memory_space<hbm>> -> memref<80x256xf32, #tpu.memory_space<hbm>>
      %dma_start3A_191 = arith.constant 0 : i32
      %dma_start3A_192 = tpu.memref_slice %arg8[%add3A_107, %dma_start3A_191] : memref<10240x256xf32, #tpu.memory_space<hbm>> -> memref<80x256xf32, #tpu.memory_space<hbm>>
      %dma_start3A_193 = arith.constant 0 : i32
      %dma_start3A_194 = arith.constant 0 : i32
      %dma_start3A_195 = tpu.memref_slice %arg21[%dma_start3A_193, %dma_start3A_194] : memref<200x256xf32, #tpu.memory_space<vmem>> -> memref<80x256xf32, #tpu.memory_space<vmem>>
      tpu.enqueue_dma source(%dma_start3A_195 : memref<80x256xf32, #tpu.memory_space<vmem>>) target(%dma_start3A_192 : memref<80x256xf32, #tpu.memory_space<hbm>>) target_semaphore(%run_scoped3A : memref<!tpu.dma_semaphore, #tpu.memory_space<semaphore_mem>>)
      %dma_wait3A_196 = arith.constant 0 : i32
      %dma_wait3A_197 = arith.constant 0 : i32
      %dma_wait3A_198 = tpu.memref_slice %arg21[%dma_wait3A_196, %dma_wait3A_197] : memref<200x256xf32, #tpu.memory_space<vmem>> -> memref<80x256xf32, #tpu.memory_space<vmem>>
      %dma_wait3A_199 = arith.constant 0 : i32
      %dma_wait3A_200 = tpu.memref_slice %arg8[%add3A_107, %dma_wait3A_199] : memref<10240x256xf32, #tpu.memory_space<hbm>> -> memref<80x256xf32, #tpu.memory_space<hbm>>
      %dma_wait3A_201 = arith.constant 0 : i32
      %dma_wait3A_202 = tpu.memref_slice %arg8[%add3A_107, %dma_wait3A_201] : memref<10240x256xf32, #tpu.memory_space<hbm>> -> memref<80x256xf32, #tpu.memory_space<hbm>>
      %dma_wait3A_203 = arith.constant 0 : i32
      %dma_wait3A_204 = arith.constant 0 : i32
      %dma_wait3A_205 = tpu.memref_slice %arg21[%dma_wait3A_203, %dma_wait3A_204] : memref<200x256xf32, #tpu.memory_space<vmem>> -> memref<80x256xf32, #tpu.memory_space<vmem>>
      tpu.wait_dma2 semaphore(%run_scoped3A : memref<!tpu.dma_semaphore, #tpu.memory_space<semaphore_mem>>) src(%dma_wait3A_205 : memref<80x256xf32, #tpu.memory_space<vmem>>) dst(%dma_wait3A_202 : memref<80x256xf32, #tpu.memory_space<hbm>>)
      tpu.yield
    }) : () -> ()
    %dma_start3A_108 = arith.constant 0 : i32
    %dma_start3A_109 = arith.constant 0 : i32
    %dma_start3A_110 = tpu.memref_slice %arg21[%dma_start3A_108, %dma_start3A_109] : memref<200x256xf32, #tpu.memory_space<vmem>> -> memref<80x256xf32, #tpu.memory_space<vmem>>
    %dma_start3A_111 = arith.constant 240 : i32
    %dma_start3A_112 = tpu.memref_slice %arg15[%dma_start3A_111] : memref<320xi32, #tpu.memory_space<vmem>> -> memref<80xi32, #tpu.memory_space<vmem>>
    %dma_start3A_113 = arith.constant 0 : i32
    %dma_start3A_114 = arith.constant 0 : i32
    %dma_start3A_115 = tpu.memref_slice %arg4[%dma_start3A_113, %dma_start3A_114] : memref<50000x256xf32, #tpu.memory_space<hbm>> -> memref<50000x256xf32, #tpu.memory_space<hbm>>
    tpu.enqueue_indirect_dma source(%dma_start3A_115 : memref<50000x256xf32, #tpu.memory_space<hbm>>) target(%dma_start3A_110 : memref<80x256xf32, #tpu.memory_space<vmem>>) offsets(%dma_start3A_112 : memref<80xi32, #tpu.memory_space<vmem>>) semaphore(%arg24 : memref<!tpu.dma_semaphore, #tpu.memory_space<semaphore_mem>>)
    %dma_wait3A_116 = arith.constant 0 : i32
    %dma_wait3A_117 = arith.constant 0 : i32
    %dma_wait3A_118 = tpu.memref_slice %arg22[%dma_wait3A_116, %dma_wait3A_117] : memref<200x256xf32, #tpu.memory_space<vmem>> -> memref<80x256xf32, #tpu.memory_space<vmem>>
    %dma_wait3A_119 = arith.constant 0 : i32
    %dma_wait3A_120 = arith.constant 0 : i32
    %dma_wait3A_121 = tpu.memref_slice %arg4[%dma_wait3A_119, %dma_wait3A_120] : memref<50000x256xf32, #tpu.memory_space<hbm>> -> memref<80x256xf32, #tpu.memory_space<hbm>>
    %dma_wait3A_122 = arith.constant 0 : i32
    %dma_wait3A_123 = arith.constant 0 : i32
    %dma_wait3A_124 = tpu.memref_slice %arg22[%dma_wait3A_122, %dma_wait3A_123] : memref<200x256xf32, #tpu.memory_space<vmem>> -> memref<80x256xf32, #tpu.memory_space<vmem>>
    %dma_wait3A_125 = arith.constant 0 : i32
    %dma_wait3A_126 = arith.constant 0 : i32
    %dma_wait3A_127 = tpu.memref_slice %arg4[%dma_wait3A_125, %dma_wait3A_126] : memref<50000x256xf32, #tpu.memory_space<hbm>> -> memref<80x256xf32, #tpu.memory_space<hbm>>
    tpu.wait_dma2 semaphore(%arg25 : memref<!tpu.dma_semaphore, #tpu.memory_space<semaphore_mem>>) src(%dma_wait3A_127 : memref<80x256xf32, #tpu.memory_space<hbm>>) dst(%dma_wait3A_124 : memref<80x256xf32, #tpu.memory_space<vmem>>)
    %mul3A_128 = arith.constant 320 : i32
    %mul3A_129 = arith.muli %add3A, %mul3A_128 : i32
    %add3A_130 = arith.constant 160 : i32
    %add3A_131 = arith.addi %mul3A_129, %add3A_130 : i32
    "tpu.region"() ({
      %run_scoped3A = tpu.sem_alloc : memref<!tpu.dma_semaphore, #tpu.memory_space<semaphore_mem>>
      %dma_start3A_186 = arith.constant 0 : i32
      %dma_start3A_187 = arith.constant 0 : i32
      %dma_start3A_188 = tpu.memref_slice %arg22[%dma_start3A_186, %dma_start3A_187] : memref<200x256xf32, #tpu.memory_space<vmem>> -> memref<80x256xf32, #tpu.memory_space<vmem>>
      %dma_start3A_189 = arith.constant 0 : i32
      %dma_start3A_190 = tpu.memref_slice %arg8[%add3A_131, %dma_start3A_189] : memref<10240x256xf32, #tpu.memory_space<hbm>> -> memref<80x256xf32, #tpu.memory_space<hbm>>
      %dma_start3A_191 = arith.constant 0 : i32
      %dma_start3A_192 = tpu.memref_slice %arg8[%add3A_131, %dma_start3A_191] : memref<10240x256xf32, #tpu.memory_space<hbm>> -> memref<80x256xf32, #tpu.memory_space<hbm>>
      %dma_start3A_193 = arith.constant 0 : i32
      %dma_start3A_194 = arith.constant 0 : i32
      %dma_start3A_195 = tpu.memref_slice %arg22[%dma_start3A_193, %dma_start3A_194] : memref<200x256xf32, #tpu.memory_space<vmem>> -> memref<80x256xf32, #tpu.memory_space<vmem>>
      tpu.enqueue_dma source(%dma_start3A_195 : memref<80x256xf32, #tpu.memory_space<vmem>>) target(%dma_start3A_192 : memref<80x256xf32, #tpu.memory_space<hbm>>) target_semaphore(%run_scoped3A : memref<!tpu.dma_semaphore, #tpu.memory_space<semaphore_mem>>)
      %dma_wait3A_196 = arith.constant 0 : i32
      %dma_wait3A_197 = arith.constant 0 : i32
      %dma_wait3A_198 = tpu.memref_slice %arg22[%dma_wait3A_196, %dma_wait3A_197] : memref<200x256xf32, #tpu.memory_space<vmem>> -> memref<80x256xf32, #tpu.memory_space<vmem>>
      %dma_wait3A_199 = arith.constant 0 : i32
      %dma_wait3A_200 = tpu.memref_slice %arg8[%add3A_131, %dma_wait3A_199] : memref<10240x256xf32, #tpu.memory_space<hbm>> -> memref<80x256xf32, #tpu.memory_space<hbm>>
      %dma_wait3A_201 = arith.constant 0 : i32
      %dma_wait3A_202 = tpu.memref_slice %arg8[%add3A_131, %dma_wait3A_201] : memref<10240x256xf32, #tpu.memory_space<hbm>> -> memref<80x256xf32, #tpu.memory_space<hbm>>
      %dma_wait3A_203 = arith.constant 0 : i32
      %dma_wait3A_204 = arith.constant 0 : i32
      %dma_wait3A_205 = tpu.memref_slice %arg22[%dma_wait3A_203, %dma_wait3A_204] : memref<200x256xf32, #tpu.memory_space<vmem>> -> memref<80x256xf32, #tpu.memory_space<vmem>>
      tpu.wait_dma2 semaphore(%run_scoped3A : memref<!tpu.dma_semaphore, #tpu.memory_space<semaphore_mem>>) src(%dma_wait3A_205 : memref<80x256xf32, #tpu.memory_space<vmem>>) dst(%dma_wait3A_202 : memref<80x256xf32, #tpu.memory_space<hbm>>)
      tpu.yield
    }) : () -> ()
    %dma_start3A_132 = arith.constant 0 : i32
    %dma_start3A_133 = arith.constant 0 : i32
    %dma_start3A_134 = tpu.memref_slice %arg22[%dma_start3A_132, %dma_start3A_133] : memref<200x256xf32, #tpu.memory_space<vmem>> -> memref<128x256xf32, #tpu.memory_space<vmem>>
    %dma_start3A_135 = arith.constant 0 : i32
    %dma_start3A_136 = tpu.memref_slice %arg20[%dma_start3A_135] : memref<8000xi32, #tpu.memory_space<vmem>> -> memref<128xi32, #tpu.memory_space<vmem>>
    %dma_start3A_137 = arith.constant 0 : i32
    %dma_start3A_138 = arith.constant 0 : i32
    %dma_start3A_139 = tpu.memref_slice %arg4[%dma_start3A_137, %dma_start3A_138] : memref<50000x256xf32, #tpu.memory_space<hbm>> -> memref<50000x256xf32, #tpu.memory_space<hbm>>
    tpu.enqueue_indirect_dma source(%dma_start3A_139 : memref<50000x256xf32, #tpu.memory_space<hbm>>) target(%dma_start3A_134 : memref<128x256xf32, #tpu.memory_space<vmem>>) offsets(%dma_start3A_136 : memref<128xi32, #tpu.memory_space<vmem>>) semaphore(%arg25 : memref<!tpu.dma_semaphore, #tpu.memory_space<semaphore_mem>>)
    %dma_start3A_140 = arith.constant 128 : i32
    %dma_start3A_141 = arith.constant 0 : i32
    %dma_start3A_142 = tpu.memref_slice %arg22[%dma_start3A_140, %dma_start3A_141] : memref<200x256xf32, #tpu.memory_space<vmem>> -> memref<72x256xf32, #tpu.memory_space<vmem>>
    %dma_start3A_143 = arith.constant 128 : i32
    %dma_start3A_144 = tpu.memref_slice %arg20[%dma_start3A_143] : memref<8000xi32, #tpu.memory_space<vmem>> -> memref<72xi32, #tpu.memory_space<vmem>>
    %dma_start3A_145 = arith.constant 0 : i32
    %dma_start3A_146 = arith.constant 0 : i32
    %dma_start3A_147 = tpu.memref_slice %arg4[%dma_start3A_145, %dma_start3A_146] : memref<50000x256xf32, #tpu.memory_space<hbm>> -> memref<50000x256xf32, #tpu.memory_space<hbm>>
    tpu.enqueue_indirect_dma source(%dma_start3A_147 : memref<50000x256xf32, #tpu.memory_space<hbm>>) target(%dma_start3A_142 : memref<72x256xf32, #tpu.memory_space<vmem>>) offsets(%dma_start3A_144 : memref<72xi32, #tpu.memory_space<vmem>>) semaphore(%arg25 : memref<!tpu.dma_semaphore, #tpu.memory_space<semaphore_mem>>)
    %dma_wait3A_148 = arith.constant 0 : i32
    %dma_wait3A_149 = arith.constant 0 : i32
    %dma_wait3A_150 = tpu.memref_slice %arg21[%dma_wait3A_148, %dma_wait3A_149] : memref<200x256xf32, #tpu.memory_space<vmem>> -> memref<80x256xf32, #tpu.memory_space<vmem>>
    %dma_wait3A_151 = arith.constant 0 : i32
    %dma_wait3A_152 = arith.constant 0 : i32
    %dma_wait3A_153 = tpu.memref_slice %arg4[%dma_wait3A_151, %dma_wait3A_152] : memref<50000x256xf32, #tpu.memory_space<hbm>> -> memref<80x256xf32, #tpu.memory_space<hbm>>
    %dma_wait3A_154 = arith.constant 0 : i32
    %dma_wait3A_155 = arith.constant 0 : i32
    %dma_wait3A_156 = tpu.memref_slice %arg21[%dma_wait3A_154, %dma_wait3A_155] : memref<200x256xf32, #tpu.memory_space<vmem>> -> memref<80x256xf32, #tpu.memory_space<vmem>>
    %dma_wait3A_157 = arith.constant 0 : i32
    %dma_wait3A_158 = arith.constant 0 : i32
    %dma_wait3A_159 = tpu.memref_slice %arg4[%dma_wait3A_157, %dma_wait3A_158] : memref<50000x256xf32, #tpu.memory_space<hbm>> -> memref<80x256xf32, #tpu.memory_space<hbm>>
    tpu.wait_dma2 semaphore(%arg24 : memref<!tpu.dma_semaphore, #tpu.memory_space<semaphore_mem>>) src(%dma_wait3A_159 : memref<80x256xf32, #tpu.memory_space<hbm>>) dst(%dma_wait3A_156 : memref<80x256xf32, #tpu.memory_space<vmem>>)
    %mul3A_160 = arith.constant 320 : i32
    %mul3A_161 = arith.muli %add3A, %mul3A_160 : i32
    %add3A_162 = arith.constant 240 : i32
    %add3A_163 = arith.addi %mul3A_161, %add3A_162 : i32
    "tpu.region"() ({
      %run_scoped3A = tpu.sem_alloc : memref<!tpu.dma_semaphore, #tpu.memory_space<semaphore_mem>>
      %dma_start3A_186 = arith.constant 0 : i32
      %dma_start3A_187 = arith.constant 0 : i32
      %dma_start3A_188 = tpu.memref_slice %arg21[%dma_start3A_186, %dma_start3A_187] : memref<200x256xf32, #tpu.memory_space<vmem>> -> memref<80x256xf32, #tpu.memory_space<vmem>>
      %dma_start3A_189 = arith.constant 0 : i32
      %dma_start3A_190 = tpu.memref_slice %arg8[%add3A_163, %dma_start3A_189] : memref<10240x256xf32, #tpu.memory_space<hbm>> -> memref<80x256xf32, #tpu.memory_space<hbm>>
      %dma_start3A_191 = arith.constant 0 : i32
      %dma_start3A_192 = tpu.memref_slice %arg8[%add3A_163, %dma_start3A_191] : memref<10240x256xf32, #tpu.memory_space<hbm>> -> memref<80x256xf32, #tpu.memory_space<hbm>>
      %dma_start3A_193 = arith.constant 0 : i32
      %dma_start3A_194 = arith.constant 0 : i32
      %dma_start3A_195 = tpu.memref_slice %arg21[%dma_start3A_193, %dma_start3A_194] : memref<200x256xf32, #tpu.memory_space<vmem>> -> memref<80x256xf32, #tpu.memory_space<vmem>>
      tpu.enqueue_dma source(%dma_start3A_195 : memref<80x256xf32, #tpu.memory_space<vmem>>) target(%dma_start3A_192 : memref<80x256xf32, #tpu.memory_space<hbm>>) target_semaphore(%run_scoped3A : memref<!tpu.dma_semaphore, #tpu.memory_space<semaphore_mem>>)
      %dma_wait3A_196 = arith.constant 0 : i32
      %dma_wait3A_197 = arith.constant 0 : i32
      %dma_wait3A_198 = tpu.memref_slice %arg21[%dma_wait3A_196, %dma_wait3A_197] : memref<200x256xf32, #tpu.memory_space<vmem>> -> memref<80x256xf32, #tpu.memory_space<vmem>>
      %dma_wait3A_199 = arith.constant 0 : i32
      %dma_wait3A_200 = tpu.memref_slice %arg8[%add3A_163, %dma_wait3A_199] : memref<10240x256xf32, #tpu.memory_space<hbm>> -> memref<80x256xf32, #tpu.memory_space<hbm>>
      %dma_wait3A_201 = arith.constant 0 : i32
      %dma_wait3A_202 = tpu.memref_slice %arg8[%add3A_163, %dma_wait3A_201] : memref<10240x256xf32, #tpu.memory_space<hbm>> -> memref<80x256xf32, #tpu.memory_space<hbm>>
      %dma_wait3A_203 = arith.constant 0 : i32
      %dma_wait3A_204 = arith.constant 0 : i32
      %dma_wait3A_205 = tpu.memref_slice %arg21[%dma_wait3A_203, %dma_wait3A_204] : memref<200x256xf32, #tpu.memory_space<vmem>> -> memref<80x256xf32, #tpu.memory_space<vmem>>
      tpu.wait_dma2 semaphore(%run_scoped3A : memref<!tpu.dma_semaphore, #tpu.memory_space<semaphore_mem>>) src(%dma_wait3A_205 : memref<80x256xf32, #tpu.memory_space<vmem>>) dst(%dma_wait3A_202 : memref<80x256xf32, #tpu.memory_space<hbm>>)
      tpu.yield
    }) : () -> ()
    %dma_start3A_164 = arith.constant 0 : i32
    %dma_start3A_165 = arith.constant 0 : i32
    %dma_start3A_166 = tpu.memref_slice %arg21[%dma_start3A_164, %dma_start3A_165] : memref<200x256xf32, #tpu.memory_space<vmem>> -> memref<128x256xf32, #tpu.memory_space<vmem>>
    %dma_start3A_167 = arith.constant 200 : i32
    %dma_start3A_168 = tpu.memref_slice %arg20[%dma_start3A_167] : memref<8000xi32, #tpu.memory_space<vmem>> -> memref<128xi32, #tpu.memory_space<vmem>>
    %dma_start3A_169 = arith.constant 0 : i32
    %dma_start3A_170 = arith.constant 0 : i32
    %dma_start3A_171 = tpu.memref_slice %arg4[%dma_start3A_169, %dma_start3A_170] : memref<50000x256xf32, #tpu.memory_space<hbm>> -> memref<50000x256xf32, #tpu.memory_space<hbm>>
    tpu.enqueue_indirect_dma source(%dma_start3A_171 : memref<50000x256xf32, #tpu.memory_space<hbm>>) target(%dma_start3A_166 : memref<128x256xf32, #tpu.memory_space<vmem>>) offsets(%dma_start3A_168 : memref<128xi32, #tpu.memory_space<vmem>>) semaphore(%arg24 : memref<!tpu.dma_semaphore, #tpu.memory_space<semaphore_mem>>)
    %dma_start3A_172 = arith.constant 128 : i32
    %dma_start3A_173 = arith.constant 0 : i32
    %dma_start3A_174 = tpu.memref_slice %arg21[%dma_start3A_172, %dma_start3A_173] : memref<200x256xf32, #tpu.memory_space<vmem>> -> memref<72x256xf32, #tpu.memory_space<vmem>>
    %dma_start3A_175 = arith.constant 328 : i32
    %dma_start3A_176 = tpu.memref_slice %arg20[%dma_start3A_175] : memref<8000xi32, #tpu.memory_space<vmem>> -> memref<72xi32, #tpu.memory_space<vmem>>
    %dma_start3A_177 = arith.constant 0 : i32
    %dma_start3A_178 = arith.constant 0 : i32
    %dma_start3A_179 = tpu.memref_slice %arg4[%dma_start3A_177, %dma_start3A_178] : memref<50000x256xf32, #tpu.memory_space<hbm>> -> memref<50000x256xf32, #tpu.memory_space<hbm>>
    tpu.enqueue_indirect_dma source(%dma_start3A_179 : memref<50000x256xf32, #tpu.memory_space<hbm>>) target(%dma_start3A_174 : memref<72x256xf32, #tpu.memory_space<vmem>>) offsets(%dma_start3A_176 : memref<72xi32, #tpu.memory_space<vmem>>) semaphore(%arg24 : memref<!tpu.dma_semaphore, #tpu.memory_space<semaphore_mem>>)
    %scan3A_180 = arith.constant 0 : i32
    %scan3A_181 = arith.constant 0 : i32
    %scan3A_182 = arith.constant 20 : i32
    %scan3A_183 = arith.addi %scan3A_181, %scan3A_182 : i32
    %scan3A_184 = arith.constant 1 : i32
    scf.for %scan3A_186 = %scan3A_181 to %scan3A_183 step %scan3A_184  : i32 {
      %mul3A_187 = arith.constant 2 : i32
      %mul3A_188 = arith.muli %mul3A_187, %scan3A_186 : i32
      %dma_wait3A_189 = arith.constant 0 : i32
      %dma_wait3A_190 = arith.constant 0 : i32
      %dma_wait3A_191 = tpu.memref_slice %arg4[%dma_wait3A_189, %dma_wait3A_190] : memref<50000x256xf32, #tpu.memory_space<hbm>> -> memref<200x256xf32, #tpu.memory_space<hbm>>
      %dma_wait3A_192 = arith.constant 0 : i32
      %dma_wait3A_193 = arith.constant 0 : i32
      %dma_wait3A_194 = tpu.memref_slice %arg4[%dma_wait3A_192, %dma_wait3A_193] : memref<50000x256xf32, #tpu.memory_space<hbm>> -> memref<200x256xf32, #tpu.memory_space<hbm>>
      tpu.wait_dma2 semaphore(%arg25 : memref<!tpu.dma_semaphore, #tpu.memory_space<semaphore_mem>>) src(%dma_wait3A_194 : memref<200x256xf32, #tpu.memory_space<hbm>>) dst(%arg22 : memref<200x256xf32, #tpu.memory_space<vmem>>)
      %scan3A_195 = arith.constant 0 : i32
      %scan3A_196 = arith.constant 0 : i32
      %scan3A_197 = arith.constant 8 : i32
      %scan3A_198 = arith.addi %scan3A_196, %scan3A_197 : i32
      %scan3A_199 = arith.constant 1 : i32
      scf.for %scan3A_232 = %scan3A_196 to %scan3A_198 step %scan3A_199  : i32 {
        %mul3A_233 = arith.constant 25 : i32
        %mul3A_234 = arith.muli %scan3A_232, %mul3A_233 : i32
        %broadcast_in_dim3A = arith.constant 0.000000e+00 : f32
        %broadcast_in_dim3A_235 = vector.broadcast %broadcast_in_dim3A : f32 to vector<16xf32>
        %broadcast_in_dim3A_236 = arith.constant 0.000000e+00 : f32
        %broadcast_in_dim3A_237 = vector.broadcast %broadcast_in_dim3A_236 : f32 to vector<16xf32>
        %broadcast_in_dim3A_238 = arith.constant 0.000000e+00 : f32
        %broadcast_in_dim3A_239 = vector.broadcast %broadcast_in_dim3A_238 : f32 to vector<16xf32>
        %broadcast_in_dim3A_240 = arith.constant 0.000000e+00 : f32
        %broadcast_in_dim3A_241 = vector.broadcast %broadcast_in_dim3A_240 : f32 to vector<16xf32>
        %broadcast_in_dim3A_242 = arith.constant 0.000000e+00 : f32
        %broadcast_in_dim3A_243 = vector.broadcast %broadcast_in_dim3A_242 : f32 to vector<16xf32>
        %broadcast_in_dim3A_244 = arith.constant 0.000000e+00 : f32
        %broadcast_in_dim3A_245 = vector.broadcast %broadcast_in_dim3A_244 : f32 to vector<16xf32>
        %broadcast_in_dim3A_246 = arith.constant 0.000000e+00 : f32
        %broadcast_in_dim3A_247 = vector.broadcast %broadcast_in_dim3A_246 : f32 to vector<16xf32>
        %broadcast_in_dim3A_248 = arith.constant 0.000000e+00 : f32
        %broadcast_in_dim3A_249 = vector.broadcast %broadcast_in_dim3A_248 : f32 to vector<16xf32>
        %broadcast_in_dim3A_250 = arith.constant 0.000000e+00 : f32
        %broadcast_in_dim3A_251 = vector.broadcast %broadcast_in_dim3A_250 : f32 to vector<16xf32>
        %broadcast_in_dim3A_252 = arith.constant 0.000000e+00 : f32
        %broadcast_in_dim3A_253 = vector.broadcast %broadcast_in_dim3A_252 : f32 to vector<16xf32>
        %broadcast_in_dim3A_254 = arith.constant 0.000000e+00 : f32
        %broadcast_in_dim3A_255 = vector.broadcast %broadcast_in_dim3A_254 : f32 to vector<16xf32>
        %broadcast_in_dim3A_256 = arith.constant 0.000000e+00 : f32
        %broadcast_in_dim3A_257 = vector.broadcast %broadcast_in_dim3A_256 : f32 to vector<16xf32>
        %broadcast_in_dim3A_258 = arith.constant 0.000000e+00 : f32
        %broadcast_in_dim3A_259 = vector.broadcast %broadcast_in_dim3A_258 : f32 to vector<16xf32>
        %broadcast_in_dim3A_260 = arith.constant 0.000000e+00 : f32
        %broadcast_in_dim3A_261 = vector.broadcast %broadcast_in_dim3A_260 : f32 to vector<16xf32>
        %broadcast_in_dim3A_262 = arith.constant 0.000000e+00 : f32
        %broadcast_in_dim3A_263 = vector.broadcast %broadcast_in_dim3A_262 : f32 to vector<16xf32>
        %broadcast_in_dim3A_264 = arith.constant 0.000000e+00 : f32
        %broadcast_in_dim3A_265 = vector.broadcast %broadcast_in_dim3A_264 : f32 to vector<16xf32>
        %scan3A_266 = arith.constant 0 : i32
        %scan3A_267 = arith.constant 25 : i32
        %scan3A_268 = arith.addi %scan3A_266, %scan3A_267 : i32
        %scan3A_269 = arith.constant 1 : i32
        %scan3A_270:16 = scf.for %scan3A_367 = %scan3A_266 to %scan3A_268 step %scan3A_269 iter_args(%scan3A_368 = %broadcast_in_dim3A_235, %scan3A_369 = %broadcast_in_dim3A_237, %scan3A_370 = %broadcast_in_dim3A_239, %scan3A_371 = %broadcast_in_dim3A_241, %scan3A_372 = %broadcast_in_dim3A_243, %scan3A_373 = %broadcast_in_dim3A_245, %scan3A_374 = %broadcast_in_dim3A_247, %scan3A_375 = %broadcast_in_dim3A_249, %scan3A_376 = %broadcast_in_dim3A_251, %scan3A_377 = %broadcast_in_dim3A_253, %scan3A_378 = %broadcast_in_dim3A_255, %scan3A_379 = %broadcast_in_dim3A_257, %scan3A_380 = %broadcast_in_dim3A_259, %scan3A_381 = %broadcast_in_dim3A_261, %scan3A_382 = %broadcast_in_dim3A_263, %scan3A_383 = %broadcast_in_dim3A_265) -> (vector<16xf32>, vector<16xf32>, vector<16xf32>, vector<16xf32>, vector<16xf32>, vector<16xf32>, vector<16xf32>, vector<16xf32>, vector<16xf32>, vector<16xf32>, vector<16xf32>, vector<16xf32>, vector<16xf32>, vector<16xf32>, vector<16xf32>, vector<16xf32>)  : i32 {
          %add3A_384 = arith.addi %mul3A_234, %scan3A_367 : i32
          %get3A = arith.index_cast %add3A_384 : i32 to index
          %get3A_385 = arith.constant 0 : index
          %get3A_386 = tpu.vector_load %arg22[%get3A, %get3A_385] {strides = array<i32>} : memref<200x256xf32, #tpu.memory_space<vmem>>, vector<16xf32>,
          %add3A_387 = arith.addf %scan3A_368, %get3A_386 : vector<16xf32>
          %get3A_388 = arith.index_cast %add3A_384 : i32 to index
          %get3A_389 = arith.constant 16 : index
          %get3A_390 = tpu.vector_load %arg22[%get3A_388, %get3A_389] {strides = array<i32>} : memref<200x256xf32, #tpu.memory_space<vmem>>, vector<16xf32>,
          %add3A_391 = arith.addf %scan3A_369, %get3A_390 : vector<16xf32>
          %get3A_392 = arith.index_cast %add3A_384 : i32 to index
          %get3A_393 = arith.constant 32 : index
          %get3A_394 = tpu.vector_load %arg22[%get3A_392, %get3A_393] {strides = array<i32>} : memref<200x256xf32, #tpu.memory_space<vmem>>, vector<16xf32>,
          %add3A_395 = arith.addf %scan3A_370, %get3A_394 : vector<16xf32>
          %get3A_396 = arith.index_cast %add3A_384 : i32 to index
          %get3A_397 = arith.constant 48 : index
          %get3A_398 = tpu.vector_load %arg22[%get3A_396, %get3A_397] {strides = array<i32>} : memref<200x256xf32, #tpu.memory_space<vmem>>, vector<16xf32>,
          %add3A_399 = arith.addf %scan3A_371, %get3A_398 : vector<16xf32>
          %get3A_400 = arith.index_cast %add3A_384 : i32 to index
          %get3A_401 = arith.constant 64 : index
          %get3A_402 = tpu.vector_load %arg22[%get3A_400, %get3A_401] {strides = array<i32>} : memref<200x256xf32, #tpu.memory_space<vmem>>, vector<16xf32>,
          %add3A_403 = arith.addf %scan3A_372, %get3A_402 : vector<16xf32>
          %get3A_404 = arith.index_cast %add3A_384 : i32 to index
          %get3A_405 = arith.constant 80 : index
          %get3A_406 = tpu.vector_load %arg22[%get3A_404, %get3A_405] {strides = array<i32>} : memref<200x256xf32, #tpu.memory_space<vmem>>, vector<16xf32>,
          %add3A_407 = arith.addf %scan3A_373, %get3A_406 : vector<16xf32>
          %get3A_408 = arith.index_cast %add3A_384 : i32 to index
          %get3A_409 = arith.constant 96 : index
          %get3A_410 = tpu.vector_load %arg22[%get3A_408, %get3A_409] {strides = array<i32>} : memref<200x256xf32, #tpu.memory_space<vmem>>, vector<16xf32>,
          %add3A_411 = arith.addf %scan3A_374, %get3A_410 : vector<16xf32>
          %get3A_412 = arith.index_cast %add3A_384 : i32 to index
          %get3A_413 = arith.constant 112 : index
          %get3A_414 = tpu.vector_load %arg22[%get3A_412, %get3A_413] {strides = array<i32>} : memref<200x256xf32, #tpu.memory_space<vmem>>, vector<16xf32>,
          %add3A_415 = arith.addf %scan3A_375, %get3A_414 : vector<16xf32>
          %get3A_416 = arith.index_cast %add3A_384 : i32 to index
          %get3A_417 = arith.constant 128 : index
          %get3A_418 = tpu.vector_load %arg22[%get3A_416, %get3A_417] {strides = array<i32>} : memref<200x256xf32, #tpu.memory_space<vmem>>, vector<16xf32>,
          %add3A_419 = arith.addf %scan3A_376, %get3A_418 : vector<16xf32>
          %get3A_420 = arith.index_cast %add3A_384 : i32 to index
          %get3A_421 = arith.constant 144 : index
          %get3A_422 = tpu.vector_load %arg22[%get3A_420, %get3A_421] {strides = array<i32>} : memref<200x256xf32, #tpu.memory_space<vmem>>, vector<16xf32>,
          %add3A_423 = arith.addf %scan3A_377, %get3A_422 : vector<16xf32>
          %get3A_424 = arith.index_cast %add3A_384 : i32 to index
          %get3A_425 = arith.constant 160 : index
          %get3A_426 = tpu.vector_load %arg22[%get3A_424, %get3A_425] {strides = array<i32>} : memref<200x256xf32, #tpu.memory_space<vmem>>, vector<16xf32>,
          %add3A_427 = arith.addf %scan3A_378, %get3A_426 : vector<16xf32>
          %get3A_428 = arith.index_cast %add3A_384 : i32 to index
          %get3A_429 = arith.constant 176 : index
          %get3A_430 = tpu.vector_load %arg22[%get3A_428, %get3A_429] {strides = array<i32>} : memref<200x256xf32, #tpu.memory_space<vmem>>, vector<16xf32>,
          %add3A_431 = arith.addf %scan3A_379, %get3A_430 : vector<16xf32>
          %get3A_432 = arith.index_cast %add3A_384 : i32 to index
          %get3A_433 = arith.constant 192 : index
          %get3A_434 = tpu.vector_load %arg22[%get3A_432, %get3A_433] {strides = array<i32>} : memref<200x256xf32, #tpu.memory_space<vmem>>, vector<16xf32>,
          %add3A_435 = arith.addf %scan3A_380, %get3A_434 : vector<16xf32>
          %get3A_436 = arith.index_cast %add3A_384 : i32 to index
          %get3A_437 = arith.constant 208 : index
          %get3A_438 = tpu.vector_load %arg22[%get3A_436, %get3A_437] {strides = array<i32>} : memref<200x256xf32, #tpu.memory_space<vmem>>, vector<16xf32>,
          %add3A_439 = arith.addf %scan3A_381, %get3A_438 : vector<16xf32>
          %get3A_440 = arith.index_cast %add3A_384 : i32 to index
          %get3A_441 = arith.constant 224 : index
          %get3A_442 = tpu.vector_load %arg22[%get3A_440, %get3A_441] {strides = array<i32>} : memref<200x256xf32, #tpu.memory_space<vmem>>, vector<16xf32>,
          %add3A_443 = arith.addf %scan3A_382, %get3A_442 : vector<16xf32>
          %get3A_444 = arith.index_cast %add3A_384 : i32 to index
          %get3A_445 = arith.constant 240 : index
          %get3A_446 = tpu.vector_load %arg22[%get3A_444, %get3A_445] {strides = array<i32>} : memref<200x256xf32, #tpu.memory_space<vmem>>, vector<16xf32>,
          %add3A_447 = arith.addf %scan3A_383, %get3A_446 : vector<16xf32>
          scf.yield %add3A_387, %add3A_391, %add3A_395, %add3A_399, %add3A_403, %add3A_407, %add3A_411, %add3A_415, %add3A_419, %add3A_423, %add3A_427, %add3A_431, %add3A_435, %add3A_439, %add3A_443, %add3A_447 : vector<16xf32>, vector<16xf32>, vector<16xf32>, vector<16xf32>, vector<16xf32>, vector<16xf32>, vector<16xf32>, vector<16xf32>, vector<16xf32>, vector<16xf32>, vector<16xf32>, vector<16xf32>, vector<16xf32>, vector<16xf32>, vector<16xf32>, vector<16xf32>
        }
        %scan3A_271 = arith.constant 25 : i32
        %mul3A_272 = arith.constant 4.000000e-02 : f32
        %mul3A_273 = vector.broadcast %mul3A_272 : f32 to vector<16xf32>
        %mul3A_274 = arith.mulf %scan3A_270#0, %mul3A_273 : vector<16xf32>
        %swap3A = arith.index_cast %scan3A_232 : i32 to index
        %swap3A_275 = arith.constant 0 : index
        %swap3A_276 = tpu.vector_load %arg23[%swap3A, %swap3A_275] {strides = array<i32>} : memref<8x256xf32, #tpu.memory_space<vmem>>, vector<16xf32>,
        tpu.vector_store %arg23[%swap3A, %swap3A_275], %mul3A_274 {strides = array<i32>} : memref<8x256xf32, #tpu.memory_space<vmem>>, vector<16xf32>,
        %mul3A_277 = arith.constant 4.000000e-02 : f32
        %mul3A_278 = vector.broadcast %mul3A_277 : f32 to vector<16xf32>
        %mul3A_279 = arith.mulf %scan3A_270#1, %mul3A_278 : vector<16xf32>
        %swap3A_280 = arith.index_cast %scan3A_232 : i32 to index
        %swap3A_281 = arith.constant 16 : index
        %swap3A_282 = tpu.vector_load %arg23[%swap3A_280, %swap3A_281] {strides = array<i32>} : memref<8x256xf32, #tpu.memory_space<vmem>>, vector<16xf32>,
        tpu.vector_store %arg23[%swap3A_280, %swap3A_281], %mul3A_279 {strides = array<i32>} : memref<8x256xf32, #tpu.memory_space<vmem>>, vector<16xf32>,
        %mul3A_283 = arith.constant 4.000000e-02 : f32
        %mul3A_284 = vector.broadcast %mul3A_283 : f32 to vector<16xf32>
        %mul3A_285 = arith.mulf %scan3A_270#2, %mul3A_284 : vector<16xf32>
        %swap3A_286 = arith.index_cast %scan3A_232 : i32 to index
        %swap3A_287 = arith.constant 32 : index
        %swap3A_288 = tpu.vector_load %arg23[%swap3A_286, %swap3A_287] {strides = array<i32>} : memref<8x256xf32, #tpu.memory_space<vmem>>, vector<16xf32>,
        tpu.vector_store %arg23[%swap3A_286, %swap3A_287], %mul3A_285 {strides = array<i32>} : memref<8x256xf32, #tpu.memory_space<vmem>>, vector<16xf32>,
        %mul3A_289 = arith.constant 4.000000e-02 : f32
        %mul3A_290 = vector.broadcast %mul3A_289 : f32 to vector<16xf32>
        %mul3A_291 = arith.mulf %scan3A_270#3, %mul3A_290 : vector<16xf32>
        %swap3A_292 = arith.index_cast %scan3A_232 : i32 to index
        %swap3A_293 = arith.constant 48 : index
        %swap3A_294 = tpu.vector_load %arg23[%swap3A_292, %swap3A_293] {strides = array<i32>} : memref<8x256xf32, #tpu.memory_space<vmem>>, vector<16xf32>,
        tpu.vector_store %arg23[%swap3A_292, %swap3A_293], %mul3A_291 {strides = array<i32>} : memref<8x256xf32, #tpu.memory_space<vmem>>, vector<16xf32>,
        %mul3A_295 = arith.constant 4.000000e-02 : f32
        %mul3A_296 = vector.broadcast %mul3A_295 : f32 to vector<16xf32>
        %mul3A_297 = arith.mulf %scan3A_270#4, %mul3A_296 : vector<16xf32>
        %swap3A_298 = arith.index_cast %scan3A_232 : i32 to index
        %swap3A_299 = arith.constant 64 : index
        %swap3A_300 = tpu.vector_load %arg23[%swap3A_298, %swap3A_299] {strides = array<i32>} : memref<8x256xf32, #tpu.memory_space<vmem>>, vector<16xf32>,
        tpu.vector_store %arg23[%swap3A_298, %swap3A_299], %mul3A_297 {strides = array<i32>} : memref<8x256xf32, #tpu.memory_space<vmem>>, vector<16xf32>,
        %mul3A_301 = arith.constant 4.000000e-02 : f32
        %mul3A_302 = vector.broadcast %mul3A_301 : f32 to vector<16xf32>
        %mul3A_303 = arith.mulf %scan3A_270#5, %mul3A_302 : vector<16xf32>
        %swap3A_304 = arith.index_cast %scan3A_232 : i32 to index
        %swap3A_305 = arith.constant 80 : index
        %swap3A_306 = tpu.vector_load %arg23[%swap3A_304, %swap3A_305] {strides = array<i32>} : memref<8x256xf32, #tpu.memory_space<vmem>>, vector<16xf32>,
        tpu.vector_store %arg23[%swap3A_304, %swap3A_305], %mul3A_303 {strides = array<i32>} : memref<8x256xf32, #tpu.memory_space<vmem>>, vector<16xf32>,
        %mul3A_307 = arith.constant 4.000000e-02 : f32
        %mul3A_308 = vector.broadcast %mul3A_307 : f32 to vector<16xf32>
        %mul3A_309 = arith.mulf %scan3A_270#6, %mul3A_308 : vector<16xf32>
        %swap3A_310 = arith.index_cast %scan3A_232 : i32 to index
        %swap3A_311 = arith.constant 96 : index
        %swap3A_312 = tpu.vector_load %arg23[%swap3A_310, %swap3A_311] {strides = array<i32>} : memref<8x256xf32, #tpu.memory_space<vmem>>, vector<16xf32>,
        tpu.vector_store %arg23[%swap3A_310, %swap3A_311], %mul3A_309 {strides = array<i32>} : memref<8x256xf32, #tpu.memory_space<vmem>>, vector<16xf32>,
        %mul3A_313 = arith.constant 4.000000e-02 : f32
        %mul3A_314 = vector.broadcast %mul3A_313 : f32 to vector<16xf32>
        %mul3A_315 = arith.mulf %scan3A_270#7, %mul3A_314 : vector<16xf32>
        %swap3A_316 = arith.index_cast %scan3A_232 : i32 to index
        %swap3A_317 = arith.constant 112 : index
        %swap3A_318 = tpu.vector_load %arg23[%swap3A_316, %swap3A_317] {strides = array<i32>} : memref<8x256xf32, #tpu.memory_space<vmem>>, vector<16xf32>,
        tpu.vector_store %arg23[%swap3A_316, %swap3A_317], %mul3A_315 {strides = array<i32>} : memref<8x256xf32, #tpu.memory_space<vmem>>, vector<16xf32>,
        %mul3A_319 = arith.constant 4.000000e-02 : f32
        %mul3A_320 = vector.broadcast %mul3A_319 : f32 to vector<16xf32>
        %mul3A_321 = arith.mulf %scan3A_270#8, %mul3A_320 : vector<16xf32>
        %swap3A_322 = arith.index_cast %scan3A_232 : i32 to index
        %swap3A_323 = arith.constant 128 : index
        %swap3A_324 = tpu.vector_load %arg23[%swap3A_322, %swap3A_323] {strides = array<i32>} : memref<8x256xf32, #tpu.memory_space<vmem>>, vector<16xf32>,
        tpu.vector_store %arg23[%swap3A_322, %swap3A_323], %mul3A_321 {strides = array<i32>} : memref<8x256xf32, #tpu.memory_space<vmem>>, vector<16xf32>,
        %mul3A_325 = arith.constant 4.000000e-02 : f32
        %mul3A_326 = vector.broadcast %mul3A_325 : f32 to vector<16xf32>
        %mul3A_327 = arith.mulf %scan3A_270#9, %mul3A_326 : vector<16xf32>
        %swap3A_328 = arith.index_cast %scan3A_232 : i32 to index
        %swap3A_329 = arith.constant 144 : index
        %swap3A_330 = tpu.vector_load %arg23[%swap3A_328, %swap3A_329] {strides = array<i32>} : memref<8x256xf32, #tpu.memory_space<vmem>>, vector<16xf32>,
        tpu.vector_store %arg23[%swap3A_328, %swap3A_329], %mul3A_327 {strides = array<i32>} : memref<8x256xf32, #tpu.memory_space<vmem>>, vector<16xf32>,
        %mul3A_331 = arith.constant 4.000000e-02 : f32
        %mul3A_332 = vector.broadcast %mul3A_331 : f32 to vector<16xf32>
        %mul3A_333 = arith.mulf %scan3A_270#10, %mul3A_332 : vector<16xf32>
        %swap3A_334 = arith.index_cast %scan3A_232 : i32 to index
        %swap3A_335 = arith.constant 160 : index
        %swap3A_336 = tpu.vector_load %arg23[%swap3A_334, %swap3A_335] {strides = array<i32>} : memref<8x256xf32, #tpu.memory_space<vmem>>, vector<16xf32>,
        tpu.vector_store %arg23[%swap3A_334, %swap3A_335], %mul3A_333 {strides = array<i32>} : memref<8x256xf32, #tpu.memory_space<vmem>>, vector<16xf32>,
        %mul3A_337 = arith.constant 4.000000e-02 : f32
        %mul3A_338 = vector.broadcast %mul3A_337 : f32 to vector<16xf32>
        %mul3A_339 = arith.mulf %scan3A_270#11, %mul3A_338 : vector<16xf32>
        %swap3A_340 = arith.index_cast %scan3A_232 : i32 to index
        %swap3A_341 = arith.constant 176 : index
        %swap3A_342 = tpu.vector_load %arg23[%swap3A_340, %swap3A_341] {strides = array<i32>} : memref<8x256xf32, #tpu.memory_space<vmem>>, vector<16xf32>,
        tpu.vector_store %arg23[%swap3A_340, %swap3A_341], %mul3A_339 {strides = array<i32>} : memref<8x256xf32, #tpu.memory_space<vmem>>, vector<16xf32>,
        %mul3A_343 = arith.constant 4.000000e-02 : f32
        %mul3A_344 = vector.broadcast %mul3A_343 : f32 to vector<16xf32>
        %mul3A_345 = arith.mulf %scan3A_270#12, %mul3A_344 : vector<16xf32>
        %swap3A_346 = arith.index_cast %scan3A_232 : i32 to index
        %swap3A_347 = arith.constant 192 : index
        %swap3A_348 = tpu.vector_load %arg23[%swap3A_346, %swap3A_347] {strides = array<i32>} : memref<8x256xf32, #tpu.memory_space<vmem>>, vector<16xf32>,
        tpu.vector_store %arg23[%swap3A_346, %swap3A_347], %mul3A_345 {strides = array<i32>} : memref<8x256xf32, #tpu.memory_space<vmem>>, vector<16xf32>,
        %mul3A_349 = arith.constant 4.000000e-02 : f32
        %mul3A_350 = vector.broadcast %mul3A_349 : f32 to vector<16xf32>
        %mul3A_351 = arith.mulf %scan3A_270#13, %mul3A_350 : vector<16xf32>
        %swap3A_352 = arith.index_cast %scan3A_232 : i32 to index
        %swap3A_353 = arith.constant 208 : index
        %swap3A_354 = tpu.vector_load %arg23[%swap3A_352, %swap3A_353] {strides = array<i32>} : memref<8x256xf32, #tpu.memory_space<vmem>>, vector<16xf32>,
        tpu.vector_store %arg23[%swap3A_352, %swap3A_353], %mul3A_351 {strides = array<i32>} : memref<8x256xf32, #tpu.memory_space<vmem>>, vector<16xf32>,
        %mul3A_355 = arith.constant 4.000000e-02 : f32
        %mul3A_356 = vector.broadcast %mul3A_355 : f32 to vector<16xf32>
        %mul3A_357 = arith.mulf %scan3A_270#14, %mul3A_356 : vector<16xf32>
        %swap3A_358 = arith.index_cast %scan3A_232 : i32 to index
        %swap3A_359 = arith.constant 224 : index
        %swap3A_360 = tpu.vector_load %arg23[%swap3A_358, %swap3A_359] {strides = array<i32>} : memref<8x256xf32, #tpu.memory_space<vmem>>, vector<16xf32>,
        tpu.vector_store %arg23[%swap3A_358, %swap3A_359], %mul3A_357 {strides = array<i32>} : memref<8x256xf32, #tpu.memory_space<vmem>>, vector<16xf32>,
        %mul3A_361 = arith.constant 4.000000e-02 : f32
        %mul3A_362 = vector.broadcast %mul3A_361 : f32 to vector<16xf32>
        %mul3A_363 = arith.mulf %scan3A_270#15, %mul3A_362 : vector<16xf32>
        %swap3A_364 = arith.index_cast %scan3A_232 : i32 to index
        %swap3A_365 = arith.constant 240 : index
        %swap3A_366 = tpu.vector_load %arg23[%swap3A_364, %swap3A_365] {strides = array<i32>} : memref<8x256xf32, #tpu.memory_space<vmem>>, vector<16xf32>,
        tpu.vector_store %arg23[%swap3A_364, %swap3A_365], %mul3A_363 {strides = array<i32>} : memref<8x256xf32, #tpu.memory_space<vmem>>, vector<16xf32>,
      }
      %scan3A_200 = arith.constant 8 : i32
      %mul3A_201 = arith.constant 320 : i32
      %mul3A_202 = arith.muli %add3A, %mul3A_201 : i32
      %mul3A_203 = arith.constant 8 : i32
      %mul3A_204 = arith.muli %mul3A_188, %mul3A_203 : i32
      %add3A_205 = arith.addi %mul3A_202, %mul3A_204 : i32
      "tpu.region"() ({
        %run_scoped3A = tpu.sem_alloc : memref<!tpu.dma_semaphore, #tpu.memory_space<semaphore_mem>>
        %dma_start3A_232 = arith.constant 0 : i32
        %dma_start3A_233 = tpu.memref_slice %arg9[%add3A_205, %dma_start3A_232] : memref<10240x256xf32, #tpu.memory_space<hbm>> -> memref<8x256xf32, #tpu.memory_space<hbm>>
        %dma_start3A_234 = arith.constant 0 : i32
        %dma_start3A_235 = tpu.memref_slice %arg9[%add3A_205, %dma_start3A_234] : memref<10240x256xf32, #tpu.memory_space<hbm>> -> memref<8x256xf32, #tpu.memory_space<hbm>>
        tpu.enqueue_dma source(%arg23 : memref<8x256xf32, #tpu.memory_space<vmem>>) target(%dma_start3A_235 : memref<8x256xf32, #tpu.memory_space<hbm>>) target_semaphore(%run_scoped3A : memref<!tpu.dma_semaphore, #tpu.memory_space<semaphore_mem>>)
        %dma_wait3A_236 = arith.constant 0 : i32
        %dma_wait3A_237 = tpu.memref_slice %arg9[%add3A_205, %dma_wait3A_236] : memref<10240x256xf32, #tpu.memory_space<hbm>> -> memref<8x256xf32, #tpu.memory_space<hbm>>
        %dma_wait3A_238 = arith.constant 0 : i32
        %dma_wait3A_239 = tpu.memref_slice %arg9[%add3A_205, %dma_wait3A_238] : memref<10240x256xf32, #tpu.memory_space<hbm>> -> memref<8x256xf32, #tpu.memory_space<hbm>>
        tpu.wait_dma2 semaphore(%run_scoped3A : memref<!tpu.dma_semaphore, #tpu.memory_space<semaphore_mem>>) src(%arg23 : memref<8x256xf32, #tpu.memory_space<vmem>>) dst(%dma_wait3A_239 : memref<8x256xf32, #tpu.memory_space<hbm>>)
        tpu.yield
      }) : () -> ()
      %lt3A = arith.constant 19 : i32
      %lt3A_206 = arith.cmpi slt, %scan3A_186, %lt3A : i32
      %convert_element_type3A = arith.extui %lt3A_206 : i1 to i32
      %cond3A = arith.constant 0 : i32
      %cond3A_207 = arith.cmpi ne, %convert_element_type3A, %cond3A : i32
      scf.if %cond3A_207 {
        %add3A_232 = arith.constant 2 : i32
        %add3A_233 = arith.addi %mul3A_188, %add3A_232 : i32
        %mul3A_234 = arith.constant 200 : i32
        %mul3A_235 = arith.muli %add3A_233, %mul3A_234 : i32
        %dma_start3A_236 = arith.constant 0 : i32
        %dma_start3A_237 = arith.constant 0 : i32
        %dma_start3A_238 = tpu.memref_slice %arg22[%dma_start3A_236, %dma_start3A_237] : memref<200x256xf32, #tpu.memory_space<vmem>> -> memref<128x256xf32, #tpu.memory_space<vmem>>
        %dma_start3A_239 = tpu.memref_slice %arg20[%mul3A_235] : memref<8000xi32, #tpu.memory_space<vmem>> -> memref<128xi32, #tpu.memory_space<vmem>>
        %dma_start3A_240 = arith.constant 0 : i32
        %dma_start3A_241 = arith.constant 0 : i32
        %dma_start3A_242 = tpu.memref_slice %arg4[%dma_start3A_240, %dma_start3A_241] : memref<50000x256xf32, #tpu.memory_space<hbm>> -> memref<50000x256xf32, #tpu.memory_space<hbm>>
        tpu.enqueue_indirect_dma source(%dma_start3A_242 : memref<50000x256xf32, #tpu.memory_space<hbm>>) target(%dma_start3A_238 : memref<128x256xf32, #tpu.memory_space<vmem>>) offsets(%dma_start3A_239 : memref<128xi32, #tpu.memory_space<vmem>>) semaphore(%arg25 : memref<!tpu.dma_semaphore, #tpu.memory_space<semaphore_mem>>)
        %add3A_243 = arith.constant 128 : i32
        %add3A_244 = arith.addi %mul3A_235, %add3A_243 : i32
        %dma_start3A_245 = arith.constant 128 : i32
        %dma_start3A_246 = arith.constant 0 : i32
        %dma_start3A_247 = tpu.memref_slice %arg22[%dma_start3A_245, %dma_start3A_246] : memref<200x256xf32, #tpu.memory_space<vmem>> -> memref<72x256xf32, #tpu.memory_space<vmem>>
        %dma_start3A_248 = tpu.memref_slice %arg20[%add3A_244] : memref<8000xi32, #tpu.memory_space<vmem>> -> memref<72xi32, #tpu.memory_space<vmem>>
        %dma_start3A_249 = arith.constant 0 : i32
        %dma_start3A_250 = arith.constant 0 : i32
        %dma_start3A_251 = tpu.memref_slice %arg4[%dma_start3A_249, %dma_start3A_250] : memref<50000x256xf32, #tpu.memory_space<hbm>> -> memref<50000x256xf32, #tpu.memory_space<hbm>>
        tpu.enqueue_indirect_dma source(%dma_start3A_251 : memref<50000x256xf32, #tpu.memory_space<hbm>>) target(%dma_start3A_247 : memref<72x256xf32, #tpu.memory_space<vmem>>) offsets(%dma_start3A_248 : memref<72xi32, #tpu.memory_space<vmem>>) semaphore(%arg25 : memref<!tpu.dma_semaphore, #tpu.memory_space<semaphore_mem>>)
      } else {
      }
      %dma_wait3A_208 = arith.constant 0 : i32
      %dma_wait3A_209 = arith.constant 0 : i32
      %dma_wait3A_210 = tpu.memref_slice %arg4[%dma_wait3A_208, %dma_wait3A_209] : memref<50000x256xf32, #tpu.memory_space<hbm>> -> memref<200x256xf32, #tpu.memory_space<hbm>>
      %dma_wait3A_211 = arith.constant 0 : i32
      %dma_wait3A_212 = arith.constant 0 : i32
      %dma_wait3A_213 = tpu.memref_slice %arg4[%dma_wait3A_211, %dma_wait3A_212] : memref<50000x256xf32, #tpu.memory_space<hbm>> -> memref<200x256xf32, #tpu.memory_space<hbm>>
      tpu.wait_dma2 semaphore(%arg24 : memref<!tpu.dma_semaphore, #tpu.memory_space<semaphore_mem>>) src(%dma_wait3A_213 : memref<200x256xf32, #tpu.memory_space<hbm>>) dst(%arg21 : memref<200x256xf32, #tpu.memory_space<vmem>>)
      %add3A_214 = arith.constant 1 : i32
      %add3A_215 = arith.addi %mul3A_188, %add3A_214 : i32
      %scan3A_216 = arith.constant 0 : i32
      %scan3A_217 = arith.constant 0 : i32
      %scan3A_218 = arith.constant 8 : i32
      %scan3A_219 = arith.addi %scan3A_217, %scan3A_218 : i32
      %scan3A_220 = arith.constant 1 : i32
      scf.for %scan3A_232 = %scan3A_217 to %scan3A_219 step %scan3A_220  : i32 {
        %mul3A_233 = arith.constant 25 : i32
        %mul3A_234 = arith.muli %scan3A_232, %mul3A_233 : i32
        %broadcast_in_dim3A = arith.constant 0.000000e+00 : f32
        %broadcast_in_dim3A_235 = vector.broadcast %broadcast_in_dim3A : f32 to vector<16xf32>
        %broadcast_in_dim3A_236 = arith.constant 0.000000e+00 : f32
        %broadcast_in_dim3A_237 = vector.broadcast %broadcast_in_dim3A_236 : f32 to vector<16xf32>
        %broadcast_in_dim3A_238 = arith.constant 0.000000e+00 : f32
        %broadcast_in_dim3A_239 = vector.broadcast %broadcast_in_dim3A_238 : f32 to vector<16xf32>
        %broadcast_in_dim3A_240 = arith.constant 0.000000e+00 : f32
        %broadcast_in_dim3A_241 = vector.broadcast %broadcast_in_dim3A_240 : f32 to vector<16xf32>
        %broadcast_in_dim3A_242 = arith.constant 0.000000e+00 : f32
        %broadcast_in_dim3A_243 = vector.broadcast %broadcast_in_dim3A_242 : f32 to vector<16xf32>
        %broadcast_in_dim3A_244 = arith.constant 0.000000e+00 : f32
        %broadcast_in_dim3A_245 = vector.broadcast %broadcast_in_dim3A_244 : f32 to vector<16xf32>
        %broadcast_in_dim3A_246 = arith.constant 0.000000e+00 : f32
        %broadcast_in_dim3A_247 = vector.broadcast %broadcast_in_dim3A_246 : f32 to vector<16xf32>
        %broadcast_in_dim3A_248 = arith.constant 0.000000e+00 : f32
        %broadcast_in_dim3A_249 = vector.broadcast %broadcast_in_dim3A_248 : f32 to vector<16xf32>
        %broadcast_in_dim3A_250 = arith.constant 0.000000e+00 : f32
        %broadcast_in_dim3A_251 = vector.broadcast %broadcast_in_dim3A_250 : f32 to vector<16xf32>
        %broadcast_in_dim3A_252 = arith.constant 0.000000e+00 : f32
        %broadcast_in_dim3A_253 = vector.broadcast %broadcast_in_dim3A_252 : f32 to vector<16xf32>
        %broadcast_in_dim3A_254 = arith.constant 0.000000e+00 : f32
        %broadcast_in_dim3A_255 = vector.broadcast %broadcast_in_dim3A_254 : f32 to vector<16xf32>
        %broadcast_in_dim3A_256 = arith.constant 0.000000e+00 : f32
        %broadcast_in_dim3A_257 = vector.broadcast %broadcast_in_dim3A_256 : f32 to vector<16xf32>
        %broadcast_in_dim3A_258 = arith.constant 0.000000e+00 : f32
        %broadcast_in_dim3A_259 = vector.broadcast %broadcast_in_dim3A_258 : f32 to vector<16xf32>
        %broadcast_in_dim3A_260 = arith.constant 0.000000e+00 : f32
        %broadcast_in_dim3A_261 = vector.broadcast %broadcast_in_dim3A_260 : f32 to vector<16xf32>
        %broadcast_in_dim3A_262 = arith.constant 0.000000e+00 : f32
        %broadcast_in_dim3A_263 = vector.broadcast %broadcast_in_dim3A_262 : f32 to vector<16xf32>
        %broadcast_in_dim3A_264 = arith.constant 0.000000e+00 : f32
        %broadcast_in_dim3A_265 = vector.broadcast %broadcast_in_dim3A_264 : f32 to vector<16xf32>
        %scan3A_266 = arith.constant 0 : i32
        %scan3A_267 = arith.constant 25 : i32
        %scan3A_268 = arith.addi %scan3A_266, %scan3A_267 : i32
        %scan3A_269 = arith.constant 1 : i32
        %scan3A_270:16 = scf.for %scan3A_367 = %scan3A_266 to %scan3A_268 step %scan3A_269 iter_args(%scan3A_368 = %broadcast_in_dim3A_235, %scan3A_369 = %broadcast_in_dim3A_237, %scan3A_370 = %broadcast_in_dim3A_239, %scan3A_371 = %broadcast_in_dim3A_241, %scan3A_372 = %broadcast_in_dim3A_243, %scan3A_373 = %broadcast_in_dim3A_245, %scan3A_374 = %broadcast_in_dim3A_247, %scan3A_375 = %broadcast_in_dim3A_249, %scan3A_376 = %broadcast_in_dim3A_251, %scan3A_377 = %broadcast_in_dim3A_253, %scan3A_378 = %broadcast_in_dim3A_255, %scan3A_379 = %broadcast_in_dim3A_257, %scan3A_380 = %broadcast_in_dim3A_259, %scan3A_381 = %broadcast_in_dim3A_261, %scan3A_382 = %broadcast_in_dim3A_263, %scan3A_383 = %broadcast_in_dim3A_265) -> (vector<16xf32>, vector<16xf32>, vector<16xf32>, vector<16xf32>, vector<16xf32>, vector<16xf32>, vector<16xf32>, vector<16xf32>, vector<16xf32>, vector<16xf32>, vector<16xf32>, vector<16xf32>, vector<16xf32>, vector<16xf32>, vector<16xf32>, vector<16xf32>)  : i32 {
          %add3A_384 = arith.addi %mul3A_234, %scan3A_367 : i32
          %get3A = arith.index_cast %add3A_384 : i32 to index
          %get3A_385 = arith.constant 0 : index
          %get3A_386 = tpu.vector_load %arg21[%get3A, %get3A_385] {strides = array<i32>} : memref<200x256xf32, #tpu.memory_space<vmem>>, vector<16xf32>,
          %add3A_387 = arith.addf %scan3A_368, %get3A_386 : vector<16xf32>
          %get3A_388 = arith.index_cast %add3A_384 : i32 to index
          %get3A_389 = arith.constant 16 : index
          %get3A_390 = tpu.vector_load %arg21[%get3A_388, %get3A_389] {strides = array<i32>} : memref<200x256xf32, #tpu.memory_space<vmem>>, vector<16xf32>,
          %add3A_391 = arith.addf %scan3A_369, %get3A_390 : vector<16xf32>
          %get3A_392 = arith.index_cast %add3A_384 : i32 to index
          %get3A_393 = arith.constant 32 : index
          %get3A_394 = tpu.vector_load %arg21[%get3A_392, %get3A_393] {strides = array<i32>} : memref<200x256xf32, #tpu.memory_space<vmem>>, vector<16xf32>,
          %add3A_395 = arith.addf %scan3A_370, %get3A_394 : vector<16xf32>
          %get3A_396 = arith.index_cast %add3A_384 : i32 to index
          %get3A_397 = arith.constant 48 : index
          %get3A_398 = tpu.vector_load %arg21[%get3A_396, %get3A_397] {strides = array<i32>} : memref<200x256xf32, #tpu.memory_space<vmem>>, vector<16xf32>,
          %add3A_399 = arith.addf %scan3A_371, %get3A_398 : vector<16xf32>
          %get3A_400 = arith.index_cast %add3A_384 : i32 to index
          %get3A_401 = arith.constant 64 : index
          %get3A_402 = tpu.vector_load %arg21[%get3A_400, %get3A_401] {strides = array<i32>} : memref<200x256xf32, #tpu.memory_space<vmem>>, vector<16xf32>,
          %add3A_403 = arith.addf %scan3A_372, %get3A_402 : vector<16xf32>
          %get3A_404 = arith.index_cast %add3A_384 : i32 to index
          %get3A_405 = arith.constant 80 : index
          %get3A_406 = tpu.vector_load %arg21[%get3A_404, %get3A_405] {strides = array<i32>} : memref<200x256xf32, #tpu.memory_space<vmem>>, vector<16xf32>,
          %add3A_407 = arith.addf %scan3A_373, %get3A_406 : vector<16xf32>
          %get3A_408 = arith.index_cast %add3A_384 : i32 to index
          %get3A_409 = arith.constant 96 : index
          %get3A_410 = tpu.vector_load %arg21[%get3A_408, %get3A_409] {strides = array<i32>} : memref<200x256xf32, #tpu.memory_space<vmem>>, vector<16xf32>,
          %add3A_411 = arith.addf %scan3A_374, %get3A_410 : vector<16xf32>
          %get3A_412 = arith.index_cast %add3A_384 : i32 to index
          %get3A_413 = arith.constant 112 : index
          %get3A_414 = tpu.vector_load %arg21[%get3A_412, %get3A_413] {strides = array<i32>} : memref<200x256xf32, #tpu.memory_space<vmem>>, vector<16xf32>,
          %add3A_415 = arith.addf %scan3A_375, %get3A_414 : vector<16xf32>
          %get3A_416 = arith.index_cast %add3A_384 : i32 to index
          %get3A_417 = arith.constant 128 : index
          %get3A_418 = tpu.vector_load %arg21[%get3A_416, %get3A_417] {strides = array<i32>} : memref<200x256xf32, #tpu.memory_space<vmem>>, vector<16xf32>,
          %add3A_419 = arith.addf %scan3A_376, %get3A_418 : vector<16xf32>
          %get3A_420 = arith.index_cast %add3A_384 : i32 to index
          %get3A_421 = arith.constant 144 : index
          %get3A_422 = tpu.vector_load %arg21[%get3A_420, %get3A_421] {strides = array<i32>} : memref<200x256xf32, #tpu.memory_space<vmem>>, vector<16xf32>,
          %add3A_423 = arith.addf %scan3A_377, %get3A_422 : vector<16xf32>
          %get3A_424 = arith.index_cast %add3A_384 : i32 to index
          %get3A_425 = arith.constant 160 : index
          %get3A_426 = tpu.vector_load %arg21[%get3A_424, %get3A_425] {strides = array<i32>} : memref<200x256xf32, #tpu.memory_space<vmem>>, vector<16xf32>,
          %add3A_427 = arith.addf %scan3A_378, %get3A_426 : vector<16xf32>
          %get3A_428 = arith.index_cast %add3A_384 : i32 to index
          %get3A_429 = arith.constant 176 : index
          %get3A_430 = tpu.vector_load %arg21[%get3A_428, %get3A_429] {strides = array<i32>} : memref<200x256xf32, #tpu.memory_space<vmem>>, vector<16xf32>,
          %add3A_431 = arith.addf %scan3A_379, %get3A_430 : vector<16xf32>
          %get3A_432 = arith.index_cast %add3A_384 : i32 to index
          %get3A_433 = arith.constant 192 : index
          %get3A_434 = tpu.vector_load %arg21[%get3A_432, %get3A_433] {strides = array<i32>} : memref<200x256xf32, #tpu.memory_space<vmem>>, vector<16xf32>,
          %add3A_435 = arith.addf %scan3A_380, %get3A_434 : vector<16xf32>
          %get3A_436 = arith.index_cast %add3A_384 : i32 to index
          %get3A_437 = arith.constant 208 : index
          %get3A_438 = tpu.vector_load %arg21[%get3A_436, %get3A_437] {strides = array<i32>} : memref<200x256xf32, #tpu.memory_space<vmem>>, vector<16xf32>,
          %add3A_439 = arith.addf %scan3A_381, %get3A_438 : vector<16xf32>
          %get3A_440 = arith.index_cast %add3A_384 : i32 to index
          %get3A_441 = arith.constant 224 : index
          %get3A_442 = tpu.vector_load %arg21[%get3A_440, %get3A_441] {strides = array<i32>} : memref<200x256xf32, #tpu.memory_space<vmem>>, vector<16xf32>,
          %add3A_443 = arith.addf %scan3A_382, %get3A_442 : vector<16xf32>
          %get3A_444 = arith.index_cast %add3A_384 : i32 to index
          %get3A_445 = arith.constant 240 : index
          %get3A_446 = tpu.vector_load %arg21[%get3A_444, %get3A_445] {strides = array<i32>} : memref<200x256xf32, #tpu.memory_space<vmem>>, vector<16xf32>,
          %add3A_447 = arith.addf %scan3A_383, %get3A_446 : vector<16xf32>
          scf.yield %add3A_387, %add3A_391, %add3A_395, %add3A_399, %add3A_403, %add3A_407, %add3A_411, %add3A_415, %add3A_419, %add3A_423, %add3A_427, %add3A_431, %add3A_435, %add3A_439, %add3A_443, %add3A_447 : vector<16xf32>, vector<16xf32>, vector<16xf32>, vector<16xf32>, vector<16xf32>, vector<16xf32>, vector<16xf32>, vector<16xf32>, vector<16xf32>, vector<16xf32>, vector<16xf32>, vector<16xf32>, vector<16xf32>, vector<16xf32>, vector<16xf32>, vector<16xf32>
        }
        %scan3A_271 = arith.constant 25 : i32
        %mul3A_272 = arith.constant 4.000000e-02 : f32
        %mul3A_273 = vector.broadcast %mul3A_272 : f32 to vector<16xf32>
        %mul3A_274 = arith.mulf %scan3A_270#0, %mul3A_273 : vector<16xf32>
        %swap3A = arith.index_cast %scan3A_232 : i32 to index
        %swap3A_275 = arith.constant 0 : index
        %swap3A_276 = tpu.vector_load %arg23[%swap3A, %swap3A_275] {strides = array<i32>} : memref<8x256xf32, #tpu.memory_space<vmem>>, vector<16xf32>,
        tpu.vector_store %arg23[%swap3A, %swap3A_275], %mul3A_274 {strides = array<i32>} : memref<8x256xf32, #tpu.memory_space<vmem>>, vector<16xf32>,
        %mul3A_277 = arith.constant 4.000000e-02 : f32
        %mul3A_278 = vector.broadcast %mul3A_277 : f32 to vector<16xf32>
        %mul3A_279 = arith.mulf %scan3A_270#1, %mul3A_278 : vector<16xf32>
        %swap3A_280 = arith.index_cast %scan3A_232 : i32 to index
        %swap3A_281 = arith.constant 16 : index
        %swap3A_282 = tpu.vector_load %arg23[%swap3A_280, %swap3A_281] {strides = array<i32>} : memref<8x256xf32, #tpu.memory_space<vmem>>, vector<16xf32>,
        tpu.vector_store %arg23[%swap3A_280, %swap3A_281], %mul3A_279 {strides = array<i32>} : memref<8x256xf32, #tpu.memory_space<vmem>>, vector<16xf32>,
        %mul3A_283 = arith.constant 4.000000e-02 : f32
        %mul3A_284 = vector.broadcast %mul3A_283 : f32 to vector<16xf32>
        %mul3A_285 = arith.mulf %scan3A_270#2, %mul3A_284 : vector<16xf32>
        %swap3A_286 = arith.index_cast %scan3A_232 : i32 to index
        %swap3A_287 = arith.constant 32 : index
        %swap3A_288 = tpu.vector_load %arg23[%swap3A_286, %swap3A_287] {strides = array<i32>} : memref<8x256xf32, #tpu.memory_space<vmem>>, vector<16xf32>,
        tpu.vector_store %arg23[%swap3A_286, %swap3A_287], %mul3A_285 {strides = array<i32>} : memref<8x256xf32, #tpu.memory_space<vmem>>, vector<16xf32>,
        %mul3A_289 = arith.constant 4.000000e-02 : f32
        %mul3A_290 = vector.broadcast %mul3A_289 : f32 to vector<16xf32>
        %mul3A_291 = arith.mulf %scan3A_270#3, %mul3A_290 : vector<16xf32>
        %swap3A_292 = arith.index_cast %scan3A_232 : i32 to index
        %swap3A_293 = arith.constant 48 : index
        %swap3A_294 = tpu.vector_load %arg23[%swap3A_292, %swap3A_293] {strides = array<i32>} : memref<8x256xf32, #tpu.memory_space<vmem>>, vector<16xf32>,
        tpu.vector_store %arg23[%swap3A_292, %swap3A_293], %mul3A_291 {strides = array<i32>} : memref<8x256xf32, #tpu.memory_space<vmem>>, vector<16xf32>,
        %mul3A_295 = arith.constant 4.000000e-02 : f32
        %mul3A_296 = vector.broadcast %mul3A_295 : f32 to vector<16xf32>
        %mul3A_297 = arith.mulf %scan3A_270#4, %mul3A_296 : vector<16xf32>
        %swap3A_298 = arith.index_cast %scan3A_232 : i32 to index
        %swap3A_299 = arith.constant 64 : index
        %swap3A_300 = tpu.vector_load %arg23[%swap3A_298, %swap3A_299] {strides = array<i32>} : memref<8x256xf32, #tpu.memory_space<vmem>>, vector<16xf32>,
        tpu.vector_store %arg23[%swap3A_298, %swap3A_299], %mul3A_297 {strides = array<i32>} : memref<8x256xf32, #tpu.memory_space<vmem>>, vector<16xf32>,
        %mul3A_301 = arith.constant 4.000000e-02 : f32
        %mul3A_302 = vector.broadcast %mul3A_301 : f32 to vector<16xf32>
        %mul3A_303 = arith.mulf %scan3A_270#5, %mul3A_302 : vector<16xf32>
        %swap3A_304 = arith.index_cast %scan3A_232 : i32 to index
        %swap3A_305 = arith.constant 80 : index
        %swap3A_306 = tpu.vector_load %arg23[%swap3A_304, %swap3A_305] {strides = array<i32>} : memref<8x256xf32, #tpu.memory_space<vmem>>, vector<16xf32>,
        tpu.vector_store %arg23[%swap3A_304, %swap3A_305], %mul3A_303 {strides = array<i32>} : memref<8x256xf32, #tpu.memory_space<vmem>>, vector<16xf32>,
        %mul3A_307 = arith.constant 4.000000e-02 : f32
        %mul3A_308 = vector.broadcast %mul3A_307 : f32 to vector<16xf32>
        %mul3A_309 = arith.mulf %scan3A_270#6, %mul3A_308 : vector<16xf32>
        %swap3A_310 = arith.index_cast %scan3A_232 : i32 to index
        %swap3A_311 = arith.constant 96 : index
        %swap3A_312 = tpu.vector_load %arg23[%swap3A_310, %swap3A_311] {strides = array<i32>} : memref<8x256xf32, #tpu.memory_space<vmem>>, vector<16xf32>,
        tpu.vector_store %arg23[%swap3A_310, %swap3A_311], %mul3A_309 {strides = array<i32>} : memref<8x256xf32, #tpu.memory_space<vmem>>, vector<16xf32>,
        %mul3A_313 = arith.constant 4.000000e-02 : f32
        %mul3A_314 = vector.broadcast %mul3A_313 : f32 to vector<16xf32>
        %mul3A_315 = arith.mulf %scan3A_270#7, %mul3A_314 : vector<16xf32>
        %swap3A_316 = arith.index_cast %scan3A_232 : i32 to index
        %swap3A_317 = arith.constant 112 : index
        %swap3A_318 = tpu.vector_load %arg23[%swap3A_316, %swap3A_317] {strides = array<i32>} : memref<8x256xf32, #tpu.memory_space<vmem>>, vector<16xf32>,
        tpu.vector_store %arg23[%swap3A_316, %swap3A_317], %mul3A_315 {strides = array<i32>} : memref<8x256xf32, #tpu.memory_space<vmem>>, vector<16xf32>,
        %mul3A_319 = arith.constant 4.000000e-02 : f32
        %mul3A_320 = vector.broadcast %mul3A_319 : f32 to vector<16xf32>
        %mul3A_321 = arith.mulf %scan3A_270#8, %mul3A_320 : vector<16xf32>
        %swap3A_322 = arith.index_cast %scan3A_232 : i32 to index
        %swap3A_323 = arith.constant 128 : index
        %swap3A_324 = tpu.vector_load %arg23[%swap3A_322, %swap3A_323] {strides = array<i32>} : memref<8x256xf32, #tpu.memory_space<vmem>>, vector<16xf32>,
        tpu.vector_store %arg23[%swap3A_322, %swap3A_323], %mul3A_321 {strides = array<i32>} : memref<8x256xf32, #tpu.memory_space<vmem>>, vector<16xf32>,
        %mul3A_325 = arith.constant 4.000000e-02 : f32
        %mul3A_326 = vector.broadcast %mul3A_325 : f32 to vector<16xf32>
        %mul3A_327 = arith.mulf %scan3A_270#9, %mul3A_326 : vector<16xf32>
        %swap3A_328 = arith.index_cast %scan3A_232 : i32 to index
        %swap3A_329 = arith.constant 144 : index
        %swap3A_330 = tpu.vector_load %arg23[%swap3A_328, %swap3A_329] {strides = array<i32>} : memref<8x256xf32, #tpu.memory_space<vmem>>, vector<16xf32>,
        tpu.vector_store %arg23[%swap3A_328, %swap3A_329], %mul3A_327 {strides = array<i32>} : memref<8x256xf32, #tpu.memory_space<vmem>>, vector<16xf32>,
        %mul3A_331 = arith.constant 4.000000e-02 : f32
        %mul3A_332 = vector.broadcast %mul3A_331 : f32 to vector<16xf32>
        %mul3A_333 = arith.mulf %scan3A_270#10, %mul3A_332 : vector<16xf32>
        %swap3A_334 = arith.index_cast %scan3A_232 : i32 to index
        %swap3A_335 = arith.constant 160 : index
        %swap3A_336 = tpu.vector_load %arg23[%swap3A_334, %swap3A_335] {strides = array<i32>} : memref<8x256xf32, #tpu.memory_space<vmem>>, vector<16xf32>,
        tpu.vector_store %arg23[%swap3A_334, %swap3A_335], %mul3A_333 {strides = array<i32>} : memref<8x256xf32, #tpu.memory_space<vmem>>, vector<16xf32>,
        %mul3A_337 = arith.constant 4.000000e-02 : f32
        %mul3A_338 = vector.broadcast %mul3A_337 : f32 to vector<16xf32>
        %mul3A_339 = arith.mulf %scan3A_270#11, %mul3A_338 : vector<16xf32>
        %swap3A_340 = arith.index_cast %scan3A_232 : i32 to index
        %swap3A_341 = arith.constant 176 : index
        %swap3A_342 = tpu.vector_load %arg23[%swap3A_340, %swap3A_341] {strides = array<i32>} : memref<8x256xf32, #tpu.memory_space<vmem>>, vector<16xf32>,
        tpu.vector_store %arg23[%swap3A_340, %swap3A_341], %mul3A_339 {strides = array<i32>} : memref<8x256xf32, #tpu.memory_space<vmem>>, vector<16xf32>,
        %mul3A_343 = arith.constant 4.000000e-02 : f32
        %mul3A_344 = vector.broadcast %mul3A_343 : f32 to vector<16xf32>
        %mul3A_345 = arith.mulf %scan3A_270#12, %mul3A_344 : vector<16xf32>
        %swap3A_346 = arith.index_cast %scan3A_232 : i32 to index
        %swap3A_347 = arith.constant 192 : index
        %swap3A_348 = tpu.vector_load %arg23[%swap3A_346, %swap3A_347] {strides = array<i32>} : memref<8x256xf32, #tpu.memory_space<vmem>>, vector<16xf32>,
        tpu.vector_store %arg23[%swap3A_346, %swap3A_347], %mul3A_345 {strides = array<i32>} : memref<8x256xf32, #tpu.memory_space<vmem>>, vector<16xf32>,
        %mul3A_349 = arith.constant 4.000000e-02 : f32
        %mul3A_350 = vector.broadcast %mul3A_349 : f32 to vector<16xf32>
        %mul3A_351 = arith.mulf %scan3A_270#13, %mul3A_350 : vector<16xf32>
        %swap3A_352 = arith.index_cast %scan3A_232 : i32 to index
        %swap3A_353 = arith.constant 208 : index
        %swap3A_354 = tpu.vector_load %arg23[%swap3A_352, %swap3A_353] {strides = array<i32>} : memref<8x256xf32, #tpu.memory_space<vmem>>, vector<16xf32>,
        tpu.vector_store %arg23[%swap3A_352, %swap3A_353], %mul3A_351 {strides = array<i32>} : memref<8x256xf32, #tpu.memory_space<vmem>>, vector<16xf32>,
        %mul3A_355 = arith.constant 4.000000e-02 : f32
        %mul3A_356 = vector.broadcast %mul3A_355 : f32 to vector<16xf32>
        %mul3A_357 = arith.mulf %scan3A_270#14, %mul3A_356 : vector<16xf32>
        %swap3A_358 = arith.index_cast %scan3A_232 : i32 to index
        %swap3A_359 = arith.constant 224 : index
        %swap3A_360 = tpu.vector_load %arg23[%swap3A_358, %swap3A_359] {strides = array<i32>} : memref<8x256xf32, #tpu.memory_space<vmem>>, vector<16xf32>,
        tpu.vector_store %arg23[%swap3A_358, %swap3A_359], %mul3A_357 {strides = array<i32>} : memref<8x256xf32, #tpu.memory_space<vmem>>, vector<16xf32>,
        %mul3A_361 = arith.constant 4.000000e-02 : f32
        %mul3A_362 = vector.broadcast %mul3A_361 : f32 to vector<16xf32>
        %mul3A_363 = arith.mulf %scan3A_270#15, %mul3A_362 : vector<16xf32>
        %swap3A_364 = arith.index_cast %scan3A_232 : i32 to index
        %swap3A_365 = arith.constant 240 : index
        %swap3A_366 = tpu.vector_load %arg23[%swap3A_364, %swap3A_365] {strides = array<i32>} : memref<8x256xf32, #tpu.memory_space<vmem>>, vector<16xf32>,
        tpu.vector_store %arg23[%swap3A_364, %swap3A_365], %mul3A_363 {strides = array<i32>} : memref<8x256xf32, #tpu.memory_space<vmem>>, vector<16xf32>,
      }
      %scan3A_221 = arith.constant 8 : i32
      %mul3A_222 = arith.constant 320 : i32
      %mul3A_223 = arith.muli %add3A, %mul3A_222 : i32
      %mul3A_224 = arith.constant 8 : i32
      %mul3A_225 = arith.muli %add3A_215, %mul3A_224 : i32
      %add3A_226 = arith.addi %mul3A_223, %mul3A_225 : i32
      "tpu.region"() ({
        %run_scoped3A = tpu.sem_alloc : memref<!tpu.dma_semaphore, #tpu.memory_space<semaphore_mem>>
        %dma_start3A_232 = arith.constant 0 : i32
        %dma_start3A_233 = tpu.memref_slice %arg9[%add3A_226, %dma_start3A_232] : memref<10240x256xf32, #tpu.memory_space<hbm>> -> memref<8x256xf32, #tpu.memory_space<hbm>>
        %dma_start3A_234 = arith.constant 0 : i32
        %dma_start3A_235 = tpu.memref_slice %arg9[%add3A_226, %dma_start3A_234] : memref<10240x256xf32, #tpu.memory_space<hbm>> -> memref<8x256xf32, #tpu.memory_space<hbm>>
        tpu.enqueue_dma source(%arg23 : memref<8x256xf32, #tpu.memory_space<vmem>>) target(%dma_start3A_235 : memref<8x256xf32, #tpu.memory_space<hbm>>) target_semaphore(%run_scoped3A : memref<!tpu.dma_semaphore, #tpu.memory_space<semaphore_mem>>)
        %dma_wait3A_236 = arith.constant 0 : i32
        %dma_wait3A_237 = tpu.memref_slice %arg9[%add3A_226, %dma_wait3A_236] : memref<10240x256xf32, #tpu.memory_space<hbm>> -> memref<8x256xf32, #tpu.memory_space<hbm>>
        %dma_wait3A_238 = arith.constant 0 : i32
        %dma_wait3A_239 = tpu.memref_slice %arg9[%add3A_226, %dma_wait3A_238] : memref<10240x256xf32, #tpu.memory_space<hbm>> -> memref<8x256xf32, #tpu.memory_space<hbm>>
        tpu.wait_dma2 semaphore(%run_scoped3A : memref<!tpu.dma_semaphore, #tpu.memory_space<semaphore_mem>>) src(%arg23 : memref<8x256xf32, #tpu.memory_space<vmem>>) dst(%dma_wait3A_239 : memref<8x256xf32, #tpu.memory_space<hbm>>)
        tpu.yield
      }) : () -> ()
      %lt3A_227 = arith.constant 19 : i32
      %lt3A_228 = arith.cmpi slt, %scan3A_186, %lt3A_227 : i32
      %convert_element_type3A_229 = arith.extui %lt3A_228 : i1 to i32
      %cond3A_230 = arith.constant 0 : i32
      %cond3A_231 = arith.cmpi ne, %convert_element_type3A_229, %cond3A_230 : i32
      scf.if %cond3A_231 {
        %add3A_232 = arith.constant 3 : i32
        %add3A_233 = arith.addi %mul3A_188, %add3A_232 : i32
        %mul3A_234 = arith.constant 200 : i32
        %mul3A_235 = arith.muli %add3A_233, %mul3A_234 : i32
        %dma_start3A_236 = arith.constant 0 : i32
        %dma_start3A_237 = arith.constant 0 : i32
        %dma_start3A_238 = tpu.memref_slice %arg21[%dma_start3A_236, %dma_start3A_237] : memref<200x256xf32, #tpu.memory_space<vmem>> -> memref<128x256xf32, #tpu.memory_space<vmem>>
        %dma_start3A_239 = tpu.memref_slice %arg20[%mul3A_235] : memref<8000xi32, #tpu.memory_space<vmem>> -> memref<128xi32, #tpu.memory_space<vmem>>
        %dma_start3A_240 = arith.constant 0 : i32
        %dma_start3A_241 = arith.constant 0 : i32
        %dma_start3A_242 = tpu.memref_slice %arg4[%dma_start3A_240, %dma_start3A_241] : memref<50000x256xf32, #tpu.memory_space<hbm>> -> memref<50000x256xf32, #tpu.memory_space<hbm>>
        tpu.enqueue_indirect_dma source(%dma_start3A_242 : memref<50000x256xf32, #tpu.memory_space<hbm>>) target(%dma_start3A_238 : memref<128x256xf32, #tpu.memory_space<vmem>>) offsets(%dma_start3A_239 : memref<128xi32, #tpu.memory_space<vmem>>) semaphore(%arg24 : memref<!tpu.dma_semaphore, #tpu.memory_space<semaphore_mem>>)
        %add3A_243 = arith.constant 128 : i32
        %add3A_244 = arith.addi %mul3A_235, %add3A_243 : i32
        %dma_start3A_245 = arith.constant 128 : i32
        %dma_start3A_246 = arith.constant 0 : i32
        %dma_start3A_247 = tpu.memref_slice %arg21[%dma_start3A_245, %dma_start3A_246] : memref<200x256xf32, #tpu.memory_space<vmem>> -> memref<72x256xf32, #tpu.memory_space<vmem>>
        %dma_start3A_248 = tpu.memref_slice %arg20[%add3A_244] : memref<8000xi32, #tpu.memory_space<vmem>> -> memref<72xi32, #tpu.memory_space<vmem>>
        %dma_start3A_249 = arith.constant 0 : i32
        %dma_start3A_250 = arith.constant 0 : i32
        %dma_start3A_251 = tpu.memref_slice %arg4[%dma_start3A_249, %dma_start3A_250] : memref<50000x256xf32, #tpu.memory_space<hbm>> -> memref<50000x256xf32, #tpu.memory_space<hbm>>
        tpu.enqueue_indirect_dma source(%dma_start3A_251 : memref<50000x256xf32, #tpu.memory_space<hbm>>) target(%dma_start3A_247 : memref<72x256xf32, #tpu.memory_space<vmem>>) offsets(%dma_start3A_248 : memref<72xi32, #tpu.memory_space<vmem>>) semaphore(%arg24 : memref<!tpu.dma_semaphore, #tpu.memory_space<semaphore_mem>>)
      } else {
      }
    }
    %scan3A_185 = arith.constant 20 : i32
    return
  }
}

module attributes {stable_mosaic.version = 14 : i64} {
  func.func @_tc_body(%arg0: i32, %arg1: memref<1280x256xf32, #tpu.memory_space<vmem>>, %arg2: memref<1280x256xf32, #tpu.memory_space<vmem>>, %arg3: memref<1024x256xf32, #tpu.memory_space<vmem>>, %arg4: memref<512x256xf32, #tpu.memory_space<vmem>>, %arg5: memref<512x256xf32, #tpu.memory_space<vmem>>, %arg6: memref<256x128xf32, #tpu.memory_space<vmem>>, %arg7: memref<1x128xf32, #tpu.memory_space<vmem>>, %arg8: memref<1024x128xf32, #tpu.memory_space<vmem>>, %arg9: memref<1024x256xf32, #tpu.memory_space<vmem>>, %arg10: memref<1024x256xf32, #tpu.memory_space<vmem>>) attributes {dimension_semantics = [#tpu.dimension_semantics<arbitrary>], iteration_bounds = array<i64: 8>, scalar_prefetch = 0 : i64, scratch_operands = 2 : i64, tpu.core_type = #tpu.core_type<tc>, window_params = [{transform_indices = @transform_0, window_bounds = array<i64: 1280, 256>}, {transform_indices = @transform_1, window_bounds = array<i64: 1280, 256>}, {pipeline_mode = #tpu.pipeline_mode<synchronous>, transform_indices = @transform_2, window_bounds = array<i64: 1024, 256>}, {pipeline_mode = #tpu.pipeline_mode<synchronous>, transform_indices = @transform_3, window_bounds = array<i64: 512, 256>}, {pipeline_mode = #tpu.pipeline_mode<synchronous>, transform_indices = @transform_4, window_bounds = array<i64: 512, 256>}, {pipeline_mode = #tpu.pipeline_mode<synchronous>, transform_indices = @transform_5, window_bounds = array<i64: 256, 128>}, {pipeline_mode = #tpu.pipeline_mode<synchronous>, transform_indices = @transform_6, window_bounds = array<i64: 1, 128>}, {pipeline_mode = #tpu.pipeline_mode<synchronous>, transform_indices = @transform_7, window_bounds = array<i64: 1024, 128>}]} {
    %get3A = arith.constant 0 : index
    %get3A_0 = arith.constant 0 : index
    %get3A_1 = vector.load %arg1[%get3A, %get3A_0] : memref<1280x256xf32, #tpu.memory_space<vmem>>, vector<1280x256xf32>
    %get3A_2 = arith.constant 0 : index
    %get3A_3 = arith.constant 0 : index
    %get3A_4 = vector.load %arg4[%get3A_2, %get3A_3] : memref<512x256xf32, #tpu.memory_space<vmem>>, vector<512x256xf32>
    %slice3A = vector.extract_strided_slice %get3A_4 {offsets = [0, 0], sizes = [256, 256], strides = [1, 1]} : vector<512x256xf32> to vector<256x256xf32>
    %dot_general3A = arith.constant dense<0.000000e+00> : vector<1280x256xf32>
    %dot_general3A_5 = tpu.matmul %get3A_1, %slice3A, %dot_general3A {dimension_numbers = #tpu.dot_dimension_numbers<[1], [0], [0], [1], [0, 0, 1, 1], [], []>, transpose_lhs_hint = false} : vector<1280x256xf32>, vector<256x256xf32>, vector<1280x256xf32> -> vector<1280x256xf32>
    %get3A_6 = arith.constant 0 : index
    %get3A_7 = arith.constant 0 : index
    %get3A_8 = vector.load %arg2[%get3A_6, %get3A_7] : memref<1280x256xf32, #tpu.memory_space<vmem>>, vector<1280x256xf32>
    %slice3A_9 = vector.extract_strided_slice %get3A_4 {offsets = [256, 0], sizes = [256, 256], strides = [1, 1]} : vector<512x256xf32> to vector<256x256xf32>
    %dot_general3A_10 = arith.constant dense<0.000000e+00> : vector<1280x256xf32>
    %dot_general3A_11 = tpu.matmul %get3A_8, %slice3A_9, %dot_general3A_10 {dimension_numbers = #tpu.dot_dimension_numbers<[1], [0], [0], [1], [0, 0, 1, 1], [], []>, transpose_lhs_hint = false} : vector<1280x256xf32>, vector<256x256xf32>, vector<1280x256xf32> -> vector<1280x256xf32>
    %add3A = arith.addf %dot_general3A_5, %dot_general3A_11 : vector<1280x256xf32>
    %max3A = arith.constant 0.000000e+00 : f32
    %max3A_12 = vector.broadcast %max3A : f32 to vector<1280x256xf32>
    %max3A_13 = arith.maximumf %add3A, %max3A_12 : vector<1280x256xf32>
    %mul3A = arith.mulf %max3A_13, %max3A_13 : vector<1280x256xf32>
    %reduce_sum3A = arith.constant dense<0.000000e+00> : vector<1280xf32>
    %reduce_sum3A_14 = vector.multi_reduction <add>, %mul3A, %reduce_sum3A [1] : vector<1280x256xf32> to vector<1280xf32>
    %broadcast_in_dim3A = vector.shape_cast %reduce_sum3A_14 : vector<1280xf32> to vector<1280x1xf32>
    %sqrt3A = math.sqrt %broadcast_in_dim3A : vector<1280x1xf32>
    %add3A_15 = arith.constant 9.99999993E-9 : f32
    %add3A_16 = vector.broadcast %add3A_15 : f32 to vector<1280x1xf32>
    %add3A_17 = arith.addf %sqrt3A, %add3A_16 : vector<1280x1xf32>
    %div3A = vector.broadcast %add3A_17 : vector<1280x1xf32> to vector<1280x256xf32>
    %div3A_18 = arith.divf %max3A_13, %div3A : vector<1280x256xf32>
    %reshape3A = vector.shape_cast %div3A_18 : vector<1280x256xf32> to vector<128x10x256xf32>
    %reduce_sum3A_19 = arith.constant dense<0.000000e+00> : vector<128x256xf32>
    %reduce_sum3A_20 = vector.multi_reduction <add>, %reshape3A, %reduce_sum3A_19 [1] : vector<128x10x256xf32> to vector<128x256xf32>
    %div3A_21 = arith.constant 1.000000e+01 : f32
    %div3A_22 = vector.broadcast %div3A_21 : f32 to vector<128x256xf32>
    %div3A_23 = arith.divf %reduce_sum3A_20, %div3A_22 : vector<128x256xf32>
    %mul3A_24 = arith.constant 128 : i32
    %mul3A_25 = arith.muli %arg0, %mul3A_24 : i32
    %swap3A = arith.index_cast %mul3A_25 : i32 to index
    %swap3A_26 = arith.constant 0 : index
    %swap3A_27 = vector.load %arg9[%swap3A, %swap3A_26] : memref<1024x256xf32, #tpu.memory_space<vmem>>, vector<128x256xf32>
    tpu.vector_store %arg9[%swap3A, %swap3A_26], %div3A_23 {strides = array<i32>} : memref<1024x256xf32, #tpu.memory_space<vmem>>, vector<128x256xf32>,
    %reshape3A_28 = vector.shape_cast %get3A_1 : vector<1280x256xf32> to vector<128x10x256xf32>
    %reduce_sum3A_29 = arith.constant dense<0.000000e+00> : vector<128x256xf32>
    %reduce_sum3A_30 = vector.multi_reduction <add>, %reshape3A_28, %reduce_sum3A_29 [1] : vector<128x10x256xf32> to vector<128x256xf32>
    %div3A_31 = arith.constant 1.000000e+01 : f32
    %div3A_32 = vector.broadcast %div3A_31 : f32 to vector<128x256xf32>
    %div3A_33 = arith.divf %reduce_sum3A_30, %div3A_32 : vector<128x256xf32>
    %mul3A_34 = arith.constant 128 : i32
    %mul3A_35 = arith.muli %arg0, %mul3A_34 : i32
    %swap3A_36 = arith.index_cast %mul3A_35 : i32 to index
    %swap3A_37 = arith.constant 0 : index
    %swap3A_38 = vector.load %arg10[%swap3A_36, %swap3A_37] : memref<1024x256xf32, #tpu.memory_space<vmem>>, vector<128x256xf32>
    tpu.vector_store %arg10[%swap3A_36, %swap3A_37], %div3A_33 {strides = array<i32>} : memref<1024x256xf32, #tpu.memory_space<vmem>>, vector<128x256xf32>,
    %eq3A = arith.constant 7 : i32
    %eq3A_39 = arith.cmpi eq, %arg0, %eq3A : i32
    %convert_element_type3A = arith.extui %eq3A_39 : i1 to i32
    %cond3A = arith.constant 0 : i32
    %cond3A_40 = arith.cmpi ne, %convert_element_type3A, %cond3A : i32
    scf.if %cond3A_40 {
      %get3A_41 = arith.constant 0 : index
      %get3A_42 = arith.constant 0 : index
      %get3A_43 = vector.load %arg3[%get3A_41, %get3A_42] : memref<1024x256xf32, #tpu.memory_space<vmem>>, vector<1024x256xf32>
      %slice3A_44 = vector.extract_strided_slice %get3A_4 {offsets = [0, 0], sizes = [256, 256], strides = [1, 1]} : vector<512x256xf32> to vector<256x256xf32>
      %dot_general3A_45 = arith.constant dense<0.000000e+00> : vector<1024x256xf32>
      %dot_general3A_46 = tpu.matmul %get3A_43, %slice3A_44, %dot_general3A_45 {dimension_numbers = #tpu.dot_dimension_numbers<[1], [0], [0], [1], [0, 0, 1, 1], [], []>, transpose_lhs_hint = false} : vector<1024x256xf32>, vector<256x256xf32>, vector<1024x256xf32> -> vector<1024x256xf32>
      %get3A_47 = arith.constant 0 : index
      %get3A_48 = arith.constant 0 : index
      %get3A_49 = vector.load %arg10[%get3A_47, %get3A_48] : memref<1024x256xf32, #tpu.memory_space<vmem>>, vector<1024x256xf32>
      %slice3A_50 = vector.extract_strided_slice %get3A_4 {offsets = [256, 0], sizes = [256, 256], strides = [1, 1]} : vector<512x256xf32> to vector<256x256xf32>
      %dot_general3A_51 = arith.constant dense<0.000000e+00> : vector<1024x256xf32>
      %dot_general3A_52 = tpu.matmul %get3A_49, %slice3A_50, %dot_general3A_51 {dimension_numbers = #tpu.dot_dimension_numbers<[1], [0], [0], [1], [0, 0, 1, 1], [], []>, transpose_lhs_hint = false} : vector<1024x256xf32>, vector<256x256xf32>, vector<1024x256xf32> -> vector<1024x256xf32>
      %add3A_53 = arith.addf %dot_general3A_46, %dot_general3A_52 : vector<1024x256xf32>
      %max3A_54 = arith.constant 0.000000e+00 : f32
      %max3A_55 = vector.broadcast %max3A_54 : f32 to vector<1024x256xf32>
      %max3A_56 = arith.maximumf %add3A_53, %max3A_55 : vector<1024x256xf32>
      %mul3A_57 = arith.mulf %max3A_56, %max3A_56 : vector<1024x256xf32>
      %reduce_sum3A_58 = arith.constant dense<0.000000e+00> : vector<1024xf32>
      %reduce_sum3A_59 = vector.multi_reduction <add>, %mul3A_57, %reduce_sum3A_58 [1] : vector<1024x256xf32> to vector<1024xf32>
      %broadcast_in_dim3A_60 = vector.shape_cast %reduce_sum3A_59 : vector<1024xf32> to vector<1024x1xf32>
      %sqrt3A_61 = math.sqrt %broadcast_in_dim3A_60 : vector<1024x1xf32>
      %add3A_62 = arith.constant 9.99999993E-9 : f32
      %add3A_63 = vector.broadcast %add3A_62 : f32 to vector<1024x1xf32>
      %add3A_64 = arith.addf %sqrt3A_61, %add3A_63 : vector<1024x1xf32>
      %div3A_65 = vector.broadcast %add3A_64 : vector<1024x1xf32> to vector<1024x256xf32>
      %div3A_66 = arith.divf %max3A_56, %div3A_65 : vector<1024x256xf32>
      %get3A_67 = arith.constant 0 : index
      %get3A_68 = arith.constant 0 : index
      %get3A_69 = vector.load %arg5[%get3A_67, %get3A_68] : memref<512x256xf32, #tpu.memory_space<vmem>>, vector<512x256xf32>
      %slice3A_70 = vector.extract_strided_slice %get3A_69 {offsets = [0, 0], sizes = [256, 256], strides = [1, 1]} : vector<512x256xf32> to vector<256x256xf32>
      %dot_general3A_71 = arith.constant dense<0.000000e+00> : vector<1024x256xf32>
      %dot_general3A_72 = tpu.matmul %div3A_66, %slice3A_70, %dot_general3A_71 {dimension_numbers = #tpu.dot_dimension_numbers<[1], [0], [0], [1], [0, 0, 1, 1], [], []>, transpose_lhs_hint = false} : vector<1024x256xf32>, vector<256x256xf32>, vector<1024x256xf32> -> vector<1024x256xf32>
      %get3A_73 = arith.constant 0 : index
      %get3A_74 = arith.constant 0 : index
      %get3A_75 = vector.load %arg9[%get3A_73, %get3A_74] : memref<1024x256xf32, #tpu.memory_space<vmem>>, vector<1024x256xf32>
      %slice3A_76 = vector.extract_strided_slice %get3A_69 {offsets = [256, 0], sizes = [256, 256], strides = [1, 1]} : vector<512x256xf32> to vector<256x256xf32>
      %dot_general3A_77 = arith.constant dense<0.000000e+00> : vector<1024x256xf32>
      %dot_general3A_78 = tpu.matmul %get3A_75, %slice3A_76, %dot_general3A_77 {dimension_numbers = #tpu.dot_dimension_numbers<[1], [0], [0], [1], [0, 0, 1, 1], [], []>, transpose_lhs_hint = false} : vector<1024x256xf32>, vector<256x256xf32>, vector<1024x256xf32> -> vector<1024x256xf32>
      %add3A_79 = arith.addf %dot_general3A_72, %dot_general3A_78 : vector<1024x256xf32>
      %max3A_80 = arith.constant 0.000000e+00 : f32
      %max3A_81 = vector.broadcast %max3A_80 : f32 to vector<1024x256xf32>
      %max3A_82 = arith.maximumf %add3A_79, %max3A_81 : vector<1024x256xf32>
      %mul3A_83 = arith.mulf %max3A_82, %max3A_82 : vector<1024x256xf32>
      %reduce_sum3A_84 = arith.constant dense<0.000000e+00> : vector<1024xf32>
      %reduce_sum3A_85 = vector.multi_reduction <add>, %mul3A_83, %reduce_sum3A_84 [1] : vector<1024x256xf32> to vector<1024xf32>
      %broadcast_in_dim3A_86 = vector.shape_cast %reduce_sum3A_85 : vector<1024xf32> to vector<1024x1xf32>
      %sqrt3A_87 = math.sqrt %broadcast_in_dim3A_86 : vector<1024x1xf32>
      %add3A_88 = arith.constant 9.99999993E-9 : f32
      %add3A_89 = vector.broadcast %add3A_88 : f32 to vector<1024x1xf32>
      %add3A_90 = arith.addf %sqrt3A_87, %add3A_89 : vector<1024x1xf32>
      %div3A_91 = vector.broadcast %add3A_90 : vector<1024x1xf32> to vector<1024x256xf32>
      %div3A_92 = arith.divf %max3A_82, %div3A_91 : vector<1024x256xf32>
      %get3A_93 = arith.constant 0 : index
      %get3A_94 = arith.constant 0 : index
      %get3A_95 = vector.load %arg6[%get3A_93, %get3A_94] : memref<256x128xf32, #tpu.memory_space<vmem>>, vector<256x128xf32>
      %dot_general3A_96 = arith.constant dense<0.000000e+00> : vector<1024x128xf32>
      %dot_general3A_97 = tpu.matmul %div3A_92, %get3A_95, %dot_general3A_96 {dimension_numbers = #tpu.dot_dimension_numbers<[1], [0], [0], [1], [0, 0, 1, 1], [], []>, transpose_lhs_hint = false} : vector<1024x256xf32>, vector<256x128xf32>, vector<1024x128xf32> -> vector<1024x128xf32>
      %get3A_98 = arith.constant 0 : index
      %get3A_99 = arith.constant 0 : index
      %get3A_100 = vector.load %arg7[%get3A_98, %get3A_99] : memref<1x128xf32, #tpu.memory_space<vmem>>, vector<1x128xf32>
      %add3A_101 = vector.broadcast %get3A_100 : vector<1x128xf32> to vector<1024x128xf32>
      %add3A_102 = arith.addf %dot_general3A_97, %add3A_101 : vector<1024x128xf32>
      %swap3A_103 = arith.constant 0 : index
      %swap3A_104 = arith.constant 0 : index
      %swap3A_105 = vector.load %arg8[%swap3A_103, %swap3A_104] : memref<1024x128xf32, #tpu.memory_space<vmem>>, vector<1024x128xf32>
      tpu.vector_store %arg8[%swap3A_103, %swap3A_104], %add3A_102 {strides = array<i32>} : memref<1024x128xf32, #tpu.memory_space<vmem>>, vector<1024x128xf32>,
    } else {
    }
    return
  }
  func.func @transform_0(%arg0: i32) -> (i32, i32) {
    %c0_i32 = arith.constant 0 : i32
    %c0_i32_0 = arith.constant 0 : i32
    return %arg0, %c0_i32 : i32, i32
  }
  func.func @transform_1(%arg0: i32) -> (i32, i32) {
    %c0_i32 = arith.constant 0 : i32
    %c0_i32_0 = arith.constant 0 : i32
    return %arg0, %c0_i32 : i32, i32
  }
  func.func @transform_2(%arg0: i32) -> (i32, i32) {
    %c0_i32 = arith.constant 0 : i32
    %c0_i32_0 = arith.constant 0 : i32
    %c0_i32_1 = arith.constant 0 : i32
    return %c0_i32, %c0_i32_0 : i32, i32
  }
  func.func @transform_3(%arg0: i32) -> (i32, i32) {
    %c0_i32 = arith.constant 0 : i32
    %c0_i32_0 = arith.constant 0 : i32
    %c0_i32_1 = arith.constant 0 : i32
    return %c0_i32, %c0_i32_0 : i32, i32
  }
  func.func @transform_4(%arg0: i32) -> (i32, i32) {
    %c0_i32 = arith.constant 0 : i32
    %c0_i32_0 = arith.constant 0 : i32
    %c0_i32_1 = arith.constant 0 : i32
    return %c0_i32, %c0_i32_0 : i32, i32
  }
  func.func @transform_5(%arg0: i32) -> (i32, i32) {
    %c0_i32 = arith.constant 0 : i32
    %c0_i32_0 = arith.constant 0 : i32
    %c0_i32_1 = arith.constant 0 : i32
    return %c0_i32, %c0_i32_0 : i32, i32
  }
  func.func @transform_6(%arg0: i32) -> (i32, i32) {
    %c0_i32 = arith.constant 0 : i32
    %c0_i32_0 = arith.constant 0 : i32
    %c0_i32_1 = arith.constant 0 : i32
    return %c0_i32, %c0_i32_0 : i32, i32
  }
  func.func @transform_7(%arg0: i32) -> (i32, i32) {
    %c0_i32 = arith.constant 0 : i32
    %c0_i32_0 = arith.constant 0 : i32
    %c0_i32_1 = arith.constant 0 : i32
    return %c0_i32, %c0_i32_0 : i32, i32
  }
}

</mosaic_0001>

<sc_bundles>
// kernel: kernel.4.cloned.1.call-start
scs
__scs_entry_jumppad:
0x0: {  	(pc) =	sbr.rel $0x88, $3  }
0x1: {  	(tag) =	ssettag $0x0;
	lr =	simm.s32 $0x1  }
0x2: {  	[smem:$0x3F9A] =	sst lr;
	_ =	strace $0xD0000000  }
0x3: {  	_ = 	snop  }
0x4: {  	_ = 	snop  }
0x5: {  	_ = 	snop  }
0x6: {  	_ = 	snop  }
0x7: {  	_ = 	snop  }
__scs_overlays_trampoline_lowered:
0x8: {  	[smem:$0x3FA9] =	sst s0  }
0x9: {  	[smem:$0x3FAA] =	sst s1  }
0xa: {  	[smem:$0x3FAB] =	sst s2  }
0xb: {  	[smem:$0x3FAC] =	sst s3  }
0xc: {  	[smem:$0x3FAD] =	sst s4  }
0xd: {  	[smem:$0x3FAE] =	sst s5  }
0xe: {  	[smem:$0x3FAF] =	sst s6  }
0xf: {  	[smem:$0x3FB0] =	sst s7  }
0x10: {  	[smem:$0x3FB1] =	sst s8  }
0x11: {  	[smem:$0x3FB2] =	sst s9;
	s0 =	simm.s32 @!p0 $0x0  }
0x12: {  	s1 =	sld [smem:$0x3F98];
	s0 =	simm.s32 @p0 $0x1  }
0x13: {  	[smem:$0x3FB3] =	sst s0;
	s0 =	simm.s32 @!p1 $0x0  }
0x14: {  	s2 =	sld [smem:$0x3F97];
	s0 =	simm.s32 @p1 $0x1  }
0x15: {  	[smem:$0x3FB4] =	sst s0;
	s0 =	simm.s32 @!p2 $0x0  }
0x16: {  	s3 =	sld [smem:$0x3FDB];
	s0 =	simm.s32 @p2 $0x1  }
0x17: {  	s4 =	simm.s32 $0x1BF5;
	[smem:$0x3FB6] =	sst s0  }
0x18: {  	s0 =	sld [smem:$0x3F99];
	_ =	swait.ge [sflag:s4], $0x0  }
0x19: {  	s7 =	sld [smem:$0x3F9A]  }
0x1a: {  	s8 =	sadd.s32 $0xFFFFE003, lr  }
0x1b: {  	s9 =	sadd.s32 $0xFFFFFEF7, lr;
	s5 =	simm.s32 $0xFFFFFFFF;
	p2 =	slt.u32 s8, $0xFFFFF086  }
0x1c: {  	p1 =	slt.u32 s9, $0xF7A;
	s5 =	simm.s32 @!p2 $0x0  }
0x1d: {  	s5 =	simm.s32 @p1 $0x1;
	p0 =	seq.s32 s7, s2  }
0x1e: {  	s7 =	smul.u32 @!p0 $0xF7A, s2;
	p2 =	seq.s32 @!p0 s5, $0x0  }
0x1f: {  	s9 =	smul.u32 $0xF7A, s1;
	s8 =	simm.s32 @!p0 $0x1BF5;
	p2 =	por !p2, p0  }
0x20: {  	[sflag:s8] =	ssyncset.s32 @!p0 $0xFFFFF086;
	s6 =	sadd.s32 @!p0 s3, s7;
	s7 =	simm.s32 @!p0 $0x108  }
0x21: {  	s3 =	sadd.s32 s3, s9;
	s6 =	sadd.s32 @!p0 $0x88, s6;
	s7 =	simm.s32 @p2 $0x1082  }
0x22: {  	[simem:s7], [sflag:s8] =	dma.local @!p0 [hbm:s6], $0xF7A  }
0x23: {  	s9 =	sor.u32 $0xD0000000, s2;
	s6 =	simm.s32 $0x108;
	_ =	swait.ge @!p0 [sflag:s8], $0x0  }
0x24: {  	s3 =	sadd.s32 $0x88, s3;
	s6 =	simm.s32 @!p1 $0x1082;
	[sflag:s4] =	ssyncset.s32 $0xFFFFF086  }
0x25: {  	[simem:s6], [sflag:s4] =	dma.local [hbm:s3], $0xF7A  }
0x26: {  	[smem:$0x3F9A] =	sst s1;
	(tag) =	ssettag s2;
	_ =	strace s9  }
0x27: {  	s1 =	sld [smem:$0x3FAA]  }
0x28: {  	s2 =	sld [smem:$0x3FAB]  }
0x29: {  	s4 =	sld [smem:$0x3FAD]  }
0x2a: {  	p0 =	seq.s32 s5, $0x0;
	s5 =	sld [smem:$0x3FAE]  }
0x2b: {  	s6 =	sld [smem:$0x3FAF]  }
0x2c: {  	s7 =	sld [smem:$0x3FB0]  }
0x2d: {  	s3 =	simm.s32 $0x108;
	s8 =	sld [smem:$0x3FB1]  }
0x2e: {  	s3 =	simm.s32 @!p0 $0x1082;
	s9 =	sld [smem:$0x3FB2]  }
0x2f: {  	lr =	sadd.s32 s0, s3;
	s0 =	sld [smem:$0x3FA9]  }
0x30: {  	s3 =	sld [smem:$0x3FAC]  }
0x31: {  	[smem:$0x3FB5] =	sst s10  }
0x32: {  	s10 =	sld [smem:$0x3FB3];
	_ =	sdelay $0x3  }
0x33: {  	p0 =	seq.s32 s10, $0x1;
	s10 =	sld [smem:$0x3FB5];
	_ =	sdelay $0x3  }
0x34: {  	[smem:$0x3FB5] =	sst s10  }
0x35: {  	s10 =	sld [smem:$0x3FB4];
	_ =	sdelay $0x3  }
0x36: {  	p1 =	seq.s32 s10, $0x1;
	s10 =	sld [smem:$0x3FB5];
	_ =	sdelay $0x3  }
0x37: {  	[smem:$0x3FB5] =	sst s10  }
0x38: {  	s10 =	sld [smem:$0x3FB6]  }
0x39: {  	_ = 	snop;
	(pc) =	sbr.ind lr, $3  }
0x3a: {  	_ = 	snop  }
0x3b: {  	_ = 	snop  }
0x3c: {  	p2 =	seq.s32 s10, $0x1;
	s10 =	sld [smem:$0x3FB5]  }
0x3d: {  	_ =	shalt  }
0x3e: {  	_ =	shalt  }
0x3f: {  	_ =	shalt  }
0x40: {  	_ =	shalt  }
0x41: {  	_ =	shalt  }
0x42: {  	_ =	shalt  }
0x43: {  	_ =	shalt  }
0x44: {  	_ =	shalt  }
0x45: {  	_ =	shalt  }
0x46: {  	_ =	shalt  }
0x47: {  	_ =	shalt  }
0x48: {  	_ =	shalt  }
0x49: {  	_ =	shalt  }
0x4a: {  	_ =	shalt  }
0x4b: {  	_ =	shalt  }
0x4c: {  	_ =	shalt  }
0x4d: {  	_ =	shalt  }
0x4e: {  	_ =	shalt  }
0x4f: {  	_ =	shalt  }
0x50: {  	_ =	shalt  }
0x51: {  	_ =	shalt  }
0x52: {  	_ =	shalt  }
0x53: {  	_ =	shalt  }
0x54: {  	_ =	shalt  }
0x55: {  	_ =	shalt  }
0x56: {  	_ =	shalt  }
0x57: {  	_ =	shalt  }
0x58: {  	_ =	shalt  }
0x59: {  	_ =	shalt  }
0x5a: {  	_ =	shalt  }
0x5b: {  	_ =	shalt  }
0x5c: {  	_ =	shalt  }
0x5d: {  	_ =	shalt  }
0x5e: {  	_ =	shalt  }
0x5f: {  	_ =	shalt  }
0x60: {  	_ =	shalt  }
0x61: {  	_ =	shalt  }
0x62: {  	_ =	shalt  }
0x63: {  	_ =	shalt  }
0x64: {  	_ =	shalt  }
0x65: {  	_ =	shalt  }
0x66: {  	_ =	shalt  }
0x67: {  	_ =	shalt  }
0x68: {  	_ =	shalt  }
0x69: {  	_ =	shalt  }
0x6a: {  	_ =	shalt  }
0x6b: {  	_ =	shalt  }
0x6c: {  	_ =	shalt  }
0x6d: {  	_ =	shalt  }
0x6e: {  	_ =	shalt  }
0x6f: {  	_ =	shalt  }
0x70: {  	_ =	shalt  }
0x71: {  	_ =	shalt  }
0x72: {  	_ =	shalt  }
0x73: {  	_ =	shalt  }
0x74: {  	_ =	shalt  }
0x75: {  	_ =	shalt  }
0x76: {  	_ =	shalt  }
0x77: {  	_ =	shalt  }
0x78: {  	_ =	shalt  }
0x79: {  	_ =	shalt  }
0x7a: {  	_ =	shalt  }
0x7b: {  	_ =	shalt  }
0x7c: {  	_ =	shalt  }
0x7d: {  	_ =	shalt  }
0x7e: {  	_ =	shalt  }
0x7f: {  	_ =	shalt  }
0x80: {  	_ =	shalt  }
0x81: {  	_ =	shalt  }
0x82: {  	_ =	shalt  }
0x83: {  	_ =	shalt  }
0x84: {  	_ =	shalt  }
0x85: {  	_ =	shalt  }
0x86: {  	_ =	shalt  }
0x87: {  	_ =	shalt  }
.Lfunc_end0:
.L_simem_size_0:
called_computation_lowered:
.L_overlay_start_0:
0x88: {  	s2 =	sld [smem:$0x3FD9]  }
0x89: {  	s3 =	sld [smem:$0x3FFE];
	_ =	sdelay $0x1  }
0x8a: {  	s1 =	srdreg.scid  }
0x8b: {  	s0 =	sand.u32 $0x1, s1  }
0x8c: {  	s17 =	sshll.u32 s0, $0xA;
	s2 =	sadd.s32 s3, s2  }
0x8d: {  	s2 =	sadd.s32 s2, s17  }
0x8e: {  	[smem:$0x3FC1] =	sst s2  }
0x8f: {  	_ = 	snop  }
0x90: {  	s2 =	sld [smem:$0x3FC9]  }
0x91: {  	s18 =	sld [smem:$0x3FC8]  }
0x92: {  	s4 =	sld [smem:$0x3FD0];
	(tm) =	ssettm $0x1  }
0x93: {  	s5 =	sld [smem:$0x3FFB];
	_ =	sdelay $0x3  }
0x94: {  	_ =	strace s5  }
0x95: {  	s5 =	sld [smem:$0x3FFC];
	_ =	sdelay $0x3  }
0x96: {  	_ =	strace s5  }
0x97: {  	s5 =	sld [smem:$0x3FFD];
	_ =	sdelay $0x3  }
0x98: {  	_ =	strace s5  }
0x99: {  	_ =	strace $0x8FFFFFFF  }
0x9a: {  	s19 =	sld [smem:$0x3FDB];
	_ =	sdelay $0x1  }
0x9b: {  	s6 =	simm.s32 $_scs_section_size  }
0x9c: {  	s7 =	simm.s32 $_size__tile_overlayer_lowered;
	s8 =	simm.s32 $_tile_overlayer_lowered  }
0x9d: {  	s22 =	simm.s32 $0x1BFF;
	s21 =	sshll.u32 s8, $0x1;
	s5 =	sadd.s32 s6, s19  }
0x9e: {  	s9 =	simm.s32 $0x0;
	s20 =	sshll.u32 s7, $0x1;
	s7 =	sadd.s32 s21, s5  }
0x9f: {  	[timem:s9], [sflag:s22] =	dma.local [hbm:s7], s20  }
0xa0: {  	_ =	swait.ge [sflag:s22], s20  }
0xa1: {  	s6 =	ssub.s32 $0x0, s20;
	[sflag:s22] =	ssyncset.done $0x0  }
0xa2: {  	[sflag:s22] =	ssyncadd.s32 s6;
	_ =	sdelay $0x1  }
0xa3: {  	s23 =	simm.s32 $0x1B8B  }
0xa4: {  	_ =	swait.ge [sflag:s23], $0x1  }
0xa5: {  	[sflag:s23] =	ssyncset.done $0x0  }
0xa6: {  	s25 =	simm.s32 $0x1B8E;
	s24 =	sld [smem:$0x3FFE];
	[sflag:s23] =	ssyncadd.s32 $0xFFFFFFFF  }
0xa7: {  	s26 =	simm.s32 $execute0_lowered;
	[smem:$0x3FD2] =	sst s25  }
0xa8: {  	s7 =	sshll.u32 s26, $0x1;
	_ =	strace $0x80000046;
	[dreg:$0x1] =	wrdreg $0xFFFFFFFF  }
0xa9: {  	s28 =	simm.s32 $_size_execute0_lowered;
	s5 =	sadd.s32 s5, s7;
	[dreg:$0x0] =	wrdreg $0x0  }
0xaa: {  	s7 =	sshll.u32 s28, $0x1;
	[dreg:$0x2] =	wrdreg s5  }
0xab: {  	[dreg:$0x3] =	wrdreg s7  }
0xac: {  	[dreg:$0x4] =	wrdreg $0xC0  }
0xad: {  	_ =	task [dreg:s9], $0x5FFFF  }
0xae: {  	[dreg:$0x1] =	wrdreg $0xFFFFFFFF  }
0xaf: {  	[dreg:$0x0] =	wrdreg $0x60  }
0xb0: {  	[dreg:$0x2] =	wrdreg s2  }
0xb1: {  	[dreg:$0x3] =	wrdreg s24  }
0xb2: {  	[dreg:$0x4] =	wrdreg s18  }
0xb3: {  	[dreg:$0x5] =	wrdreg s4  }
0xb4: {  	[dreg:$0x6] =	wrdreg $0x9  }
0xb5: {  	_ =	task.clear_ibuf [dreg:s9], $0x7FFFF;
	_ =	strace $0x90000046  }
0xb6: {  	s29 =	simm.s32 $0x9;
	_ =	strace $0x80000048  }
0xb7: {  	_ =	swait.ge [sflag:s29], $0x1  }
0xb8: {  	[sflag:s29] =	ssyncadd.s32 $0xFFFFFFFF  }
0xb9: {  	_ =	strace $0x90000048  }
0xba: {  	_ =	sfence  }
0xbb: {  	s30 =	sld [smem:$0x0];
	_ =	sdelay $0x2  }
0xbc: {  	s31 =	sshll.u32 s1, $0xD;
	s1 =	sshrl.u32 s1, $0x2  }
0xbd: {  	s3 =	sand.u32 $0x4000, s31;
	s1 =	sadd.s32 s1, s30  }
0xbe: {  	s0 =	sor.u32 s3, s0;
	s1 =	sshll.u32 s1, $0x11  }
0xbf: {  	s0 =	sor.u32 s1, s0  }
0xc0: {  	s0 =	sadd.s32 $0x8F2B, s0  }
0xc1: {  	[sflag:s0] =	ssyncadd.remote.s32 $0x1  }
0xc2: {  	_ =	sfence.sel $0xFFFF  }
0xc3: {  	[dreg:$0x0] =	wrdreg $0xFFFFFFFF;
	(pc) =	sbr.abs _section_cstart, $3  }
0xc4: {  	[dreg:$0x1] =	wrdreg $0xFFFFFFFF  }
0xc5: {  	_ =	task.clear_ibuf [dreg:s9], $0x2FFFF;
	_ =	strace $0x9FFFFFFF  }
0xc6: {  	(tm) =	ssettm $0x7FFFFFFF  }
0xc7: {  	_ =	shalt  }
tec
execute0_lowered:
.L_overlay_start_1:
0x0: {  	(tag) =	ssettag $0x1  }
0x1: {  	s0 =	rddreg [dreg:$0x0]  }
0x2: {  	s2 =	rddreg [dreg:$0x1]  }
0x3: {  	s1 =	rddreg [dreg:$0x2]  }
0x4: {  	s8 =	rddreg [dreg:$0x3]  }
0x5: {  	s3 =	simm.s32 $0x0;
	s4 =	srdreg.scid;
	s5 =	stileid.u32  }
0x6: {  	s28 =	simm.s32 $0x7700;
	s15 =	simm.s32 $0x1600;
	s16 =	simm.s32 $0x1  }
0x7: {  	[smem:$0x7FF] =	sst s3;
	s6 =	sand.u32 $0x1, s4;
	s18 =	sshll.u32 s5, $0x1  }
0x8: {  	s4 =	sadd.s32 $0x2400, s2;
	s5 =	sadd.s32 $0x33200, s2;
	s12 =	sadd.s32 $0x3B000, s2  }
0x9: {  	s19 =	sadd.s32 $0x93000, s2;
	_ =	strace $0x80000047;
	s9 =	sor.u32 s6, s18  }
0xa: {  	s10 =	ssub.s32 $0x2, s6;
	[dreg:$0x11] =	wrdreg s19;
	s21 =	smul.u32 $0x14000, s9  }
0xb: {  	s18 =	simm.s32 $0x4;
	[dreg:$0xd] =	wrdreg s5;
	s13 =	smul.u32 $0x28, s9  }
0xc: {  	s7 =	sshll.u32 s9, $0xA;
	s20 =	sshrl.u32 s10, $0x1;
	s23 =	smul.u32 $0x2800, s9  }
0xd: {  	s22 =	sshll.u32 s9, $0x2;
	s25 =	smul.u32 $0x1F40, s9;
	s9 =	simm.s32 $0x1F700  }
0xe: {  	s11 =	sadd.s32 s7, s2;
	s2 =	ssub.s32 s10, s20;
	s0 =	sadd.s32 s0, s22  }
0xf: {  	s22 =	simm.s32 $0x3;
	s20 =	simm.s32 $0x6700;
	[dreg:$0x5] =	wrdreg s0  }
0x10: {  	[dreg:$0x10] =	wrdreg s21;
	s14 =	sshrl.u32 s21, $0x3;
	s8 =	sadd.s32 s8, s13  }
0x11: {  	s26 =	sadd.s32 $0x8B000, s11;
	s29 =	sadd.s32 s12, s23;
	[dreg:$0xe] =	wrdreg s25  }
0x12: {  	s0 =	sadd.s32 s23, s19;
	s2 =	smax.u32 s2, $0x1;
	[dreg:$0x6] =	wrdreg s8  }
0x13: {  	s21 =	simm.s32 $0x180;
	s23 =	simm.s32 $0x100;
	[dreg:$0x7] =	wrdreg s26  }
0x14: {  	s19 =	simm.s32 $0x50;
	s24 =	sadd.s32 s12, s14;
	[dreg:$0x8] =	wrdreg s29  }
.Ltmp0:
0x15: {  	[dreg:$0xc] =	wrdreg s2;
	s0 =	sadd.s32 $0x100, s0;
	(pc) =	sbr.rel .LBB2_1-.Ltmp0, $4  }
0x16: {  	s13 =	simm.s32 $0x1780;
	s30 =	sadd.s32 $0xA00, s24;
	[dreg:$0xf] =	wrdreg s0  }
0x17: {  	v0 =	vimm.s32 $0x0;
	v1 =	vlaneseq.u32;
	s26 =	simm.s32 $0x6F00;
	s31 =	sadd.s32 $0x1400, s24;
	[dreg:$0x9] =	wrdreg s30  }
0x18: {  	vm0 =	vmmov $0xffff;
	v2 =	vmul.u32 $0xFFFFFFFF, v1;
	v4 =	vshrl.u32 v1, $0x3;
	s2 =	simm.s32 $0x0;
	s8 =	sadd.s32 $0x1E00, s24;
	[dreg:$0xa] =	wrdreg s31  }
0x19: {  	v3 =	vand.u32 $0x7, v1;
	v5 =	vor.u32 $0x8, v1;
	v4 =	vmul.u32 $0x8, v4;
	s24 =	simm.s32 $0x7F00;
	[dreg:$0xb] =	wrdreg s8;
	s8 =	simm.s32 $0x2  }
.LBB2_24:
0x1a: {  	s2 =	rddreg [dreg:$0x12]  }
0x1b: {  	s0 =	rddreg [dreg:$0xc];
	s2 =	sadd.s32 $0x1, s2  }
0x1c: {  	p0 =	sne.s32 s2, s0  }
.Ltmp1:
0x1d: {  	_ = 	snop;
	(pc) =	sbr.rel @!p0 .LBB2_25-.Ltmp1, $3  }
0x1e: {  	_ =	sdelay $0x1  }
0x1f: {  	s5 =	rddreg [dreg:$0xd]  }
0x20: {  	s19 =	simm.s32 $0x50;
	s25 =	rddreg [dreg:$0xe]  }
.LBB2_1:
0x21: {  	[dreg:$0x12] =	wrdreg s2  }
0x22: {  	s0 =	rddreg [dreg:$0x5]  }
0x23: {  	[tilespmem:s3], [sflag:$0x4] =	stream.linear.gather [hbm4b:s0+s3], $0x20, $0x38;
	[tilespmem:$0x1FF00] =	vst v63  }
0x24: {  	_ =	swait.ge [sflag:s18], $0x20  }
0x25: {  	[sflag:s18] =	ssyncset.done $0x0  }
0x26: {  	p0 =	por $0x1, $0x1;
	s0 =	simm.s32 $0x0;
	[sflag:s18] =	ssyncadd.s32 $0xFFFFFFE0  }
.LBB2_2:
0x27: {  	v6 =	vld [tilespmem:s0+$0x0];
	_ =	sdelay $0x4  }
0x28: {  	v7 =	vshra.s32 v6, $0x1F  }
0x29: {  	v7 =	vshrl.u32 v7, $0x1E  }
0x2a: {  	v7 =	vadd.s32 v7, v6  }
0x2b: {  	v7 =	vshra.s32 v7, $0x2  }
0x2c: {  	p1 =	por p0, p0;
	v8 =	vshll.u32 v7, $0x2  }
.Ltmp2:
0x2d: {  	vm1 =	vlt.s32 v6, $0x1;
	vm2 =	vne.s32 v6, v8;
	v6 =	vsub.s32 v6, v8;
	(pc) =	sbr.rel @p1 .LBB2_2-.Ltmp2, $4  }
0x2e: {  	vm1 =	vmand vm1, vm2;
	v6 =	vshll.u32 v6, $0x5  }
0x2f: {  	v63 =	vsel vm1, $0xFFFFFFFF, v0;
	v6 =	vand.u32 $0x60, v6  }
0x30: {  	v7 =	vadd.s32 v63, v7;
	[tilespmem:s0+$0x100] =	vst v6  }
0x31: {  	p0 =	por $0x0, $0x0;
	[tilespmem:s0+$0x80] =	vst v7;
	s0 =	simm.s32 $0x10  }
0x32: {  	s0 =	simm.s32 $0x0  }
0x33: {  	v6 =	vor.u32 s0, v1  }
0x34: {  	v6 =	vmulhi.u32 $0xCCCCCCCD, v6;
	_ =	sdelay $0x1  }
0x35: {  	v6 =	vshrl.u32 v6, $0x3  }
0x36: {  	s2 =	simm.s32 $0x20;
	s11 =	simm.s32 $0x80;
	v7 =	vmov s0;
	v8 =	vmul.u32 $0xFFFFFFF6, v6  }
0x37: {  	[tilespmem:s21], [sflag:$0x3] =	stream.indirect.gather [hbm4b:s4+s2], $0x80, s11, s2, $0xb8;
	v9 =	vsub.s32 v2, v7;
	[tilespmem:$0x1FF00] =	vst v63  }
0x38: {  	vm1 =	veq.s32 v7, v1;
	_ =	swait.ge [sflag:s22], $0x1000;
	vm2 =	vne.s32 v8, v9  }
0x39: {  	[sflag:s22] =	ssyncset.done $0x0;
	vm1 =	vmand vm1, vm2  }
0x3a: {  	s29 =	simm.s32 $0x1180;
	s30 =	rddreg [dreg:$0x6];
	[sflag:s22] =	ssyncadd.s32 $0xFFFFF000;
	v7 =	vsel vm1, $0xFFFFFFFF, v0  }
0x3b: {  	[tilespmem:s29], [sflag:$0x4] =	stream.linear.gather [hbm4b:s30+s0], $0x140, $0x38;
	v6 =	vadd.s32 v7, v6;
	[tilespmem:$0x1FF00] =	vst v63  }
0x3c: {  	_ =	swait.ge [sflag:s18], $0x140  }
0x3d: {  	[sflag:s18] =	ssyncset.done $0x0  }
0x3e: {  	[sflag:s18] =	ssyncadd.s32 $0xFFFFFEC0  }
0x3f: {  	v8 =	vld [tilespmem:s29+$0x0]  }
0x40: {  	v7 =	vld.idx.msk [tilespmem:v6+s23+$0x0], $0xffff;
	_ =	sdelay $0x3  }
0x41: {  	s31 =	simm.s32 $0x10  }
0x42: {  	v7 =	vadd.s32 v8, v7;
	v8 =	vor.u32 s31, v1  }
0x43: {  	v6 =	vshll.u32 v6, $0x7;
	v9 =	vand.u32 $0xFFFFFF80, v7;
	v8 =	vmulhi.u32 $0xCCCCCCCD, v8  }
0x44: {  	v7 =	vand.u32 $0x7F, v7;
	v6 =	vadd.s32 v6, v9  }
0x45: {  	v6 =	vor.u32 v7, v6;
	v7 =	vshrl.u32 v8, $0x3  }
0x46: {  	v8 =	vmov s31;
	v9 =	vmul.u32 $0xFFFFFFF6, v7  }
0x47: {  	v10 =	vsub.s32 v2, v8  }
0x48: {  	vm1 =	veq.s32 v8, v1;
	vm2 =	vne.s32 v9, v10  }
0x49: {  	vm1 =	vmand vm1, vm2  }
0x4a: {  	v6 =	vld.idx.msk [tilespmem:v6+s21+$0x0], $0xffff;
	v8 =	vsel vm1, $0xFFFFFFFF, v0  }
0x4b: {  	v9 =	vadd.s32 v8, v7;
	_ =	sdelay $0x2  }
0x4c: {  	s11 =	simm.s32 $0x1300  }
0x4d: {  	[tilespmem:s11+$0x0] =	vst v6  }
0x4e: {  	s12 =	simm.s32 $0x1190;
	v6 =	vld.idx.msk [tilespmem:v9+s23+$0x0], $0xffff  }
0x4f: {  	v7 =	vld [tilespmem:s12+$0x0];
	_ =	sdelay $0x4  }
0x50: {  	s0 =	simm.s32 $0x20;
	v6 =	vadd.s32 v7, v6  }
0x51: {  	s2 =	simm.s32 $0x30;
	v9 =	vshll.u32 v9, $0x7;
	v7 =	vor.u32 s0, v1;
	v8 =	vand.u32 $0xFFFFFF80, v6  }
.LBB2_4:
0x52: {  	p0 =	sne.s32 s2, $0x130;
	v7 =	vmulhi.u32 $0xCCCCCCCD, v7;
	v6 =	vand.u32 $0x7F, v6;
	v8 =	vadd.s32 v9, v8  }
0x53: {  	v6 =	vor.u32 v6, v8  }
0x54: {  	v7 =	vshrl.u32 v7, $0x3  }
0x55: {  	v8 =	vmov s0;
	s0 =	smov.u32 s2;
	v9 =	vmul.u32 $0xFFFFFFF6, v7  }
0x56: {  	v10 =	vsub.s32 v2, v8  }
0x57: {  	vm1 =	veq.s32 v8, v1;
	vm2 =	vne.s32 v9, v10  }
0x58: {  	vm1 =	vmand vm1, vm2;
	v6 =	vld.idx.msk [tilespmem:v6+s21+$0x0], $0xffff  }
0x59: {  	v8 =	vsel vm1, $0xFFFFFFFF, v0  }
0x5a: {  	v9 =	vadd.s32 v8, v7;
	_ =	sdelay $0x2  }
0x5b: {  	s11 =	sadd.s32 $0x10, s11  }
0x5c: {  	[tilespmem:s11+$0x0] =	vst v6  }
0x5d: {  	s12 =	sadd.s32 $0x10, s12;
	v6 =	vld.idx.msk [tilespmem:v9+s23+$0x0], $0xffff  }
0x5e: {  	v7 =	vld [tilespmem:s12+$0x0];
	_ =	sdelay $0x1  }
.Ltmp3:
0x5f: {  	(pc) =	sbr.rel @p0 .LBB2_4-.Ltmp3, $3  }
0x60: {  	_ =	sdelay $0x1  }
0x61: {  	v6 =	vadd.s32 v7, v6  }
0x62: {  	s2 =	sadd.s32 $0x10, s2;
	v9 =	vshll.u32 v9, $0x7;
	v7 =	vor.u32 s0, v1;
	v8 =	vand.u32 $0xFFFFFF80, v6  }
0x63: {  	v7 =	vmulhi.u32 $0xCCCCCCCD, v7;
	v6 =	vand.u32 $0x7F, v6;
	v8 =	vadd.s32 v9, v8  }
0x64: {  	v6 =	vor.u32 v6, v8  }
0x65: {  	v7 =	vshrl.u32 v7, $0x3  }
0x66: {  	v8 =	vmov s0;
	v9 =	vmul.u32 $0xFFFFFFF6, v7  }
0x67: {  	v10 =	vsub.s32 v2, v8  }
0x68: {  	vm1 =	veq.s32 v8, v1;
	vm2 =	vne.s32 v9, v10  }
0x69: {  	vm1 =	vmand vm1, vm2;
	v6 =	vld.idx.msk [tilespmem:v6+s21+$0x0], $0xffff  }
0x6a: {  	v8 =	vsel vm1, $0xFFFFFFFF, v0  }
0x6b: {  	v7 =	vadd.s32 v8, v7;
	_ =	sdelay $0x1  }
0x6c: {  	s31 =	sadd.s32 $0x10, s11  }
0x6d: {  	s2 =	sadd.s32 $0x10, s12;
	[tilespmem:s31+$0x0] =	vst v6  }
0x6e: {  	v8 =	vld [tilespmem:s2+$0x0]  }
0x6f: {  	v6 =	vld.idx.msk [tilespmem:v7+s23+$0x0], $0xffff;
	_ =	sdelay $0x4  }
0x70: {  	v6 =	vadd.s32 v8, v6  }
0x71: {  	v7 =	vshll.u32 v7, $0x7;
	v8 =	vand.u32 $0xFFFFFF80, v6  }
0x72: {  	v6 =	vand.u32 $0x7F, v6;
	v7 =	vadd.s32 v7, v8  }
0x73: {  	v6 =	vor.u32 v6, v7;
	_ =	sdelay $0x4  }
0x74: {  	v6 =	vld.idx.msk [tilespmem:v6+s21+$0x0], $0xffff;
	_ =	sdelay $0x3  }
0x75: {  	s0 =	sadd.s32 $0x10, s31  }
0x76: {  	[tilespmem:s0+$0x0] =	vst v6;
	s0 =	simm.s32 $0x0  }
0x77: {  	v9 =	vld [tilespmem:s0+$0x1300];
	_ =	sdelay $0x4  }
0x78: {  	s11 =	simm.s32 $0x10;
	v6 =	vshra.s32 v9, $0x1F  }
0x79: {  	v7 =	vld [tilespmem:s11+$0x1300];
	v6 =	vshrl.u32 v6, $0x1E  }
0x7a: {  	v6 =	vadd.s32 v6, v9  }
0x7b: {  	v6 =	vshra.s32 v6, $0x2  }
0x7c: {  	v10 =	vshll.u32 v6, $0x2  }
0x7d: {  	s2 =	simm.s32 $0x80;
	vm1 =	vlt.s32 v9, $0x1;
	v8 =	vsub.s32 v9, v10;
	vm2 =	vne.s32 v9, v10  }
.LBB2_6:
0x7e: {  	s12 =	sshra.s32 s2, $0x2;
	p0 =	sne.s32 s2, $0x4C0;
	s2 =	sadd.s32 $0x40, s2;
	v9 =	vshra.s32 v7, $0x1F;
	vm1 =	vmand vm1, vm2;
	v8 =	vshll.u32 v8, $0x5;
	v10 =	vmovc v7  }
.Ltmp4:
0x7f: {  	v7 =	vld [tilespmem:s12+$0x1300];
	v9 =	vshrl.u32 v9, $0x1E;
	v11 =	vsel vm1, $0xFFFFFFFF, v0;
	v8 =	vand.u32 $0x60, v8;
	(pc) =	sbr.rel @p0 .LBB2_6-.Ltmp4, $4  }
0x80: {  	v9 =	vadd.s32 v9, v10;
	v11 =	vadd.s32 v11, v6;
	[tilespmem:s0+$0x1600] =	vst v8  }
0x81: {  	v6 =	vshra.s32 v9, $0x2;
	[tilespmem:s0+$0x1480] =	vst v11;
	s0 =	smov.u32 s11;
	s11 =	smov.u32 s12  }
0x82: {  	v9 =	vshll.u32 v6, $0x2  }
0x83: {  	vm1 =	vlt.s32 v10, $0x1;
	v8 =	vsub.s32 v10, v9;
	vm2 =	vne.s32 v10, v9  }
0x84: {  	v9 =	vshra.s32 v7, $0x1F  }
0x85: {  	v9 =	vshrl.u32 v9, $0x1E  }
0x86: {  	v9 =	vadd.s32 v9, v7  }
0x87: {  	vm1 =	vmand vm1, vm2;
	v8 =	vshll.u32 v8, $0x5;
	v9 =	vshra.s32 v9, $0x2  }
0x88: {  	v10 =	vsel vm1, $0xFFFFFFFF, v0;
	vm1 =	vlt.s32 v7, $0x1;
	v11 =	vshll.u32 v9, $0x2  }
0x89: {  	v8 =	vand.u32 $0x60, v8;
	vm2 =	vne.s32 v7, v11;
	v7 =	vsub.s32 v7, v11  }
0x8a: {  	v6 =	vadd.s32 v10, v6;
	[tilespmem:s0+$0x1600] =	vst v8;
	vm1 =	vmand vm1, vm2;
	v7 =	vshll.u32 v7, $0x5  }
0x8b: {  	[tilespmem:s0+$0x1480] =	vst v6;
	v6 =	vsel vm1, $0xFFFFFFFF, v0;
	v7 =	vand.u32 $0x60, v7  }
0x8c: {  	v6 =	vadd.s32 v6, v9;
	[tilespmem:s11+$0x1600] =	vst v7  }
0x8d: {  	[tilespmem:s11+$0x1480] =	vst v6  }
0x8e: {  	v6 =	vld [tilespmem:$0x0];
	_ =	sdelay $0x4  }
0x8f: {  	v7 =	vshll.u32 v6, $0x1  }
0x90: {  	v6 =	vand.u32 $0x7, v6;
	v7 =	vand.u32 $0xFFFFFFF0, v7  }
0x91: {  	v6 =	vor.u32 v6, v7  }
0x92: {  	v7 =	vperm.xlane v6, v3;
	_ =	sdelay $0x1  }
0x93: {  	v6 =	vperm.xlane v6, v5;
	v7 =	vadd.s32 v4, v7;
	_ =	sdelay $0x1  }
0x94: {  	v6 =	vadd.s32 v4, v6;
	_ =	sdelay $0x1  }
0x95: {  	s11 =	simm.s32 $0x0  }
0x96: {  	[tilespmem:s20], [sflag:$0x1] =	stream.indirect_vreg.gather [hbm4b:s1+s11], $0x80, v7, vm0, $0xb8;
	[tilespmem:$0x1FF00] =	vst v63  }
0x97: {  	_ = 	snop  }
0x98: {  	[tilespmem:s26], [sflag:$0x1] =	stream.indirect_vreg.gather [hbm4b:s1+s11], $0x80, v6, vm0, $0xb8;
	[tilespmem:$0x1FF00] =	vst v63  }
0x99: {  	v6 =	vld [tilespmem:$0x10];
	_ =	sdelay $0x4  }
0x9a: {  	v7 =	vshll.u32 v6, $0x1  }
0x9b: {  	v6 =	vand.u32 $0x7, v6;
	v7 =	vand.u32 $0xFFFFFFF0, v7  }
0x9c: {  	v6 =	vor.u32 v6, v7  }
0x9d: {  	v7 =	vperm.xlane v6, v3;
	_ =	sdelay $0x1  }
0x9e: {  	v6 =	vperm.xlane v6, v5;
	v7 =	vadd.s32 v4, v7;
	_ =	sdelay $0x1  }
0x9f: {  	v6 =	vadd.s32 v4, v6;
	_ =	sdelay $0x2  }
0xa0: {  	[tilespmem:s28], [sflag:$0x1] =	stream.indirect_vreg.gather [hbm4b:s1+s11], $0x80, v7, vm0, $0xb8;
	[tilespmem:$0x1FF00] =	vst v63  }
0xa1: {  	_ = 	snop  }
0xa2: {  	[tilespmem:s24], [sflag:$0x1] =	stream.indirect_vreg.gather [hbm4b:s1+s11], $0x80, v6, vm0, $0xb8;
	[tilespmem:$0x1FF00] =	vst v63  }
0xa3: {  	v6 =	vld [tilespmem:$0x1300];
	_ =	sdelay $0x4  }
0xa4: {  	v7 =	vshll.u32 v6, $0x1  }
0xa5: {  	v6 =	vand.u32 $0x7, v6;
	v7 =	vand.u32 $0xFFFFFFF0, v7  }
0xa6: {  	v6 =	vor.u32 v6, v7  }
0xa7: {  	v7 =	vperm.xlane v6, v3;
	_ =	sdelay $0x1  }
0xa8: {  	v6 =	vperm.xlane v6, v5;
	v7 =	vadd.s32 v4, v7;
	_ =	sdelay $0x1  }
0xa9: {  	v6 =	vadd.s32 v4, v6;
	_ =	sdelay $0x1  }
0xaa: {  	s10 =	simm.s32 $0x12F00  }
0xab: {  	[tilespmem:s10], [sflag:$0x2] =	stream.indirect_vreg.gather [hbm4b:s1+s11], $0x80, v7, vm0, $0xb8;
	[tilespmem:$0x1FF00] =	vst v63  }
0xac: {  	s12 =	simm.s32 $0x13700  }
0xad: {  	[tilespmem:s12], [sflag:$0x2] =	stream.indirect_vreg.gather [hbm4b:s1+s11], $0x80, v6, vm0, $0xb8;
	[tilespmem:$0x1FF00] =	vst v63  }
0xae: {  	v6 =	vld [tilespmem:$0x1310];
	_ =	sdelay $0x4  }
0xaf: {  	v7 =	vshll.u32 v6, $0x1  }
0xb0: {  	v6 =	vand.u32 $0x7, v6;
	v7 =	vand.u32 $0xFFFFFFF0, v7  }
0xb1: {  	v6 =	vor.u32 v6, v7  }
0xb2: {  	v7 =	vperm.xlane v6, v3;
	_ =	sdelay $0x1  }
0xb3: {  	v6 =	vperm.xlane v6, v5;
	v7 =	vadd.s32 v4, v7;
	_ =	sdelay $0x1  }
0xb4: {  	v6 =	vadd.s32 v4, v6;
	_ =	sdelay $0x1  }
0xb5: {  	s14 =	simm.s32 $0x13F00  }
0xb6: {  	[tilespmem:s14], [sflag:$0x2] =	stream.indirect_vreg.gather [hbm4b:s1+s11], $0x80, v7, vm0, $0xb8;
	[tilespmem:$0x1FF00] =	vst v63  }
0xb7: {  	s17 =	simm.s32 $0x14700  }
0xb8: {  	[tilespmem:s17], [sflag:$0x2] =	stream.indirect_vreg.gather [hbm4b:s1+s11], $0x80, v6, vm0, $0xb8;
	[tilespmem:$0x1FF00] =	vst v63  }
0xb9: {  	v6 =	vld [tilespmem:$0x1320];
	_ =	sdelay $0x4  }
0xba: {  	v7 =	vshll.u32 v6, $0x1  }
0xbb: {  	v6 =	vand.u32 $0x7, v6;
	v7 =	vand.u32 $0xFFFFFFF0, v7  }
0xbc: {  	v6 =	vor.u32 v6, v7  }
0xbd: {  	v7 =	vperm.xlane v6, v3;
	_ =	sdelay $0x1  }
0xbe: {  	v6 =	vperm.xlane v6, v5;
	v7 =	vadd.s32 v4, v7;
	_ =	sdelay $0x1  }
0xbf: {  	v6 =	vadd.s32 v4, v6;
	_ =	sdelay $0x1  }
0xc0: {  	s20 =	simm.s32 $0x14F00  }
0xc1: {  	[tilespmem:s20], [sflag:$0x2] =	stream.indirect_vreg.gather [hbm4b:s1+s11], $0x80, v7, vm0, $0xb8;
	[tilespmem:$0x1FF00] =	vst v63  }
0xc2: {  	s24 =	simm.s32 $0x15700  }
0xc3: {  	[tilespmem:s24], [sflag:$0x2] =	stream.indirect_vreg.gather [hbm4b:s1+s11], $0x80, v6, vm0, $0xb8;
	[tilespmem:$0x1FF00] =	vst v63  }
0xc4: {  	v6 =	vld [tilespmem:$0x1330];
	_ =	sdelay $0x4  }
0xc5: {  	v7 =	vshll.u32 v6, $0x1  }
0xc6: {  	v6 =	vand.u32 $0x7, v6;
	v7 =	vand.u32 $0xFFFFFFF0, v7  }
0xc7: {  	v6 =	vor.u32 v6, v7  }
0xc8: {  	v7 =	vperm.xlane v6, v3;
	_ =	sdelay $0x1  }
0xc9: {  	v6 =	vperm.xlane v6, v5;
	v7 =	vadd.s32 v4, v7;
	_ =	sdelay $0x1  }
0xca: {  	v6 =	vadd.s32 v4, v6;
	_ =	sdelay $0x1  }
0xcb: {  	s26 =	simm.s32 $0x15F00  }
0xcc: {  	[tilespmem:s26], [sflag:$0x2] =	stream.indirect_vreg.gather [hbm4b:s1+s11], $0x80, v7, vm0, $0xb8;
	[tilespmem:$0x1FF00] =	vst v63  }
0xcd: {  	s28 =	simm.s32 $0x16700  }
0xce: {  	[tilespmem:s28], [sflag:$0x2] =	stream.indirect_vreg.gather [hbm4b:s1+s11], $0x80, v6, vm0, $0xb8;
	[tilespmem:$0x1FF00] =	vst v63  }
0xcf: {  	v6 =	vld [tilespmem:$0x1340];
	_ =	sdelay $0x4  }
0xd0: {  	v7 =	vshll.u32 v6, $0x1  }
0xd1: {  	v6 =	vand.u32 $0x7, v6;
	v7 =	vand.u32 $0xFFFFFFF0, v7  }
0xd2: {  	v6 =	vor.u32 v6, v7  }
0xd3: {  	v7 =	vperm.xlane v6, v3;
	_ =	sdelay $0x1  }
0xd4: {  	v6 =	vperm.xlane v6, v5;
	v7 =	vadd.s32 v4, v7;
	_ =	sdelay $0x1  }
0xd5: {  	v6 =	vadd.s32 v4, v6;
	_ =	sdelay $0x1  }
0xd6: {  	s30 =	simm.s32 $0x16F00;
	s31 =	simm.s32 $0x17700;
	s29 =	simm.s32 $0x0  }
0xd7: {  	[tilespmem:s30], [sflag:$0x2] =	stream.indirect_vreg.gather [hbm4b:s1+s11], $0x80, v7, vm0, $0xb8;
	[tilespmem:$0x1FF00] =	vst v63  }
0xd8: {  	s12 =	simm.s32 $0x4780;
	s14 =	simm.s32 $0x0;
	s20 =	simm.s32 $0x3F80  }
0xd9: {  	[tilespmem:s31], [sflag:$0x2] =	stream.indirect_vreg.gather [hbm4b:s1+s11], $0x80, v6, vm0, $0xb8;
	[tilespmem:$0x1FF00] =	vst v63  }
.LBB2_8:
0xda: {  	v6 =	vor.u32 s14, v1  }
0xdb: {  	v7 =	vmulhi.u32 $0x51EB851F, v6  }
0xdc: {  	s0 =	smul.u32 $0x50, s29  }
0xdd: {  	v7 =	vshrl.u32 v7, $0x3  }
0xde: {  	s30 =	smul.u32 $0x7D0, s29;
	s2 =	sadd.s32 $0x1480, s0;
	v8 =	vmul.u32 $0xFFFFFFE7, v7  }
0xdf: {  	v9 =	vmov s14;
	v6 =	vsub.s32 $0x0, v6;
	[tilespmem:s13], [sflag:$0x3] =	stream.indirect.gather [hbm4b:s4+s19], $0x80, s2, s19, $0xb8;
	[tilespmem:$0x1FF00] =	vst v63  }
0xe0: {  	vm1 =	veq.s32 v9, v1;
	s28 =	sadd.s32 s25, s30;
	_ =	swait.ge [sflag:s22], $0x2800;
	vm2 =	vne.s32 v8, v6  }
0xe1: {  	s2 =	sshrl.u32 s28, $0x3;
	[sflag:s22] =	ssyncset.done $0x0;
	vm1 =	vmand vm1, vm2  }
0xe2: {  	s2 =	sadd.s32 s5, s2;
	[sflag:s22] =	ssyncadd.s32 $0xFFFFD800;
	v6 =	vsel vm1, $0xFFFFFFFF, v0  }
0xe3: {  	[tilespmem:s20], [sflag:$0x4] =	stream.linear.gather [hbm4b:s2+s11], $0x7D0, $0x38;
	v8 =	vadd.s32 v6, v7;
	[tilespmem:$0x1FF00] =	vst v63  }
0xe4: {  	_ =	swait.ge [sflag:s18], $0x7D0  }
0xe5: {  	[sflag:s18] =	ssyncset.done $0x0  }
0xe6: {  	s30 =	simm.s32 $0x0;
	[sflag:s18] =	ssyncadd.s32 $0xFFFFF830  }
0xe7: {  	v10 =	vld [tilespmem:s30+$0x3F80]  }
0xe8: {  	v9 =	vld.idx.msk [tilespmem:v8+s15+$0x0], $0xffff;
	_ =	sdelay $0x3  }
0xe9: {  	v7 =	vmov s0  }
0xea: {  	v6 =	vmov s12;
	s0 =	sadd.s32 $0x10, s14;
	v11 =	vsub.s32 v8, v7;
	v9 =	vadd.s32 v10, v9  }
0xeb: {  	s31 =	simm.s32 $0x40;
	s2 =	simm.s32 $0x80;
	v11 =	vshll.u32 v11, $0x7;
	v8 =	vor.u32 s0, v1;
	v10 =	vand.u32 $0xFFFFFF80, v9  }
.LBB2_9:
0xec: {  	p0 =	sne.s32 s2, $0x1F00;
	v12 =	vmulhi.u32 $0x51EB851F, v8;
	v9 =	vand.u32 $0x7F, v9;
	v10 =	vadd.s32 v11, v10  }
0xed: {  	v9 =	vor.u32 v9, v10  }
0xee: {  	v10 =	vshrl.u32 v12, $0x3  }
0xef: {  	v11 =	vmul.u32 $0xFFFFFFE7, v10  }
0xf0: {  	v8 =	vsub.s32 $0x0, v8;
	v12 =	vmov s0  }
0xf1: {  	vm1 =	veq.s32 v12, v1;
	vm2 =	vne.s32 v11, v8  }
0xf2: {  	vm1 =	vmand vm1, vm2;
	v8 =	vld.idx.msk [tilespmem:v9+s13+$0x0], $0xffff  }
0xf3: {  	v9 =	vsel vm1, $0xFFFFFFFF, v0  }
0xf4: {  	v10 =	vadd.s32 v9, v10;
	_ =	sdelay $0x3  }
0xf5: {  	[tilespmem:v6+s30+$0x0 ss:$0x1] =	vst.idx.msk $0xffff, v8  }
0xf6: {  	s30 =	sshra.s32 s31, $0x2;
	s31 =	smov.u32 s2;
	v8 =	vld.idx.msk [tilespmem:v10+s15+$0x0], $0xffff  }
0xf7: {  	v9 =	vld [tilespmem:s30+$0x3F80];
	_ =	sdelay $0x1  }
.Ltmp5:
0xf8: {  	(pc) =	sbr.rel @p0 .LBB2_9-.Ltmp5, $3  }
0xf9: {  	_ =	sdelay $0x1  }
0xfa: {  	s0 =	sadd.s32 $0x10, s0;
	v11 =	vsub.s32 v10, v7;
	v9 =	vadd.s32 v9, v8  }
0xfb: {  	v11 =	vshll.u32 v11, $0x7;
	s2 =	sadd.s32 $0x40, s2;
	v8 =	vor.u32 s0, v1;
	v10 =	vand.u32 $0xFFFFFF80, v9  }
0xfc: {  	v12 =	vmulhi.u32 $0x51EB851F, v8;
	v9 =	vand.u32 $0x7F, v9;
	v10 =	vadd.s32 v11, v10  }
0xfd: {  	v9 =	vor.u32 v9, v10  }
0xfe: {  	v56 =	vshrl.u32 v12, $0x3  }
0xff: {  	v57 =	vmul.u32 $0xFFFFFFE7, v56  }
0x100: {  	v58 =	vmov s0;
	v59 =	vsub.s32 $0x0, v8  }
0x101: {  	vm1 =	veq.s32 v58, v1;
	vm2 =	vne.s32 v57, v59  }
0x102: {  	vm1 =	vmand vm1, vm2;
	v60 =	vld.idx.msk [tilespmem:v9+s13+$0x0], $0xffff  }
0x103: {  	v61 =	vsel vm1, $0xFFFFFFFF, v0  }
0x104: {  	v9 =	vadd.s32 v61, v56;
	_ =	sdelay $0x2  }
0x105: {  	s31 =	sshra.s32 s31, $0x2;
	[tilespmem:v6+s30+$0x0 ss:$0x1] =	vst.idx.msk $0xffff, v60  }
0x106: {  	v62 =	vld [tilespmem:s31+$0x3F80]  }
0x107: {  	v8 =	vld.idx.msk [tilespmem:v9+s15+$0x0], $0xffff;
	_ =	sdelay $0x4  }
0x108: {  	v7 =	vsub.s32 v9, v7;
	v8 =	vadd.s32 v62, v8  }
0x109: {  	v7 =	vshll.u32 v7, $0x7;
	v63 =	vand.u32 $0xFFFFFF80, v8  }
0x10a: {  	v8 =	vand.u32 $0x7F, v8;
	v7 =	vadd.s32 v7, v63  }
0x10b: {  	v7 =	vor.u32 v8, v7;
	_ =	sdelay $0x3  }
0x10c: {  	s29 =	sadd.s32 $0x1, s29  }
0x10d: {  	p0 =	sne.s32 s29, $0x4;
	v7 =	vld.idx.msk [tilespmem:v7+s13+$0x0], $0xffff  }
.Ltmp6:
0x10e: {  	_ = 	snop;
	(pc) =	sbr.rel @p0 .LBB2_8-.Ltmp6, $2  }
0x10f: {  	_ =	sdelay $0x2  }
0x110: {  	s12 =	sadd.s32 $0x7D0, s12;
	s14 =	sadd.s32 $0x7D0, s14;
	[tilespmem:v6+s31+$0x0 ss:$0x1] =	vst.idx.msk $0xffff, v7  }
0x111: {  	_ =	swait.ge [sflag:s16], $0x2000  }
0x112: {  	s11 =	simm.s32 $0x0;
	[sflag:s16] =	ssyncset.done $0x0  }
0x113: {  	s29 =	simm.s32 $0x6700;
	s0 =	rddreg [dreg:$0x7];
	[sflag:s16] =	ssyncadd.s32 $0xFFFFE000  }
0x114: {  	[hbm4b:s0+s11] =	stream.linear.scatter [tilespmem:s29], [sflag:$0x4], $0x2000, $0x38;
	[tilespmem:$0x1FF00] =	vst v63  }
0x115: {  	_ =	swait.ge [sflag:s18], $0x2000  }
0x116: {  	[sflag:s18] =	ssyncset.done $0x0  }
0x117: {  	[sflag:s18] =	ssyncadd.s32 $0xFFFFE000  }
0x118: {  	v6 =	vld [tilespmem:$0x1350];
	_ =	sdelay $0x4  }
0x119: {  	v7 =	vshll.u32 v6, $0x1  }
0x11a: {  	v6 =	vand.u32 $0x7, v6;
	v7 =	vand.u32 $0xFFFFFFF0, v7  }
0x11b: {  	v6 =	vor.u32 v6, v7  }
0x11c: {  	v7 =	vperm.xlane v6, v3;
	_ =	sdelay $0x1  }
0x11d: {  	v6 =	vperm.xlane v6, v5;
	v7 =	vadd.s32 v4, v7;
	_ =	sdelay $0x1  }
0x11e: {  	v6 =	vadd.s32 v4, v6;
	_ =	sdelay $0x2  }
0x11f: {  	[tilespmem:s29], [sflag:$0x1] =	stream.indirect_vreg.gather [hbm4b:s1+s11], $0x80, v7, vm0, $0xb8;
	[tilespmem:$0x1FF00] =	vst v63  }
0x120: {  	s10 =	simm.s32 $0x6F00  }
0x121: {  	[tilespmem:s10], [sflag:$0x1] =	stream.indirect_vreg.gather [hbm4b:s1+s11], $0x80, v6, vm0, $0xb8;
	[tilespmem:$0x1FF00] =	vst v63  }
0x122: {  	v6 =	vld [tilespmem:$0x1360];
	_ =	sdelay $0x4  }
0x123: {  	v7 =	vshll.u32 v6, $0x1  }
0x124: {  	v6 =	vand.u32 $0x7, v6;
	v7 =	vand.u32 $0xFFFFFFF0, v7  }
0x125: {  	v6 =	vor.u32 v6, v7  }
0x126: {  	v7 =	vperm.xlane v6, v3;
	_ =	sdelay $0x1  }
0x127: {  	v6 =	vperm.xlane v6, v5;
	v7 =	vadd.s32 v4, v7;
	_ =	sdelay $0x1  }
0x128: {  	v6 =	vadd.s32 v4, v6;
	_ =	sdelay $0x1  }
0x129: {  	s12 =	simm.s32 $0x7700  }
0x12a: {  	[tilespmem:s12], [sflag:$0x1] =	stream.indirect_vreg.gather [hbm4b:s1+s11], $0x80, v7, vm0, $0xb8;
	[tilespmem:$0x1FF00] =	vst v63  }
0x12b: {  	s14 =	simm.s32 $0x7F00  }
0x12c: {  	[tilespmem:s14], [sflag:$0x1] =	stream.indirect_vreg.gather [hbm4b:s1+s11], $0x80, v6, vm0, $0xb8;
	[tilespmem:$0x1FF00] =	vst v63  }
0x12d: {  	v6 =	vld [tilespmem:$0x1370];
	_ =	sdelay $0x4  }
0x12e: {  	v7 =	vshll.u32 v6, $0x1  }
0x12f: {  	v6 =	vand.u32 $0x7, v6;
	v7 =	vand.u32 $0xFFFFFFF0, v7  }
0x130: {  	v6 =	vor.u32 v6, v7  }
0x131: {  	v7 =	vperm.xlane v6, v3;
	_ =	sdelay $0x1  }
0x132: {  	v6 =	vperm.xlane v6, v5;
	v7 =	vadd.s32 v4, v7;
	_ =	sdelay $0x1  }
0x133: {  	v6 =	vadd.s32 v4, v6;
	_ =	sdelay $0x1  }
0x134: {  	s17 =	simm.s32 $0x8700  }
0x135: {  	[tilespmem:s17], [sflag:$0x1] =	stream.indirect_vreg.gather [hbm4b:s1+s11], $0x80, v7, vm0, $0xb8;
	[tilespmem:$0x1FF00] =	vst v63  }
0x136: {  	s19 =	simm.s32 $0x8F00  }
0x137: {  	[tilespmem:s19], [sflag:$0x1] =	stream.indirect_vreg.gather [hbm4b:s1+s11], $0x80, v6, vm0, $0xb8;
	[tilespmem:$0x1FF00] =	vst v63  }
0x138: {  	v6 =	vld [tilespmem:$0x1380];
	_ =	sdelay $0x4  }
0x139: {  	v7 =	vshll.u32 v6, $0x1  }
0x13a: {  	v6 =	vand.u32 $0x7, v6;
	v7 =	vand.u32 $0xFFFFFFF0, v7  }
0x13b: {  	v6 =	vor.u32 v6, v7  }
0x13c: {  	v7 =	vperm.xlane v6, v3;
	_ =	sdelay $0x1  }
0x13d: {  	v6 =	vperm.xlane v6, v5;
	v7 =	vadd.s32 v4, v7;
	_ =	sdelay $0x1  }
0x13e: {  	v6 =	vadd.s32 v4, v6;
	_ =	sdelay $0x1  }
0x13f: {  	s20 =	simm.s32 $0x9700  }
0x140: {  	[tilespmem:s20], [sflag:$0x1] =	stream.indirect_vreg.gather [hbm4b:s1+s11], $0x80, v7, vm0, $0xb8;
	[tilespmem:$0x1FF00] =	vst v63  }
0x141: {  	s24 =	simm.s32 $0x9F00  }
0x142: {  	[tilespmem:s24], [sflag:$0x1] =	stream.indirect_vreg.gather [hbm4b:s1+s11], $0x80, v6, vm0, $0xb8;
	[tilespmem:$0x1FF00] =	vst v63  }
0x143: {  	v6 =	vld [tilespmem:$0x1390];
	_ =	sdelay $0x4  }
0x144: {  	v7 =	vshll.u32 v6, $0x1  }
0x145: {  	v6 =	vand.u32 $0x7, v6;
	v7 =	vand.u32 $0xFFFFFFF0, v7  }
0x146: {  	v6 =	vor.u32 v6, v7  }
0x147: {  	v7 =	vperm.xlane v6, v3;
	_ =	sdelay $0x1  }
0x148: {  	v6 =	vperm.xlane v6, v5;
	v7 =	vadd.s32 v4, v7;
	_ =	sdelay $0x1  }
0x149: {  	v6 =	vadd.s32 v4, v6;
	_ =	sdelay $0x1  }
0x14a: {  	s26 =	simm.s32 $0xA700  }
0x14b: {  	[tilespmem:s26], [sflag:$0x1] =	stream.indirect_vreg.gather [hbm4b:s1+s11], $0x80, v7, vm0, $0xb8;
	[tilespmem:$0x1FF00] =	vst v63  }
0x14c: {  	s30 =	simm.s32 $0xAF00  }
0x14d: {  	[tilespmem:s30], [sflag:$0x1] =	stream.indirect_vreg.gather [hbm4b:s1+s11], $0x80, v6, vm0, $0xb8;
	[tilespmem:$0x1FF00] =	vst v63  }
0x14e: {  	_ =	swait.ge [sflag:s8], $0x5000  }
0x14f: {  	[sflag:s8] =	ssyncset.done $0x0  }
0x150: {  	s2 =	simm.s32 $0x12F00;
	s31 =	rddreg [dreg:$0x8];
	[sflag:s8] =	ssyncadd.s32 $0xFFFFB000  }
0x151: {  	[hbm4b:s31+s11] =	stream.linear.scatter [tilespmem:s2], [sflag:$0x4], $0x5000, $0x38;
	[tilespmem:$0x1FF00] =	vst v63  }
0x152: {  	_ =	swait.ge [sflag:s18], $0x5000  }
0x153: {  	[sflag:s18] =	ssyncset.done $0x0  }
0x154: {  	[sflag:s18] =	ssyncadd.s32 $0xFFFFB000  }
0x155: {  	v6 =	vld [tilespmem:$0x13A0];
	_ =	sdelay $0x4  }
0x156: {  	v7 =	vshll.u32 v6, $0x1  }
0x157: {  	v6 =	vand.u32 $0x7, v6;
	v7 =	vand.u32 $0xFFFFFFF0, v7  }
0x158: {  	v6 =	vor.u32 v6, v7  }
0x159: {  	v7 =	vperm.xlane v6, v3;
	_ =	sdelay $0x1  }
0x15a: {  	v6 =	vperm.xlane v6, v5;
	v7 =	vadd.s32 v4, v7;
	_ =	sdelay $0x1  }
0x15b: {  	v6 =	vadd.s32 v4, v6;
	_ =	sdelay $0x2  }
0x15c: {  	[tilespmem:s2], [sflag:$0x2] =	stream.indirect_vreg.gather [hbm4b:s1+s11], $0x80, v7, vm0, $0xb8;
	[tilespmem:$0x1FF00] =	vst v63  }
0x15d: {  	s12 =	simm.s32 $0x13700  }
0x15e: {  	[tilespmem:s12], [sflag:$0x2] =	stream.indirect_vreg.gather [hbm4b:s1+s11], $0x80, v6, vm0, $0xb8;
	[tilespmem:$0x1FF00] =	vst v63  }
0x15f: {  	v6 =	vld [tilespmem:$0x13B0];
	_ =	sdelay $0x4  }
0x160: {  	v7 =	vshll.u32 v6, $0x1  }
0x161: {  	v6 =	vand.u32 $0x7, v6;
	v7 =	vand.u32 $0xFFFFFFF0, v7  }
0x162: {  	v6 =	vor.u32 v6, v7  }
0x163: {  	v7 =	vperm.xlane v6, v3;
	_ =	sdelay $0x1  }
0x164: {  	v6 =	vperm.xlane v6, v5;
	v7 =	vadd.s32 v4, v7;
	_ =	sdelay $0x1  }
0x165: {  	v6 =	vadd.s32 v4, v6;
	_ =	sdelay $0x1  }
0x166: {  	s20 =	simm.s32 $0x13F00  }
0x167: {  	[tilespmem:s20], [sflag:$0x2] =	stream.indirect_vreg.gather [hbm4b:s1+s11], $0x80, v7, vm0, $0xb8;
	[tilespmem:$0x1FF00] =	vst v63  }
0x168: {  	s26 =	simm.s32 $0x14700  }
0x169: {  	[tilespmem:s26], [sflag:$0x2] =	stream.indirect_vreg.gather [hbm4b:s1+s11], $0x80, v6, vm0, $0xb8;
	[tilespmem:$0x1FF00] =	vst v63  }
0x16a: {  	v6 =	vld [tilespmem:$0x13C0];
	_ =	sdelay $0x4  }
0x16b: {  	v7 =	vshll.u32 v6, $0x1  }
0x16c: {  	v6 =	vand.u32 $0x7, v6;
	v7 =	vand.u32 $0xFFFFFFF0, v7  }
0x16d: {  	v6 =	vor.u32 v6, v7  }
0x16e: {  	v7 =	vperm.xlane v6, v3;
	_ =	sdelay $0x1  }
0x16f: {  	v6 =	vperm.xlane v6, v5;
	v7 =	vadd.s32 v4, v7;
	_ =	sdelay $0x1  }
0x170: {  	v6 =	vadd.s32 v4, v6;
	_ =	sdelay $0x1  }
0x171: {  	s28 =	simm.s32 $0x14F00  }
0x172: {  	[tilespmem:s28], [sflag:$0x2] =	stream.indirect_vreg.gather [hbm4b:s1+s11], $0x80, v7, vm0, $0xb8;
	[tilespmem:$0x1FF00] =	vst v63  }
0x173: {  	s30 =	simm.s32 $0x15700  }
0x174: {  	[tilespmem:s30], [sflag:$0x2] =	stream.indirect_vreg.gather [hbm4b:s1+s11], $0x80, v6, vm0, $0xb8;
	[tilespmem:$0x1FF00] =	vst v63  }
0x175: {  	v6 =	vld [tilespmem:$0x13D0];
	_ =	sdelay $0x4  }
0x176: {  	v7 =	vshll.u32 v6, $0x1  }
0x177: {  	v6 =	vand.u32 $0x7, v6;
	v7 =	vand.u32 $0xFFFFFFF0, v7  }
0x178: {  	v6 =	vor.u32 v6, v7  }
0x179: {  	v7 =	vperm.xlane v6, v3;
	_ =	sdelay $0x1  }
0x17a: {  	v6 =	vperm.xlane v6, v5;
	v7 =	vadd.s32 v4, v7;
	_ =	sdelay $0x1  }
0x17b: {  	v6 =	vadd.s32 v4, v6;
	_ =	sdelay $0x1  }
0x17c: {  	s31 =	simm.s32 $0x15F00  }
0x17d: {  	[tilespmem:s31], [sflag:$0x2] =	stream.indirect_vreg.gather [hbm4b:s1+s11], $0x80, v7, vm0, $0xb8;
	[tilespmem:$0x1FF00] =	vst v63  }
0x17e: {  	s14 =	simm.s32 $0x16700  }
0x17f: {  	[tilespmem:s14], [sflag:$0x2] =	stream.indirect_vreg.gather [hbm4b:s1+s11], $0x80, v6, vm0, $0xb8;
	[tilespmem:$0x1FF00] =	vst v63  }
0x180: {  	v6 =	vld [tilespmem:$0x13E0];
	_ =	sdelay $0x4  }
0x181: {  	v7 =	vshll.u32 v6, $0x1  }
0x182: {  	v6 =	vand.u32 $0x7, v6;
	v7 =	vand.u32 $0xFFFFFFF0, v7  }
0x183: {  	v6 =	vor.u32 v6, v7  }
0x184: {  	v7 =	vperm.xlane v6, v3;
	_ =	sdelay $0x1  }
0x185: {  	v6 =	vperm.xlane v6, v5;
	v7 =	vadd.s32 v4, v7;
	_ =	sdelay $0x1  }
0x186: {  	v6 =	vadd.s32 v4, v6;
	_ =	sdelay $0x1  }
0x187: {  	s19 =	simm.s32 $0x16F00  }
0x188: {  	[tilespmem:s19], [sflag:$0x2] =	stream.indirect_vreg.gather [hbm4b:s1+s11], $0x80, v7, vm0, $0xb8;
	[tilespmem:$0x1FF00] =	vst v63  }
0x189: {  	s24 =	simm.s32 $0x17700  }
0x18a: {  	[tilespmem:s24], [sflag:$0x2] =	stream.indirect_vreg.gather [hbm4b:s1+s11], $0x80, v6, vm0, $0xb8;
	[tilespmem:$0x1FF00] =	vst v63  }
0x18b: {  	_ =	swait.ge [sflag:s16], $0x5000  }
0x18c: {  	[sflag:s16] =	ssyncset.done $0x0  }
0x18d: {  	s0 =	rddreg [dreg:$0x9];
	[sflag:s16] =	ssyncadd.s32 $0xFFFFB000  }
0x18e: {  	[hbm4b:s0+s11] =	stream.linear.scatter [tilespmem:s29], [sflag:$0x4], $0x5000, $0x38;
	[tilespmem:$0x1FF00] =	vst v63  }
0x18f: {  	_ =	swait.ge [sflag:s18], $0x5000  }
0x190: {  	[sflag:s18] =	ssyncset.done $0x0  }
0x191: {  	[sflag:s18] =	ssyncadd.s32 $0xFFFFB000  }
0x192: {  	v6 =	vld [tilespmem:$0x13F0];
	_ =	sdelay $0x4  }
0x193: {  	v7 =	vshll.u32 v6, $0x1  }
0x194: {  	v6 =	vand.u32 $0x7, v6;
	v7 =	vand.u32 $0xFFFFFFF0, v7  }
0x195: {  	v6 =	vor.u32 v6, v7  }
0x196: {  	v7 =	vperm.xlane v6, v3;
	_ =	sdelay $0x1  }
0x197: {  	v6 =	vperm.xlane v6, v5;
	v7 =	vadd.s32 v4, v7;
	_ =	sdelay $0x1  }
0x198: {  	v6 =	vadd.s32 v4, v6;
	_ =	sdelay $0x2  }
0x199: {  	[tilespmem:s29], [sflag:$0x1] =	stream.indirect_vreg.gather [hbm4b:s1+s11], $0x80, v7, vm0, $0xb8;
	[tilespmem:$0x1FF00] =	vst v63  }
0x19a: {  	s7 =	simm.s32 $0x6F00  }
0x19b: {  	[tilespmem:s7], [sflag:$0x1] =	stream.indirect_vreg.gather [hbm4b:s1+s11], $0x80, v6, vm0, $0xb8;
	[tilespmem:$0x1FF00] =	vst v63  }
0x19c: {  	v6 =	vld [tilespmem:$0x1400];
	_ =	sdelay $0x4  }
0x19d: {  	v7 =	vshll.u32 v6, $0x1  }
0x19e: {  	v6 =	vand.u32 $0x7, v6;
	v7 =	vand.u32 $0xFFFFFFF0, v7  }
0x19f: {  	v6 =	vor.u32 v6, v7  }
0x1a0: {  	v7 =	vperm.xlane v6, v3;
	_ =	sdelay $0x1  }
0x1a1: {  	v6 =	vperm.xlane v6, v5;
	v7 =	vadd.s32 v4, v7;
	_ =	sdelay $0x1  }
0x1a2: {  	v6 =	vadd.s32 v4, v6;
	_ =	sdelay $0x1  }
0x1a3: {  	s7 =	simm.s32 $0x7700  }
0x1a4: {  	[tilespmem:s7], [sflag:$0x1] =	stream.indirect_vreg.gather [hbm4b:s1+s11], $0x80, v7, vm0, $0xb8;
	[tilespmem:$0x1FF00] =	vst v63  }
0x1a5: {  	s10 =	simm.s32 $0x7F00  }
0x1a6: {  	[tilespmem:s10], [sflag:$0x1] =	stream.indirect_vreg.gather [hbm4b:s1+s11], $0x80, v6, vm0, $0xb8;
	[tilespmem:$0x1FF00] =	vst v63  }
0x1a7: {  	v6 =	vld [tilespmem:$0x1410];
	_ =	sdelay $0x4  }
0x1a8: {  	v7 =	vshll.u32 v6, $0x1  }
0x1a9: {  	v6 =	vand.u32 $0x7, v6;
	v7 =	vand.u32 $0xFFFFFFF0, v7  }
0x1aa: {  	v6 =	vor.u32 v6, v7  }
0x1ab: {  	v7 =	vperm.xlane v6, v3;
	_ =	sdelay $0x1  }
0x1ac: {  	v6 =	vperm.xlane v6, v5;
	v7 =	vadd.s32 v4, v7;
	_ =	sdelay $0x1  }
0x1ad: {  	v6 =	vadd.s32 v4, v6;
	_ =	sdelay $0x1  }
0x1ae: {  	s10 =	simm.s32 $0x8700  }
0x1af: {  	[tilespmem:s10], [sflag:$0x1] =	stream.indirect_vreg.gather [hbm4b:s1+s11], $0x80, v7, vm0, $0xb8;
	[tilespmem:$0x1FF00] =	vst v63  }
0x1b0: {  	s17 =	simm.s32 $0x8F00  }
0x1b1: {  	[tilespmem:s17], [sflag:$0x1] =	stream.indirect_vreg.gather [hbm4b:s1+s11], $0x80, v6, vm0, $0xb8;
	[tilespmem:$0x1FF00] =	vst v63  }
0x1b2: {  	v6 =	vld [tilespmem:$0x1420];
	_ =	sdelay $0x4  }
0x1b3: {  	v7 =	vshll.u32 v6, $0x1  }
0x1b4: {  	v6 =	vand.u32 $0x7, v6;
	v7 =	vand.u32 $0xFFFFFFF0, v7  }
0x1b5: {  	v6 =	vor.u32 v6, v7  }
0x1b6: {  	v7 =	vperm.xlane v6, v3;
	_ =	sdelay $0x1  }
0x1b7: {  	v6 =	vperm.xlane v6, v5;
	v7 =	vadd.s32 v4, v7;
	_ =	sdelay $0x1  }
0x1b8: {  	v6 =	vadd.s32 v4, v6;
	_ =	sdelay $0x1  }
0x1b9: {  	s25 =	simm.s32 $0x9700  }
0x1ba: {  	[tilespmem:s25], [sflag:$0x1] =	stream.indirect_vreg.gather [hbm4b:s1+s11], $0x80, v7, vm0, $0xb8;
	[tilespmem:$0x1FF00] =	vst v63  }
0x1bb: {  	s5 =	simm.s32 $0x9F00  }
0x1bc: {  	[tilespmem:s5], [sflag:$0x1] =	stream.indirect_vreg.gather [hbm4b:s1+s11], $0x80, v6, vm0, $0xb8;
	[tilespmem:$0x1FF00] =	vst v63  }
0x1bd: {  	v6 =	vld [tilespmem:$0x1430];
	_ =	sdelay $0x4  }
0x1be: {  	v7 =	vshll.u32 v6, $0x1  }
0x1bf: {  	v6 =	vand.u32 $0x7, v6;
	v7 =	vand.u32 $0xFFFFFFF0, v7  }
0x1c0: {  	v6 =	vor.u32 v6, v7  }
0x1c1: {  	v7 =	vperm.xlane v6, v3;
	_ =	sdelay $0x1  }
0x1c2: {  	v6 =	vperm.xlane v6, v5;
	v7 =	vadd.s32 v4, v7;
	_ =	sdelay $0x1  }
0x1c3: {  	v6 =	vadd.s32 v4, v6;
	_ =	sdelay $0x1  }
0x1c4: {  	s5 =	simm.s32 $0xA700  }
0x1c5: {  	[tilespmem:s5], [sflag:$0x1] =	stream.indirect_vreg.gather [hbm4b:s1+s11], $0x80, v7, vm0, $0xb8;
	[tilespmem:$0x1FF00] =	vst v63  }
0x1c6: {  	s6 =	simm.s32 $0xAF00  }
0x1c7: {  	[tilespmem:s6], [sflag:$0x1] =	stream.indirect_vreg.gather [hbm4b:s1+s11], $0x80, v6, vm0, $0xb8;
	[tilespmem:$0x1FF00] =	vst v63  }
0x1c8: {  	_ =	swait.ge [sflag:s8], $0x5000  }
0x1c9: {  	[sflag:s8] =	ssyncset.done $0x0  }
0x1ca: {  	s25 =	rddreg [dreg:$0xa];
	[sflag:s8] =	ssyncadd.s32 $0xFFFFB000  }
0x1cb: {  	[hbm4b:s25+s11] =	stream.linear.scatter [tilespmem:s2], [sflag:$0x4], $0x5000, $0x38;
	[tilespmem:$0x1FF00] =	vst v63  }
0x1cc: {  	_ =	swait.ge [sflag:s18], $0x5000  }
0x1cd: {  	[sflag:s18] =	ssyncset.done $0x0  }
0x1ce: {  	[sflag:s18] =	ssyncadd.s32 $0xFFFFB000  }
0x1cf: {  	v6 =	vld [tilespmem:$0x4780];
	_ =	sdelay $0x4  }
0x1d0: {  	v7 =	vshll.u32 v6, $0x1  }
0x1d1: {  	v6 =	vand.u32 $0x7, v6;
	v7 =	vand.u32 $0xFFFFFFF0, v7  }
0x1d2: {  	v6 =	vor.u32 v6, v7  }
0x1d3: {  	v7 =	vperm.xlane v6, v3;
	_ =	sdelay $0x1  }
0x1d4: {  	v6 =	vperm.xlane v6, v5;
	v7 =	vadd.s32 v4, v7;
	_ =	sdelay $0x1  }
0x1d5: {  	v6 =	vadd.s32 v4, v6;
	_ =	sdelay $0x2  }
0x1d6: {  	[tilespmem:s2], [sflag:$0x2] =	stream.indirect_vreg.gather [hbm4b:s1+s11], $0x80, v7, vm0, $0xb8;
	[tilespmem:$0x1FF00] =	vst v63  }
0x1d7: {  	_ = 	snop  }
0x1d8: {  	[tilespmem:s12], [sflag:$0x2] =	stream.indirect_vreg.gather [hbm4b:s1+s11], $0x80, v6, vm0, $0xb8;
	[tilespmem:$0x1FF00] =	vst v63  }
0x1d9: {  	v6 =	vld [tilespmem:$0x4790];
	_ =	sdelay $0x4  }
0x1da: {  	v7 =	vshll.u32 v6, $0x1  }
0x1db: {  	v6 =	vand.u32 $0x7, v6;
	v7 =	vand.u32 $0xFFFFFFF0, v7  }
0x1dc: {  	v6 =	vor.u32 v6, v7  }
0x1dd: {  	v7 =	vperm.xlane v6, v3;
	_ =	sdelay $0x1  }
0x1de: {  	v6 =	vperm.xlane v6, v5;
	v7 =	vadd.s32 v4, v7;
	_ =	sdelay $0x1  }
0x1df: {  	v6 =	vadd.s32 v4, v6;
	_ =	sdelay $0x2  }
0x1e0: {  	[tilespmem:s20], [sflag:$0x2] =	stream.indirect_vreg.gather [hbm4b:s1+s11], $0x80, v7, vm0, $0xb8;
	[tilespmem:$0x1FF00] =	vst v63  }
0x1e1: {  	_ = 	snop  }
0x1e2: {  	[tilespmem:s26], [sflag:$0x2] =	stream.indirect_vreg.gather [hbm4b:s1+s11], $0x80, v6, vm0, $0xb8;
	[tilespmem:$0x1FF00] =	vst v63  }
0x1e3: {  	v6 =	vld [tilespmem:$0x47A0];
	_ =	sdelay $0x4  }
0x1e4: {  	v7 =	vshll.u32 v6, $0x1  }
0x1e5: {  	v6 =	vand.u32 $0x7, v6;
	v7 =	vand.u32 $0xFFFFFFF0, v7  }
0x1e6: {  	v6 =	vor.u32 v6, v7  }
0x1e7: {  	v7 =	vperm.xlane v6, v3;
	_ =	sdelay $0x1  }
0x1e8: {  	v6 =	vperm.xlane v6, v5;
	v7 =	vadd.s32 v4, v7;
	_ =	sdelay $0x1  }
0x1e9: {  	v6 =	vadd.s32 v4, v6;
	_ =	sdelay $0x2  }
0x1ea: {  	[tilespmem:s28], [sflag:$0x2] =	stream.indirect_vreg.gather [hbm4b:s1+s11], $0x80, v7, vm0, $0xb8;
	[tilespmem:$0x1FF00] =	vst v63  }
0x1eb: {  	_ = 	snop  }
0x1ec: {  	[tilespmem:s30], [sflag:$0x2] =	stream.indirect_vreg.gather [hbm4b:s1+s11], $0x80, v6, vm0, $0xb8;
	[tilespmem:$0x1FF00] =	vst v63  }
0x1ed: {  	v6 =	vld [tilespmem:$0x47B0];
	_ =	sdelay $0x4  }
0x1ee: {  	v7 =	vshll.u32 v6, $0x1  }
0x1ef: {  	v6 =	vand.u32 $0x7, v6;
	v7 =	vand.u32 $0xFFFFFFF0, v7  }
0x1f0: {  	v6 =	vor.u32 v6, v7  }
0x1f1: {  	v7 =	vperm.xlane v6, v3;
	_ =	sdelay $0x1  }
0x1f2: {  	v6 =	vperm.xlane v6, v5;
	v7 =	vadd.s32 v4, v7;
	_ =	sdelay $0x1  }
0x1f3: {  	v6 =	vadd.s32 v4, v6;
	_ =	sdelay $0x2  }
0x1f4: {  	[tilespmem:s31], [sflag:$0x2] =	stream.indirect_vreg.gather [hbm4b:s1+s11], $0x80, v7, vm0, $0xb8;
	[tilespmem:$0x1FF00] =	vst v63  }
0x1f5: {  	_ = 	snop  }
0x1f6: {  	[tilespmem:s14], [sflag:$0x2] =	stream.indirect_vreg.gather [hbm4b:s1+s11], $0x80, v6, vm0, $0xb8;
	[tilespmem:$0x1FF00] =	vst v63  }
0x1f7: {  	v6 =	vld [tilespmem:$0x47C0];
	_ =	sdelay $0x4  }
0x1f8: {  	v7 =	vshll.u32 v6, $0x1  }
0x1f9: {  	v6 =	vand.u32 $0x7, v6;
	v7 =	vand.u32 $0xFFFFFFF0, v7  }
0x1fa: {  	v6 =	vor.u32 v6, v7  }
0x1fb: {  	v7 =	vperm.xlane v6, v3;
	_ =	sdelay $0x1  }
0x1fc: {  	v6 =	vperm.xlane v6, v5;
	v7 =	vadd.s32 v4, v7;
	_ =	sdelay $0x1  }
0x1fd: {  	v6 =	vadd.s32 v4, v6;
	_ =	sdelay $0x2  }
0x1fe: {  	[tilespmem:s19], [sflag:$0x2] =	stream.indirect_vreg.gather [hbm4b:s1+s11], $0x80, v7, vm0, $0xb8;
	[tilespmem:$0x1FF00] =	vst v63  }
0x1ff: {  	_ = 	snop  }
0x200: {  	[tilespmem:s24], [sflag:$0x2] =	stream.indirect_vreg.gather [hbm4b:s1+s11], $0x80, v6, vm0, $0xb8;
	[tilespmem:$0x1FF00] =	vst v63  }
0x201: {  	v6 =	vld [tilespmem:$0x47D0];
	_ =	sdelay $0x4  }
0x202: {  	v7 =	vshll.u32 v6, $0x1  }
0x203: {  	v6 =	vand.u32 $0x7, v6;
	v7 =	vand.u32 $0xFFFFFFF0, v7  }
0x204: {  	v6 =	vor.u32 v6, v7  }
0x205: {  	v7 =	vperm.xlane v6, v3;
	_ =	sdelay $0x1  }
0x206: {  	v6 =	vperm.xlane v6, v5;
	v7 =	vadd.s32 v4, v7;
	_ =	sdelay $0x1  }
0x207: {  	v6 =	vadd.s32 v4, v6;
	_ =	sdelay $0x1  }
0x208: {  	s30 =	simm.s32 $0x17F00  }
0x209: {  	[tilespmem:s30], [sflag:$0x2] =	stream.indirect_vreg.gather [hbm4b:s1+s11], $0x80, v7, vm0, $0xb8;
	[tilespmem:$0x1FF00] =	vst v63  }
0x20a: {  	s31 =	simm.s32 $0x18700  }
0x20b: {  	[tilespmem:s31], [sflag:$0x2] =	stream.indirect_vreg.gather [hbm4b:s1+s11], $0x80, v6, vm0, $0xb8;
	[tilespmem:$0x1FF00] =	vst v63  }
0x20c: {  	v6 =	vld [tilespmem:$0x47E0];
	_ =	sdelay $0x4  }
0x20d: {  	v7 =	vshll.u32 v6, $0x1  }
0x20e: {  	v6 =	vand.u32 $0x7, v6;
	v7 =	vand.u32 $0xFFFFFFF0, v7  }
0x20f: {  	v6 =	vor.u32 v6, v7  }
0x210: {  	v7 =	vperm.xlane v6, v3;
	_ =	sdelay $0x1  }
0x211: {  	v6 =	vperm.xlane v6, v5;
	v7 =	vadd.s32 v4, v7;
	_ =	sdelay $0x1  }
0x212: {  	v6 =	vadd.s32 v4, v6;
	_ =	sdelay $0x1  }
0x213: {  	s2 =	simm.s32 $0x18F00  }
0x214: {  	[tilespmem:s2], [sflag:$0x2] =	stream.indirect_vreg.gather [hbm4b:s1+s11], $0x80, v7, vm0, $0xb8;
	[tilespmem:$0x1FF00] =	vst v63  }
0x215: {  	s5 =	simm.s32 $0x19700  }
0x216: {  	[tilespmem:s5], [sflag:$0x2] =	stream.indirect_vreg.gather [hbm4b:s1+s11], $0x80, v6, vm0, $0xb8;
	[tilespmem:$0x1FF00] =	vst v63  }
0x217: {  	v6 =	vld [tilespmem:$0x47F0];
	_ =	sdelay $0x4  }
0x218: {  	v7 =	vshll.u32 v6, $0x1  }
0x219: {  	v6 =	vand.u32 $0x7, v6;
	v7 =	vand.u32 $0xFFFFFFF0, v7  }
0x21a: {  	v6 =	vor.u32 v6, v7  }
0x21b: {  	v7 =	vperm.xlane v6, v3;
	_ =	sdelay $0x1  }
0x21c: {  	v6 =	vperm.xlane v6, v5;
	v7 =	vadd.s32 v4, v7;
	_ =	sdelay $0x1  }
0x21d: {  	v6 =	vadd.s32 v4, v6;
	_ =	sdelay $0x1  }
0x21e: {  	s6 =	simm.s32 $0x19F00  }
0x21f: {  	[tilespmem:s6], [sflag:$0x2] =	stream.indirect_vreg.gather [hbm4b:s1+s11], $0x80, v7, vm0, $0xb8;
	[tilespmem:$0x1FF00] =	vst v63  }
0x220: {  	s12 =	simm.s32 $0x1A700  }
0x221: {  	[tilespmem:s12], [sflag:$0x2] =	stream.indirect_vreg.gather [hbm4b:s1+s11], $0x80, v6, vm0, $0xb8;
	[tilespmem:$0x1FF00] =	vst v63  }
0x222: {  	v6 =	vld [tilespmem:$0x4800];
	_ =	sdelay $0x4  }
0x223: {  	v7 =	vshll.u32 v6, $0x1  }
0x224: {  	v6 =	vand.u32 $0x7, v6;
	v7 =	vand.u32 $0xFFFFFFF0, v7  }
0x225: {  	v6 =	vor.u32 v6, v7  }
0x226: {  	v7 =	vperm.xlane v6, v3;
	_ =	sdelay $0x1  }
0x227: {  	v6 =	vperm.xlane v6, v5;
	v7 =	vadd.s32 v4, v7;
	_ =	sdelay $0x1  }
0x228: {  	v6 =	vadd.s32 v4, v6;
	_ =	sdelay $0x1  }
0x229: {  	s14 =	simm.s32 $0x1AF00  }
0x22a: {  	[tilespmem:s14], [sflag:$0x2] =	stream.indirect_vreg.gather [hbm4b:s1+s11], $0x80, v7, vm0, $0xb8;
	[tilespmem:$0x1FF00] =	vst v63  }
0x22b: {  	s19 =	simm.s32 $0x1B700  }
0x22c: {  	[tilespmem:s19], [sflag:$0x2] =	stream.indirect_vreg.gather [hbm4b:s1+s11], $0x80, v6, vm0, $0xb8;
	[tilespmem:$0x1FF00] =	vst v63  }
0x22d: {  	v6 =	vld [tilespmem:$0x4810];
	_ =	sdelay $0x4  }
0x22e: {  	v7 =	vshll.u32 v6, $0x1  }
0x22f: {  	v6 =	vand.u32 $0x7, v6;
	v7 =	vand.u32 $0xFFFFFFF0, v7  }
0x230: {  	v6 =	vor.u32 v6, v7  }
0x231: {  	v7 =	vperm.xlane v6, v3;
	_ =	sdelay $0x1  }
0x232: {  	v6 =	vperm.xlane v6, v5;
	v7 =	vadd.s32 v4, v7;
	_ =	sdelay $0x1  }
0x233: {  	v6 =	vadd.s32 v4, v6;
	_ =	sdelay $0x1  }
0x234: {  	s20 =	simm.s32 $0x1BF00  }
0x235: {  	[tilespmem:s20], [sflag:$0x2] =	stream.indirect_vreg.gather [hbm4b:s1+s11], $0x80, v7, vm0, $0xb8;
	[tilespmem:$0x1FF00] =	vst v63  }
0x236: {  	s24 =	simm.s32 $0x1C700  }
0x237: {  	[tilespmem:s24], [sflag:$0x2] =	stream.indirect_vreg.gather [hbm4b:s1+s11], $0x80, v6, vm0, $0xb8;
	[tilespmem:$0x1FF00] =	vst v63  }
0x238: {  	v6 =	vld [tilespmem:$0x4820];
	_ =	sdelay $0x4  }
0x239: {  	v7 =	vshll.u32 v6, $0x1  }
0x23a: {  	v6 =	vand.u32 $0x7, v6;
	v7 =	vand.u32 $0xFFFFFFF0, v7  }
0x23b: {  	v6 =	vor.u32 v6, v7  }
0x23c: {  	v7 =	vperm.xlane v6, v3;
	_ =	sdelay $0x1  }
0x23d: {  	v6 =	vperm.xlane v6, v5;
	v7 =	vadd.s32 v4, v7;
	_ =	sdelay $0x1  }
0x23e: {  	v6 =	vadd.s32 v4, v6;
	_ =	sdelay $0x1  }
0x23f: {  	s25 =	simm.s32 $0x1CF00  }
0x240: {  	[tilespmem:s25], [sflag:$0x2] =	stream.indirect_vreg.gather [hbm4b:s1+s11], $0x80, v7, vm0, $0xb8;
	[tilespmem:$0x1FF00] =	vst v63  }
0x241: {  	s26 =	simm.s32 $0x1D700  }
0x242: {  	[tilespmem:s26], [sflag:$0x2] =	stream.indirect_vreg.gather [hbm4b:s1+s11], $0x80, v6, vm0, $0xb8;
	[tilespmem:$0x1FF00] =	vst v63  }
0x243: {  	v6 =	vld [tilespmem:$0x4830];
	_ =	sdelay $0x4  }
0x244: {  	v7 =	vshll.u32 v6, $0x1  }
0x245: {  	v6 =	vand.u32 $0x7, v6;
	v7 =	vand.u32 $0xFFFFFFF0, v7  }
0x246: {  	v6 =	vor.u32 v6, v7  }
0x247: {  	v7 =	vperm.xlane v6, v3;
	_ =	sdelay $0x1  }
0x248: {  	v6 =	vperm.xlane v6, v5;
	v7 =	vadd.s32 v4, v7;
	_ =	sdelay $0x1  }
0x249: {  	v6 =	vadd.s32 v4, v6;
	_ =	sdelay $0x1  }
0x24a: {  	s30 =	simm.s32 $0x1DF00  }
0x24b: {  	[tilespmem:s30], [sflag:$0x2] =	stream.indirect_vreg.gather [hbm4b:s1+s11], $0x80, v7, vm0, $0xb8;
	[tilespmem:$0x1FF00] =	vst v63  }
0x24c: {  	s31 =	simm.s32 $0x1E700  }
0x24d: {  	[tilespmem:s31], [sflag:$0x2] =	stream.indirect_vreg.gather [hbm4b:s1+s11], $0x80, v6, vm0, $0xb8;
	[tilespmem:$0x1FF00] =	vst v63  }
0x24e: {  	v6 =	vld.msk [tilespmem:$0x4840], $0xff;
	_ =	sdelay $0x4  }
0x24f: {  	v7 =	vshll.u32 v6, $0x1  }
0x250: {  	v6 =	vand.u32 $0x7, v6;
	v7 =	vand.u32 $0xFFFFFFF0, v7  }
0x251: {  	v6 =	vor.u32 v6, v7  }
0x252: {  	v6 =	vperm.xlane v6, v3;
	_ =	sdelay $0x1  }
0x253: {  	v6 =	vadd.s32 v4, v6;
	_ =	sdelay $0x3  }
0x254: {  	s2 =	simm.s32 $0x1EF00  }
0x255: {  	[tilespmem:s2], [sflag:$0x2] =	stream.indirect_vreg.gather [hbm4b:s1+s11], $0x80, v6, vm0, $0xb8;
	[tilespmem:$0x1FF00] =	vst v63  }
0x256: {  	_ =	swait.ge [sflag:s16], $0x5000  }
0x257: {  	[sflag:s16] =	ssyncset.done $0x0  }
0x258: {  	s5 =	rddreg [dreg:$0xb];
	[sflag:s16] =	ssyncadd.s32 $0xFFFFB000  }
0x259: {  	[hbm4b:s5+s11] =	stream.linear.scatter [tilespmem:s29], [sflag:$0x4], $0x5000, $0x38;
	[tilespmem:$0x1FF00] =	vst v63  }
0x25a: {  	_ =	swait.ge [sflag:s18], $0x5000  }
0x25b: {  	[sflag:s18] =	ssyncset.done $0x0  }
0x25c: {  	[sflag:s18] =	ssyncadd.s32 $0xFFFFB000  }
0x25d: {  	v6 =	vld [tilespmem:$0x4848];
	_ =	sdelay $0x4  }
0x25e: {  	v7 =	vshll.u32 v6, $0x1  }
0x25f: {  	v6 =	vand.u32 $0x7, v6;
	v7 =	vand.u32 $0xFFFFFFF0, v7  }
0x260: {  	v6 =	vor.u32 v6, v7  }
0x261: {  	v7 =	vperm.xlane v6, v3;
	_ =	sdelay $0x1  }
0x262: {  	v6 =	vperm.xlane v6, v5;
	v7 =	vadd.s32 v4, v7;
	_ =	sdelay $0x1  }
0x263: {  	v6 =	vadd.s32 v4, v6;
	_ =	sdelay $0x2  }
0x264: {  	[tilespmem:s29], [sflag:$0x1] =	stream.indirect_vreg.gather [hbm4b:s1+s11], $0x80, v7, vm0, $0xb8;
	[tilespmem:$0x1FF00] =	vst v63  }
0x265: {  	s6 =	simm.s32 $0x6F00  }
0x266: {  	[tilespmem:s6], [sflag:$0x1] =	stream.indirect_vreg.gather [hbm4b:s1+s11], $0x80, v6, vm0, $0xb8;
	[tilespmem:$0x1FF00] =	vst v63  }
0x267: {  	v6 =	vld [tilespmem:$0x4858];
	_ =	sdelay $0x4  }
0x268: {  	v7 =	vshll.u32 v6, $0x1  }
0x269: {  	v6 =	vand.u32 $0x7, v6;
	v7 =	vand.u32 $0xFFFFFFF0, v7  }
0x26a: {  	v6 =	vor.u32 v6, v7  }
0x26b: {  	v7 =	vperm.xlane v6, v3;
	_ =	sdelay $0x1  }
0x26c: {  	v6 =	vperm.xlane v6, v5;
	v7 =	vadd.s32 v4, v7;
	_ =	sdelay $0x1  }
0x26d: {  	v6 =	vadd.s32 v4, v6;
	_ =	sdelay $0x1  }
0x26e: {  	s12 =	simm.s32 $0x7700  }
0x26f: {  	[tilespmem:s12], [sflag:$0x1] =	stream.indirect_vreg.gather [hbm4b:s1+s11], $0x80, v7, vm0, $0xb8;
	[tilespmem:$0x1FF00] =	vst v63  }
0x270: {  	s14 =	simm.s32 $0x7F00  }
0x271: {  	[tilespmem:s14], [sflag:$0x1] =	stream.indirect_vreg.gather [hbm4b:s1+s11], $0x80, v6, vm0, $0xb8;
	[tilespmem:$0x1FF00] =	vst v63  }
0x272: {  	v6 =	vld [tilespmem:$0x4868];
	_ =	sdelay $0x4  }
0x273: {  	v7 =	vshll.u32 v6, $0x1  }
0x274: {  	v6 =	vand.u32 $0x7, v6;
	v7 =	vand.u32 $0xFFFFFFF0, v7  }
0x275: {  	v6 =	vor.u32 v6, v7  }
0x276: {  	v7 =	vperm.xlane v6, v3;
	_ =	sdelay $0x1  }
0x277: {  	v6 =	vperm.xlane v6, v5;
	v7 =	vadd.s32 v4, v7;
	_ =	sdelay $0x1  }
0x278: {  	v6 =	vadd.s32 v4, v6;
	_ =	sdelay $0x1  }
0x279: {  	s7 =	simm.s32 $0x8700  }
0x27a: {  	[tilespmem:s7], [sflag:$0x1] =	stream.indirect_vreg.gather [hbm4b:s1+s11], $0x80, v7, vm0, $0xb8;
	[tilespmem:$0x1FF00] =	vst v63  }
0x27b: {  	s10 =	simm.s32 $0x8F00  }
0x27c: {  	[tilespmem:s10], [sflag:$0x1] =	stream.indirect_vreg.gather [hbm4b:s1+s11], $0x80, v6, vm0, $0xb8;
	[tilespmem:$0x1FF00] =	vst v63  }
0x27d: {  	v6 =	vld [tilespmem:$0x4878];
	_ =	sdelay $0x4  }
0x27e: {  	v7 =	vshll.u32 v6, $0x1  }
0x27f: {  	v6 =	vand.u32 $0x7, v6;
	v7 =	vand.u32 $0xFFFFFFF0, v7  }
0x280: {  	v6 =	vor.u32 v6, v7  }
0x281: {  	v7 =	vperm.xlane v6, v3;
	_ =	sdelay $0x1  }
0x282: {  	v6 =	vperm.xlane v6, v5;
	v7 =	vadd.s32 v4, v7;
	_ =	sdelay $0x1  }
0x283: {  	v6 =	vadd.s32 v4, v6;
	_ =	sdelay $0x1  }
0x284: {  	s17 =	simm.s32 $0x9700  }
0x285: {  	[tilespmem:s17], [sflag:$0x1] =	stream.indirect_vreg.gather [hbm4b:s1+s11], $0x80, v7, vm0, $0xb8;
	[tilespmem:$0x1FF00] =	vst v63  }
0x286: {  	s19 =	simm.s32 $0x9F00  }
0x287: {  	[tilespmem:s19], [sflag:$0x1] =	stream.indirect_vreg.gather [hbm4b:s1+s11], $0x80, v6, vm0, $0xb8;
	[tilespmem:$0x1FF00] =	vst v63  }
0x288: {  	v6 =	vld [tilespmem:$0x4888];
	_ =	sdelay $0x4  }
0x289: {  	v7 =	vshll.u32 v6, $0x1  }
0x28a: {  	v6 =	vand.u32 $0x7, v6;
	v7 =	vand.u32 $0xFFFFFFF0, v7  }
0x28b: {  	v6 =	vor.u32 v6, v7  }
0x28c: {  	v7 =	vperm.xlane v6, v3;
	_ =	sdelay $0x1  }
0x28d: {  	v6 =	vperm.xlane v6, v5;
	v7 =	vadd.s32 v4, v7;
	_ =	sdelay $0x1  }
0x28e: {  	v6 =	vadd.s32 v4, v6;
	_ =	sdelay $0x1  }
0x28f: {  	s29 =	simm.s32 $0xA700  }
0x290: {  	[tilespmem:s29], [sflag:$0x1] =	stream.indirect_vreg.gather [hbm4b:s1+s11], $0x80, v7, vm0, $0xb8;
	[tilespmem:$0x1FF00] =	vst v63  }
0x291: {  	s30 =	simm.s32 $0xAF00  }
0x292: {  	[tilespmem:s30], [sflag:$0x1] =	stream.indirect_vreg.gather [hbm4b:s1+s11], $0x80, v6, vm0, $0xb8;
	[tilespmem:$0x1FF00] =	vst v63  }
0x293: {  	v6 =	vld [tilespmem:$0x4898];
	_ =	sdelay $0x4  }
0x294: {  	v7 =	vshll.u32 v6, $0x1  }
0x295: {  	v6 =	vand.u32 $0x7, v6;
	v7 =	vand.u32 $0xFFFFFFF0, v7  }
0x296: {  	v6 =	vor.u32 v6, v7  }
0x297: {  	v7 =	vperm.xlane v6, v3;
	_ =	sdelay $0x1  }
0x298: {  	v6 =	vperm.xlane v6, v5;
	v7 =	vadd.s32 v4, v7;
	_ =	sdelay $0x1  }
0x299: {  	v6 =	vadd.s32 v4, v6;
	_ =	sdelay $0x1  }
0x29a: {  	s31 =	simm.s32 $0xB700  }
0x29b: {  	[tilespmem:s31], [sflag:$0x1] =	stream.indirect_vreg.gather [hbm4b:s1+s11], $0x80, v7, vm0, $0xb8;
	[tilespmem:$0x1FF00] =	vst v63  }
0x29c: {  	s2 =	simm.s32 $0xBF00  }
0x29d: {  	[tilespmem:s2], [sflag:$0x1] =	stream.indirect_vreg.gather [hbm4b:s1+s11], $0x80, v6, vm0, $0xb8;
	[tilespmem:$0x1FF00] =	vst v63  }
0x29e: {  	v6 =	vld [tilespmem:$0x48A8];
	_ =	sdelay $0x4  }
0x29f: {  	v7 =	vshll.u32 v6, $0x1  }
0x2a0: {  	v6 =	vand.u32 $0x7, v6;
	v7 =	vand.u32 $0xFFFFFFF0, v7  }
0x2a1: {  	v6 =	vor.u32 v6, v7  }
0x2a2: {  	v7 =	vperm.xlane v6, v3;
	_ =	sdelay $0x1  }
0x2a3: {  	v6 =	vperm.xlane v6, v5;
	v7 =	vadd.s32 v4, v7;
	_ =	sdelay $0x1  }
0x2a4: {  	v6 =	vadd.s32 v4, v6;
	_ =	sdelay $0x1  }
0x2a5: {  	s12 =	simm.s32 $0xC700  }
0x2a6: {  	[tilespmem:s12], [sflag:$0x1] =	stream.indirect_vreg.gather [hbm4b:s1+s11], $0x80, v7, vm0, $0xb8;
	[tilespmem:$0x1FF00] =	vst v63  }
0x2a7: {  	s14 =	simm.s32 $0xCF00  }
0x2a8: {  	[tilespmem:s14], [sflag:$0x1] =	stream.indirect_vreg.gather [hbm4b:s1+s11], $0x80, v6, vm0, $0xb8;
	[tilespmem:$0x1FF00] =	vst v63  }
0x2a9: {  	v6 =	vld [tilespmem:$0x48B8];
	_ =	sdelay $0x4  }
0x2aa: {  	v7 =	vshll.u32 v6, $0x1  }
0x2ab: {  	v6 =	vand.u32 $0x7, v6;
	v7 =	vand.u32 $0xFFFFFFF0, v7  }
0x2ac: {  	v6 =	vor.u32 v6, v7  }
0x2ad: {  	v7 =	vperm.xlane v6, v3;
	_ =	sdelay $0x1  }
0x2ae: {  	v6 =	vperm.xlane v6, v5;
	v7 =	vadd.s32 v4, v7;
	_ =	sdelay $0x1  }
0x2af: {  	v6 =	vadd.s32 v4, v6;
	_ =	sdelay $0x1  }
0x2b0: {  	s19 =	simm.s32 $0xD700  }
0x2b1: {  	[tilespmem:s19], [sflag:$0x1] =	stream.indirect_vreg.gather [hbm4b:s1+s11], $0x80, v7, vm0, $0xb8;
	[tilespmem:$0x1FF00] =	vst v63  }
0x2b2: {  	s29 =	simm.s32 $0xDF00  }
0x2b3: {  	[tilespmem:s29], [sflag:$0x1] =	stream.indirect_vreg.gather [hbm4b:s1+s11], $0x80, v6, vm0, $0xb8;
	[tilespmem:$0x1FF00] =	vst v63  }
0x2b4: {  	v6 =	vld [tilespmem:$0x48C8];
	_ =	sdelay $0x4  }
0x2b5: {  	v7 =	vshll.u32 v6, $0x1  }
0x2b6: {  	v6 =	vand.u32 $0x7, v6;
	v7 =	vand.u32 $0xFFFFFFF0, v7  }
0x2b7: {  	v6 =	vor.u32 v6, v7  }
0x2b8: {  	v7 =	vperm.xlane v6, v3;
	_ =	sdelay $0x1  }
0x2b9: {  	v6 =	vperm.xlane v6, v5;
	v7 =	vadd.s32 v4, v7;
	_ =	sdelay $0x1  }
0x2ba: {  	v6 =	vadd.s32 v4, v6;
	_ =	sdelay $0x1  }
0x2bb: {  	s30 =	simm.s32 $0xE700  }
0x2bc: {  	[tilespmem:s30], [sflag:$0x1] =	stream.indirect_vreg.gather [hbm4b:s1+s11], $0x80, v7, vm0, $0xb8;
	[tilespmem:$0x1FF00] =	vst v63  }
0x2bd: {  	s31 =	simm.s32 $0xEF00  }
0x2be: {  	[tilespmem:s31], [sflag:$0x1] =	stream.indirect_vreg.gather [hbm4b:s1+s11], $0x80, v6, vm0, $0xb8;
	[tilespmem:$0x1FF00] =	vst v63  }
0x2bf: {  	v6 =	vld [tilespmem:$0x48D8];
	_ =	sdelay $0x4  }
0x2c0: {  	v7 =	vshll.u32 v6, $0x1  }
0x2c1: {  	v6 =	vand.u32 $0x7, v6;
	v7 =	vand.u32 $0xFFFFFFF0, v7  }
0x2c2: {  	v6 =	vor.u32 v6, v7  }
0x2c3: {  	v7 =	vperm.xlane v6, v3;
	_ =	sdelay $0x1  }
0x2c4: {  	v6 =	vperm.xlane v6, v5;
	v7 =	vadd.s32 v4, v7;
	_ =	sdelay $0x1  }
0x2c5: {  	v6 =	vadd.s32 v4, v6;
	_ =	sdelay $0x1  }
0x2c6: {  	s2 =	simm.s32 $0xF700  }
0x2c7: {  	[tilespmem:s2], [sflag:$0x1] =	stream.indirect_vreg.gather [hbm4b:s1+s11], $0x80, v7, vm0, $0xb8;
	[tilespmem:$0x1FF00] =	vst v63  }
0x2c8: {  	s12 =	simm.s32 $0xFF00  }
0x2c9: {  	[tilespmem:s12], [sflag:$0x1] =	stream.indirect_vreg.gather [hbm4b:s1+s11], $0x80, v6, vm0, $0xb8;
	[tilespmem:$0x1FF00] =	vst v63  }
0x2ca: {  	v6 =	vld [tilespmem:$0x48E8];
	_ =	sdelay $0x4  }
0x2cb: {  	v7 =	vshll.u32 v6, $0x1  }
0x2cc: {  	v6 =	vand.u32 $0x7, v6;
	v7 =	vand.u32 $0xFFFFFFF0, v7  }
0x2cd: {  	v6 =	vor.u32 v6, v7  }
0x2ce: {  	v7 =	vperm.xlane v6, v3;
	_ =	sdelay $0x1  }
0x2cf: {  	v6 =	vperm.xlane v6, v5;
	v7 =	vadd.s32 v4, v7;
	_ =	sdelay $0x1  }
0x2d0: {  	v6 =	vadd.s32 v4, v6;
	_ =	sdelay $0x1  }
0x2d1: {  	s14 =	simm.s32 $0x10700  }
0x2d2: {  	[tilespmem:s14], [sflag:$0x1] =	stream.indirect_vreg.gather [hbm4b:s1+s11], $0x80, v7, vm0, $0xb8;
	[tilespmem:$0x1FF00] =	vst v63  }
0x2d3: {  	s19 =	simm.s32 $0x10F00  }
0x2d4: {  	[tilespmem:s19], [sflag:$0x1] =	stream.indirect_vreg.gather [hbm4b:s1+s11], $0x80, v6, vm0, $0xb8;
	[tilespmem:$0x1FF00] =	vst v63  }
0x2d5: {  	v6 =	vld [tilespmem:$0x48F8];
	_ =	sdelay $0x4  }
0x2d6: {  	v7 =	vshll.u32 v6, $0x1  }
0x2d7: {  	v6 =	vand.u32 $0x7, v6;
	v7 =	vand.u32 $0xFFFFFFF0, v7  }
0x2d8: {  	v6 =	vor.u32 v6, v7  }
0x2d9: {  	v7 =	vperm.xlane v6, v3;
	_ =	sdelay $0x1  }
0x2da: {  	v6 =	vperm.xlane v6, v5;
	v7 =	vadd.s32 v4, v7;
	_ =	sdelay $0x1  }
0x2db: {  	v6 =	vadd.s32 v4, v6;
	_ =	sdelay $0x1  }
0x2dc: {  	s29 =	simm.s32 $0x11700  }
0x2dd: {  	[tilespmem:s29], [sflag:$0x1] =	stream.indirect_vreg.gather [hbm4b:s1+s11], $0x80, v7, vm0, $0xb8;
	[tilespmem:$0x1FF00] =	vst v63  }
0x2de: {  	s30 =	simm.s32 $0x11F00  }
0x2df: {  	[tilespmem:s30], [sflag:$0x1] =	stream.indirect_vreg.gather [hbm4b:s1+s11], $0x80, v6, vm0, $0xb8;
	[tilespmem:$0x1FF00] =	vst v63  }
0x2e0: {  	v6 =	vld.msk [tilespmem:$0x4908], $0xff;
	_ =	sdelay $0x4  }
0x2e1: {  	v7 =	vshll.u32 v6, $0x1  }
0x2e2: {  	v6 =	vand.u32 $0x7, v6;
	v7 =	vand.u32 $0xFFFFFFF0, v7  }
0x2e3: {  	v6 =	vor.u32 v6, v7  }
0x2e4: {  	v6 =	vperm.xlane v6, v3;
	_ =	sdelay $0x1  }
0x2e5: {  	v6 =	vadd.s32 v4, v6  }
0x2e6: {  	s28 =	simm.s32 $0x7700;
	s20 =	simm.s32 $0x6700  }
0x2e7: {  	s24 =	simm.s32 $0x7F00;
	s25 =	simm.s32 $0x8700;
	s26 =	simm.s32 $0x6F00  }
0x2e8: {  	s5 =	simm.s32 $0x8F00;
	s6 =	simm.s32 $0x9700;
	s7 =	simm.s32 $0xAF00  }
0x2e9: {  	s10 =	simm.s32 $0xA700;
	s17 =	simm.s32 $0x9F00;
	s31 =	simm.s32 $0x12700  }
0x2ea: {  	[tilespmem:s31], [sflag:$0x1] =	stream.indirect_vreg.gather [hbm4b:s1+s11], $0x80, v6, vm0, $0xb8;
	[tilespmem:$0x1FF00] =	vst v63  }
.LBB2_12:
0x2eb: {  	_ =	swait.ge [sflag:s8], $0xC800  }
0x2ec: {  	s29 =	simm.s32 $0x0;
	[sflag:s8] =	ssyncset.done $0x0  }
0x2ed: {  	s12 =	simm.s32 $0x0;
	s14 =	simm.s32 $0x0;
	[sflag:s8] =	ssyncadd.s32 $0xFFFF3800  }
.LBB2_13:
0x2ee: {  	s0 =	sadd.s32 $0x0, s12  }
0x2ef: {  	s2 =	sand.u32 $0x1F800, s29;
	s0 =	sand.u32 $0x380, s0  }
0x2f0: {  	s0 =	sor.u32 s0, s2  }
0x2f1: {  	s30 =	sadd.s32 $0x12F00, s0;
	v6 =	vld [tilespmem:s0+$0x12F00]  }
0x2f2: {  	v8 =	vld [tilespmem:s30+$0x470]  }
0x2f3: {  	v9 =	vld [tilespmem:s30+$0x10]  }
0x2f4: {  	v10 =	vld [tilespmem:s30+$0x20]  }
0x2f5: {  	v11 =	vld [tilespmem:s30+$0x30]  }
0x2f6: {  	v12 =	vld [tilespmem:s30+$0x40]  }
0x2f7: {  	v13 =	vld [tilespmem:s30+$0x50]  }
0x2f8: {  	v14 =	vld [tilespmem:s30+$0x60]  }
0x2f9: {  	v7 =	vimm.f32 $0.0e+00;
	v22 =	vld [tilespmem:s30+$0x70]  }
0x2fa: {  	v20 =	vadd.f32 v6, v7  }
0x2fb: {  	v6 =	vadd.f32 v8, v7;
	v21 =	vadd.f32 v9, v7  }
0x2fc: {  	v26 =	vld [tilespmem:s30+$0x400];
	v19 =	vadd.f32 v10, v7;
	v18 =	vadd.f32 v11, v7  }
0x2fd: {  	v25 =	vld [tilespmem:s30+$0x410];
	v17 =	vadd.f32 v12, v7;
	v16 =	vadd.f32 v13, v7  }
0x2fe: {  	v23 =	vld [tilespmem:s30+$0x420];
	v15 =	vadd.f32 v14, v7;
	v13 =	vadd.f32 v22, v7  }
0x2ff: {  	v22 =	vld [tilespmem:s30+$0x430];
	v14 =	vimm.f32 $0.0e+00;
	v12 =	vimm.f32 $0.0e+00;
	v10 =	vimm.f32 $0.0e+00  }
0x300: {  	s31 =	simm.s32 $0x100;
	s2 =	sadd.s32 $0x80, s12;
	s0 =	sadd.s32 $0x100, s29;
	v24 =	vld [tilespmem:s30+$0x440];
	v11 =	vimm.f32 $0.0e+00;
	v9 =	vimm.f32 $0.0e+00;
	v8 =	vimm.f32 $0.0e+00  }
.LBB2_14:
0x301: {  	p0 =	sne.s32 s31, $0xC00;
	s19 =	sand.u32 $0x1F800, s0;
	s2 =	sand.u32 $0x380, s2;
	v7 =	vadd.f32 v26, v7;
	v26 =	vld [tilespmem:s30+$0x450]  }
0x302: {  	s2 =	sor.u32 s2, s19;
	v14 =	vadd.f32 v25, v14;
	v25 =	vld [tilespmem:s30+$0x460]  }
0x303: {  	s30 =	sadd.s32 $0x12F00, s2;
	v27 =	vld [tilespmem:s2+$0x12F00];
	v12 =	vadd.f32 v23, v12  }
0x304: {  	v23 =	vld [tilespmem:s30+$0x470];
	v10 =	vadd.f32 v22, v10  }
0x305: {  	v22 =	vld [tilespmem:s30+$0x10];
	v11 =	vadd.f32 v24, v11  }
0x306: {  	v24 =	vld [tilespmem:s30+$0x20];
	v9 =	vadd.f32 v26, v9  }
0x307: {  	v26 =	vld [tilespmem:s30+$0x30];
	v8 =	vadd.f32 v25, v8  }
0x308: {  	v20 =	vadd.f32 v27, v20;
	v25 =	vld [tilespmem:s30+$0x40]  }
0x309: {  	v27 =	vld [tilespmem:s30+$0x50];
	v6 =	vadd.f32 v23, v6  }
0x30a: {  	v21 =	vadd.f32 v22, v21;
	v22 =	vld [tilespmem:s30+$0x60]  }
0x30b: {  	v19 =	vadd.f32 v24, v19;
	v24 =	vld [tilespmem:s30+$0x70]  }
.Ltmp7:
0x30c: {  	v18 =	vadd.f32 v26, v18;
	v26 =	vld [tilespmem:s30+$0x400];
	(pc) =	sbr.rel @p0 .LBB2_14-.Ltmp7, $4  }
0x30d: {  	v17 =	vadd.f32 v25, v17;
	v25 =	vld [tilespmem:s30+$0x410]  }
0x30e: {  	v16 =	vadd.f32 v27, v16;
	v23 =	vld [tilespmem:s30+$0x420]  }
0x30f: {  	v15 =	vadd.f32 v22, v15;
	v22 =	vld [tilespmem:s30+$0x430]  }
0x310: {  	s0 =	sadd.s32 $0x100, s0;
	s2 =	sadd.s32 s31, s12;
	s31 =	sadd.s32 $0x80, s31;
	v13 =	vadd.f32 v24, v13;
	v24 =	vld [tilespmem:s30+$0x440]  }
0x311: {  	s0 =	sand.u32 $0x1F800, s0;
	s2 =	sand.u32 $0x380, s2;
	v27 =	vld [tilespmem:s30+$0x450]  }
0x312: {  	v28 =	vld [tilespmem:s30+$0x460];
	s0 =	sor.u32 s2, s0  }
0x313: {  	s2 =	sadd.s32 $0x12F00, s0;
	v29 =	vld [tilespmem:s0+$0x12F00]  }
0x314: {  	v30 =	vld [tilespmem:s2+$0x470]  }
0x315: {  	v31 =	vld [tilespmem:s2+$0x10]  }
0x316: {  	v32 =	vld [tilespmem:s2+$0x20]  }
0x317: {  	v33 =	vld [tilespmem:s2+$0x30]  }
0x318: {  	v34 =	vld [tilespmem:s2+$0x40]  }
0x319: {  	v35 =	vld [tilespmem:s2+$0x50]  }
0x31a: {  	v36 =	vld [tilespmem:s2+$0x60]  }
0x31b: {  	v37 =	vld [tilespmem:s2+$0x70]  }
0x31c: {  	v38 =	vld [tilespmem:s2+$0x400]  }
0x31d: {  	v39 =	vld [tilespmem:s2+$0x410]  }
0x31e: {  	v40 =	vld [tilespmem:s2+$0x420];
	v20 =	vadd.f32 v29, v20  }
0x31f: {  	v59 =	vld [tilespmem:s2+$0x430];
	v21 =	vadd.f32 v31, v21  }
0x320: {  	s31 =	sshll.u32 s14, $0x7;
	v60 =	vld [tilespmem:s2+$0x440];
	v19 =	vadd.f32 v32, v19;
	v20 =	vmul.f32 $3.999999910e-02, v20  }
0x321: {  	s0 =	sand.u32 $0x3FFFFF80, s31;
	v61 =	vld [tilespmem:s2+$0x450];
	v18 =	vadd.f32 v33, v18;
	v21 =	vmul.f32 $3.999999910e-02, v21  }
0x322: {  	v62 =	vld [tilespmem:s2+$0x460];
	v17 =	vadd.f32 v34, v17;
	v19 =	vmul.f32 $3.999999910e-02, v19;
	[tilespmem:s0+$0x1F700] =	vst v20  }
0x323: {  	v16 =	vadd.f32 v35, v16;
	v18 =	vmul.f32 $3.999999910e-02, v18;
	[tilespmem:s0+$0x1F710] =	vst v21  }
0x324: {  	v7 =	vadd.f32 v26, v7;
	v15 =	vadd.f32 v36, v15;
	v17 =	vmul.f32 $3.999999910e-02, v17;
	[tilespmem:s0+$0x1F720] =	vst v19  }
0x325: {  	v14 =	vadd.f32 v25, v14;
	v13 =	vadd.f32 v37, v13;
	v16 =	vmul.f32 $3.999999910e-02, v16;
	[tilespmem:s0+$0x1F730] =	vst v18  }
0x326: {  	v10 =	vadd.f32 v22, v10;
	v7 =	vadd.f32 v38, v7;
	v15 =	vmul.f32 $3.999999910e-02, v15;
	[tilespmem:s0+$0x1F740] =	vst v17  }
0x327: {  	v12 =	vadd.f32 v23, v12;
	v14 =	vadd.f32 v39, v14;
	v13 =	vmul.f32 $3.999999910e-02, v13;
	[tilespmem:s0+$0x1F750] =	vst v16  }
0x328: {  	v9 =	vadd.f32 v27, v9;
	v10 =	vadd.f32 v59, v10;
	v7 =	vmul.f32 $3.999999910e-02, v7;
	[tilespmem:s0+$0x1F760] =	vst v15  }
0x329: {  	v11 =	vadd.f32 v24, v11;
	v12 =	vadd.f32 v40, v12;
	v63 =	vmul.f32 $3.999999910e-02, v14;
	[tilespmem:s0+$0x1F770] =	vst v13  }
0x32a: {  	v9 =	vadd.f32 v61, v9;
	v10 =	vmul.f32 $3.999999910e-02, v10;
	[tilespmem:s0+$0x1FB00] =	vst v7  }
0x32b: {  	s14 =	sadd.s32 $0x1, s14;
	v8 =	vadd.f32 v28, v8;
	v11 =	vadd.f32 v60, v11;
	v7 =	vmul.f32 $3.999999910e-02, v12;
	[tilespmem:s0+$0x1FB10] =	vst v63  }
0x32c: {  	p0 =	sne.s32 s14, $0x8;
	v6 =	vadd.f32 v30, v6;
	v9 =	vmul.f32 $3.999999910e-02, v9;
	[tilespmem:s0+$0x1FB30] =	vst v10  }
.Ltmp8:
0x32d: {  	v8 =	vadd.f32 v62, v8;
	[tilespmem:s0+$0x1FB20] =	vst v7;
	v7 =	vmul.f32 $3.999999910e-02, v11;
	(pc) =	sbr.rel @p0 .LBB2_13-.Ltmp8, $4  }
0x32e: {  	v6 =	vmul.f32 $3.999999910e-02, v6;
	[tilespmem:s0+$0x1FB50] =	vst v9  }
0x32f: {  	[tilespmem:s0+$0x1FB40] =	vst v7;
	v7 =	vmul.f32 $3.999999910e-02, v8  }
0x330: {  	[tilespmem:s0+$0x1FB70] =	vst v6  }
0x331: {  	s12 =	sadd.s32 $0xC80, s12;
	s29 =	sadd.s32 $0x1900, s29;
	[tilespmem:s0+$0x1FB60] =	vst v7  }
0x332: {  	s0 =	sshll.u32 s11, $0xC;
	s2 =	rddreg [dreg:$0x10]  }
0x333: {  	s0 =	sadd.s32 s2, s0  }
0x334: {  	s31 =	rddreg [dreg:$0x11];
	p0 =	seq.s32 s11, $0x13;
	s0 =	sshrl.u32 s0, $0x3  }
.Ltmp9:
0x335: {  	s0 =	sadd.s32 s31, s0;
	(pc) =	sbr.rel @p0 .LBB2_18-.Ltmp9, $4  }
0x336: {  	[hbm4b:s0+s3] =	stream.linear.scatter [tilespmem:s9], [sflag:$0x4], $0x800, $0x38;
	[tilespmem:$0x1FF00] =	vst v63  }
0x337: {  	_ =	swait.ge [sflag:s18], $0x800  }
0x338: {  	[sflag:s18] =	ssyncset.done $0x0  }
0x339: {  	[sflag:s18] =	ssyncadd.s32 $0xFFFFF800  }
0x33a: {  	s0 =	smul.u32 $0x640, s11;
	_ =	sdelay $0x1  }
0x33b: {  	s12 =	sshra.s32 s0, $0x2  }
0x33c: {  	v6 =	vld [tilespmem:s12+$0x4910];
	_ =	sdelay $0x4  }
0x33d: {  	v7 =	vshll.u32 v6, $0x1  }
0x33e: {  	v6 =	vand.u32 $0x7, v6;
	v7 =	vand.u32 $0xFFFFFFF0, v7  }
0x33f: {  	v6 =	vor.u32 v6, v7  }
0x340: {  	v7 =	vperm.xlane v6, v3;
	_ =	sdelay $0x1  }
0x341: {  	v6 =	vperm.xlane v6, v5;
	v7 =	vadd.s32 v4, v7;
	_ =	sdelay $0x1  }
0x342: {  	v6 =	vadd.s32 v4, v6;
	_ =	sdelay $0x1  }
0x343: {  	s31 =	simm.s32 $0x12F00  }
0x344: {  	[tilespmem:s31], [sflag:$0x2] =	stream.indirect_vreg.gather [hbm4b:s1+s3], $0x80, v7, vm0, $0xb8;
	[tilespmem:$0x1FF00] =	vst v63  }
0x345: {  	s2 =	simm.s32 $0x13700  }
0x346: {  	[tilespmem:s2], [sflag:$0x2] =	stream.indirect_vreg.gather [hbm4b:s1+s3], $0x80, v6, vm0, $0xb8;
	[tilespmem:$0x1FF00] =	vst v63  }
0x347: {  	v6 =	vld [tilespmem:s12+$0x4920];
	_ =	sdelay $0x4  }
0x348: {  	v7 =	vshll.u32 v6, $0x1  }
0x349: {  	v6 =	vand.u32 $0x7, v6;
	v7 =	vand.u32 $0xFFFFFFF0, v7  }
0x34a: {  	v6 =	vor.u32 v6, v7  }
0x34b: {  	v7 =	vperm.xlane v6, v3;
	_ =	sdelay $0x1  }
0x34c: {  	v6 =	vperm.xlane v6, v5;
	v7 =	vadd.s32 v4, v7;
	_ =	sdelay $0x1  }
0x34d: {  	v6 =	vadd.s32 v4, v6;
	_ =	sdelay $0x1  }
0x34e: {  	s14 =	simm.s32 $0x13F00  }
0x34f: {  	[tilespmem:s14], [sflag:$0x2] =	stream.indirect_vreg.gather [hbm4b:s1+s3], $0x80, v7, vm0, $0xb8;
	[tilespmem:$0x1FF00] =	vst v63  }
0x350: {  	s19 =	simm.s32 $0x14700  }
0x351: {  	[tilespmem:s19], [sflag:$0x2] =	stream.indirect_vreg.gather [hbm4b:s1+s3], $0x80, v6, vm0, $0xb8;
	[tilespmem:$0x1FF00] =	vst v63  }
0x352: {  	v6 =	vld [tilespmem:s12+$0x4930];
	_ =	sdelay $0x4  }
0x353: {  	v7 =	vshll.u32 v6, $0x1  }
0x354: {  	v6 =	vand.u32 $0x7, v6;
	v7 =	vand.u32 $0xFFFFFFF0, v7  }
0x355: {  	v6 =	vor.u32 v6, v7  }
0x356: {  	v7 =	vperm.xlane v6, v3;
	_ =	sdelay $0x1  }
0x357: {  	v6 =	vperm.xlane v6, v5;
	v7 =	vadd.s32 v4, v7;
	_ =	sdelay $0x1  }
0x358: {  	v6 =	vadd.s32 v4, v6;
	_ =	sdelay $0x1  }
0x359: {  	s29 =	simm.s32 $0x14F00  }
0x35a: {  	[tilespmem:s29], [sflag:$0x2] =	stream.indirect_vreg.gather [hbm4b:s1+s3], $0x80, v7, vm0, $0xb8;
	[tilespmem:$0x1FF00] =	vst v63  }
0x35b: {  	s30 =	simm.s32 $0x15700  }
0x35c: {  	[tilespmem:s30], [sflag:$0x2] =	stream.indirect_vreg.gather [hbm4b:s1+s3], $0x80, v6, vm0, $0xb8;
	[tilespmem:$0x1FF00] =	vst v63  }
0x35d: {  	v6 =	vld [tilespmem:s12+$0x4940];
	_ =	sdelay $0x4  }
0x35e: {  	v7 =	vshll.u32 v6, $0x1  }
0x35f: {  	v6 =	vand.u32 $0x7, v6;
	v7 =	vand.u32 $0xFFFFFFF0, v7  }
0x360: {  	v6 =	vor.u32 v6, v7  }
0x361: {  	v7 =	vperm.xlane v6, v3;
	_ =	sdelay $0x1  }
0x362: {  	v6 =	vperm.xlane v6, v5;
	v7 =	vadd.s32 v4, v7;
	_ =	sdelay $0x1  }
0x363: {  	v6 =	vadd.s32 v4, v6;
	_ =	sdelay $0x1  }
0x364: {  	s31 =	simm.s32 $0x15F00  }
0x365: {  	[tilespmem:s31], [sflag:$0x2] =	stream.indirect_vreg.gather [hbm4b:s1+s3], $0x80, v7, vm0, $0xb8;
	[tilespmem:$0x1FF00] =	vst v63  }
0x366: {  	s2 =	simm.s32 $0x16700  }
0x367: {  	[tilespmem:s2], [sflag:$0x2] =	stream.indirect_vreg.gather [hbm4b:s1+s3], $0x80, v6, vm0, $0xb8;
	[tilespmem:$0x1FF00] =	vst v63  }
0x368: {  	v6 =	vld [tilespmem:s12+$0x4950];
	_ =	sdelay $0x4  }
0x369: {  	v7 =	vshll.u32 v6, $0x1  }
0x36a: {  	v6 =	vand.u32 $0x7, v6;
	v7 =	vand.u32 $0xFFFFFFF0, v7  }
0x36b: {  	v6 =	vor.u32 v6, v7  }
0x36c: {  	v7 =	vperm.xlane v6, v3;
	_ =	sdelay $0x1  }
0x36d: {  	v6 =	vperm.xlane v6, v5;
	v7 =	vadd.s32 v4, v7;
	_ =	sdelay $0x1  }
0x36e: {  	v6 =	vadd.s32 v4, v6;
	_ =	sdelay $0x1  }
0x36f: {  	s14 =	simm.s32 $0x16F00  }
0x370: {  	[tilespmem:s14], [sflag:$0x2] =	stream.indirect_vreg.gather [hbm4b:s1+s3], $0x80, v7, vm0, $0xb8;
	[tilespmem:$0x1FF00] =	vst v63  }
0x371: {  	s19 =	simm.s32 $0x17700  }
0x372: {  	[tilespmem:s19], [sflag:$0x2] =	stream.indirect_vreg.gather [hbm4b:s1+s3], $0x80, v6, vm0, $0xb8;
	[tilespmem:$0x1FF00] =	vst v63  }
0x373: {  	v6 =	vld [tilespmem:s12+$0x4960];
	_ =	sdelay $0x4  }
0x374: {  	v7 =	vshll.u32 v6, $0x1  }
0x375: {  	v6 =	vand.u32 $0x7, v6;
	v7 =	vand.u32 $0xFFFFFFF0, v7  }
0x376: {  	v6 =	vor.u32 v6, v7  }
0x377: {  	v7 =	vperm.xlane v6, v3;
	_ =	sdelay $0x1  }
0x378: {  	v6 =	vperm.xlane v6, v5;
	v7 =	vadd.s32 v4, v7;
	_ =	sdelay $0x1  }
0x379: {  	v6 =	vadd.s32 v4, v6;
	_ =	sdelay $0x1  }
0x37a: {  	s29 =	simm.s32 $0x17F00  }
0x37b: {  	[tilespmem:s29], [sflag:$0x2] =	stream.indirect_vreg.gather [hbm4b:s1+s3], $0x80, v7, vm0, $0xb8;
	[tilespmem:$0x1FF00] =	vst v63  }
0x37c: {  	s30 =	simm.s32 $0x18700  }
0x37d: {  	[tilespmem:s30], [sflag:$0x2] =	stream.indirect_vreg.gather [hbm4b:s1+s3], $0x80, v6, vm0, $0xb8;
	[tilespmem:$0x1FF00] =	vst v63  }
0x37e: {  	v6 =	vld [tilespmem:s12+$0x4970];
	_ =	sdelay $0x4  }
0x37f: {  	v7 =	vshll.u32 v6, $0x1  }
0x380: {  	v6 =	vand.u32 $0x7, v6;
	v7 =	vand.u32 $0xFFFFFFF0, v7  }
0x381: {  	v6 =	vor.u32 v6, v7  }
0x382: {  	v7 =	vperm.xlane v6, v3;
	_ =	sdelay $0x1  }
0x383: {  	v6 =	vperm.xlane v6, v5;
	v7 =	vadd.s32 v4, v7;
	_ =	sdelay $0x1  }
0x384: {  	v6 =	vadd.s32 v4, v6;
	_ =	sdelay $0x1  }
0x385: {  	s31 =	simm.s32 $0x18F00  }
0x386: {  	[tilespmem:s31], [sflag:$0x2] =	stream.indirect_vreg.gather [hbm4b:s1+s3], $0x80, v7, vm0, $0xb8;
	[tilespmem:$0x1FF00] =	vst v63  }
0x387: {  	s2 =	simm.s32 $0x19700  }
0x388: {  	[tilespmem:s2], [sflag:$0x2] =	stream.indirect_vreg.gather [hbm4b:s1+s3], $0x80, v6, vm0, $0xb8;
	[tilespmem:$0x1FF00] =	vst v63  }
0x389: {  	v6 =	vld [tilespmem:s12+$0x4980];
	_ =	sdelay $0x4  }
0x38a: {  	v7 =	vshll.u32 v6, $0x1  }
0x38b: {  	v6 =	vand.u32 $0x7, v6;
	v7 =	vand.u32 $0xFFFFFFF0, v7  }
0x38c: {  	v6 =	vor.u32 v6, v7  }
0x38d: {  	v7 =	vperm.xlane v6, v3;
	_ =	sdelay $0x1  }
0x38e: {  	v6 =	vperm.xlane v6, v5;
	v7 =	vadd.s32 v4, v7;
	_ =	sdelay $0x1  }
0x38f: {  	v6 =	vadd.s32 v4, v6;
	_ =	sdelay $0x1  }
0x390: {  	s14 =	simm.s32 $0x19F00  }
0x391: {  	[tilespmem:s14], [sflag:$0x2] =	stream.indirect_vreg.gather [hbm4b:s1+s3], $0x80, v7, vm0, $0xb8;
	[tilespmem:$0x1FF00] =	vst v63  }
0x392: {  	s19 =	simm.s32 $0x1A700  }
0x393: {  	[tilespmem:s19], [sflag:$0x2] =	stream.indirect_vreg.gather [hbm4b:s1+s3], $0x80, v6, vm0, $0xb8;
	[tilespmem:$0x1FF00] =	vst v63  }
0x394: {  	v6 =	vld [tilespmem:s12+$0x4990];
	_ =	sdelay $0x4  }
0x395: {  	v7 =	vshll.u32 v6, $0x1  }
0x396: {  	v6 =	vand.u32 $0x7, v6;
	v7 =	vand.u32 $0xFFFFFFF0, v7  }
0x397: {  	v6 =	vor.u32 v6, v7  }
0x398: {  	v7 =	vperm.xlane v6, v3;
	_ =	sdelay $0x1  }
0x399: {  	v6 =	vperm.xlane v6, v5;
	v7 =	vadd.s32 v4, v7;
	_ =	sdelay $0x1  }
0x39a: {  	v6 =	vadd.s32 v4, v6;
	_ =	sdelay $0x1  }
0x39b: {  	s29 =	simm.s32 $0x1AF00  }
0x39c: {  	[tilespmem:s29], [sflag:$0x2] =	stream.indirect_vreg.gather [hbm4b:s1+s3], $0x80, v7, vm0, $0xb8;
	[tilespmem:$0x1FF00] =	vst v63  }
0x39d: {  	s30 =	simm.s32 $0x1B700  }
0x39e: {  	[tilespmem:s30], [sflag:$0x2] =	stream.indirect_vreg.gather [hbm4b:s1+s3], $0x80, v6, vm0, $0xb8;
	[tilespmem:$0x1FF00] =	vst v63  }
0x39f: {  	v6 =	vld [tilespmem:s12+$0x49A0];
	_ =	sdelay $0x4  }
0x3a0: {  	v7 =	vshll.u32 v6, $0x1  }
0x3a1: {  	v6 =	vand.u32 $0x7, v6;
	v7 =	vand.u32 $0xFFFFFFF0, v7  }
0x3a2: {  	v6 =	vor.u32 v6, v7  }
0x3a3: {  	v7 =	vperm.xlane v6, v3;
	_ =	sdelay $0x1  }
0x3a4: {  	v6 =	vperm.xlane v6, v5;
	v7 =	vadd.s32 v4, v7;
	_ =	sdelay $0x1  }
0x3a5: {  	v6 =	vadd.s32 v4, v6;
	_ =	sdelay $0x1  }
0x3a6: {  	s31 =	simm.s32 $0x1BF00  }
0x3a7: {  	[tilespmem:s31], [sflag:$0x2] =	stream.indirect_vreg.gather [hbm4b:s1+s3], $0x80, v7, vm0, $0xb8;
	[tilespmem:$0x1FF00] =	vst v63  }
0x3a8: {  	s2 =	simm.s32 $0x1C700  }
0x3a9: {  	[tilespmem:s2], [sflag:$0x2] =	stream.indirect_vreg.gather [hbm4b:s1+s3], $0x80, v6, vm0, $0xb8;
	[tilespmem:$0x1FF00] =	vst v63  }
0x3aa: {  	v6 =	vld [tilespmem:s12+$0x49B0];
	_ =	sdelay $0x4  }
0x3ab: {  	v7 =	vshll.u32 v6, $0x1  }
0x3ac: {  	v6 =	vand.u32 $0x7, v6;
	v7 =	vand.u32 $0xFFFFFFF0, v7  }
0x3ad: {  	v6 =	vor.u32 v6, v7  }
0x3ae: {  	v7 =	vperm.xlane v6, v3;
	_ =	sdelay $0x1  }
0x3af: {  	v6 =	vperm.xlane v6, v5;
	v7 =	vadd.s32 v4, v7;
	_ =	sdelay $0x1  }
0x3b0: {  	v6 =	vadd.s32 v4, v6;
	_ =	sdelay $0x1  }
0x3b1: {  	s14 =	simm.s32 $0x1CF00  }
0x3b2: {  	[tilespmem:s14], [sflag:$0x2] =	stream.indirect_vreg.gather [hbm4b:s1+s3], $0x80, v7, vm0, $0xb8;
	[tilespmem:$0x1FF00] =	vst v63  }
0x3b3: {  	s19 =	simm.s32 $0x1D700  }
0x3b4: {  	[tilespmem:s19], [sflag:$0x2] =	stream.indirect_vreg.gather [hbm4b:s1+s3], $0x80, v6, vm0, $0xb8;
	[tilespmem:$0x1FF00] =	vst v63  }
0x3b5: {  	v6 =	vld [tilespmem:s12+$0x49C0];
	_ =	sdelay $0x4  }
0x3b6: {  	v7 =	vshll.u32 v6, $0x1  }
0x3b7: {  	v6 =	vand.u32 $0x7, v6;
	v7 =	vand.u32 $0xFFFFFFF0, v7  }
0x3b8: {  	v6 =	vor.u32 v6, v7  }
0x3b9: {  	v7 =	vperm.xlane v6, v3;
	_ =	sdelay $0x1  }
0x3ba: {  	v6 =	vperm.xlane v6, v5;
	v7 =	vadd.s32 v4, v7;
	_ =	sdelay $0x1  }
0x3bb: {  	v6 =	vadd.s32 v4, v6;
	_ =	sdelay $0x1  }
0x3bc: {  	s29 =	simm.s32 $0x1DF00  }
0x3bd: {  	[tilespmem:s29], [sflag:$0x2] =	stream.indirect_vreg.gather [hbm4b:s1+s3], $0x80, v7, vm0, $0xb8;
	[tilespmem:$0x1FF00] =	vst v63  }
0x3be: {  	s30 =	simm.s32 $0x1E700  }
0x3bf: {  	[tilespmem:s30], [sflag:$0x2] =	stream.indirect_vreg.gather [hbm4b:s1+s3], $0x80, v6, vm0, $0xb8;
	[tilespmem:$0x1FF00] =	vst v63  }
0x3c0: {  	v6 =	vld.msk [tilespmem:s12+$0x49D0], $0xff;
	_ =	sdelay $0x4  }
0x3c1: {  	v7 =	vshll.u32 v6, $0x1  }
0x3c2: {  	v6 =	vand.u32 $0x7, v6;
	v7 =	vand.u32 $0xFFFFFFF0, v7  }
0x3c3: {  	v6 =	vor.u32 v6, v7  }
0x3c4: {  	v6 =	vperm.xlane v6, v3;
	_ =	sdelay $0x1  }
0x3c5: {  	v6 =	vadd.s32 v4, v6;
	_ =	sdelay $0x3  }
0x3c6: {  	s31 =	simm.s32 $0x1EF00  }
0x3c7: {  	[tilespmem:s31], [sflag:$0x2] =	stream.indirect_vreg.gather [hbm4b:s1+s3], $0x80, v6, vm0, $0xb8;
	[tilespmem:$0x1FF00] =	vst v63  }
.LBB2_18:
0x3c8: {  	_ =	swait.ge [sflag:s16], $0xC800  }
0x3c9: {  	s12 =	simm.s32 $0x0;
	[sflag:s16] =	ssyncset.done $0x0  }
0x3ca: {  	s14 =	simm.s32 $0x0;
	s29 =	simm.s32 $0x0;
	[sflag:s16] =	ssyncadd.s32 $0xFFFF3800  }
.LBB2_19:
0x3cb: {  	s0 =	sadd.s32 $0x0, s14  }
0x3cc: {  	s2 =	sand.u32 $0x1F800, s12;
	s0 =	sand.u32 $0x380, s0  }
0x3cd: {  	s30 =	sor.u32 s0, s2  }
0x3ce: {  	v6 =	vld [tilespmem:s30+$0x6B70]  }
0x3cf: {  	v8 =	vld [tilespmem:s30+$0x6700]  }
0x3d0: {  	v9 =	vld [tilespmem:s30+$0x6710]  }
0x3d1: {  	v10 =	vld [tilespmem:s30+$0x6720]  }
0x3d2: {  	v11 =	vld [tilespmem:s30+$0x6730]  }
0x3d3: {  	v12 =	vld [tilespmem:s30+$0x6740]  }
0x3d4: {  	v13 =	vld [tilespmem:s30+$0x6750]  }
0x3d5: {  	v14 =	vld [tilespmem:s30+$0x6760]  }
0x3d6: {  	v7 =	vimm.f32 $0.0e+00;
	v22 =	vld [tilespmem:s30+$0x6770]  }
0x3d7: {  	v6 =	vadd.f32 v6, v7  }
0x3d8: {  	v21 =	vadd.f32 v8, v7;
	v20 =	vadd.f32 v9, v7  }
0x3d9: {  	v26 =	vld [tilespmem:s30+$0x6B00];
	v19 =	vadd.f32 v10, v7;
	v18 =	vadd.f32 v11, v7  }
0x3da: {  	v25 =	vld [tilespmem:s30+$0x6B10];
	v17 =	vadd.f32 v12, v7;
	v16 =	vadd.f32 v13, v7  }
0x3db: {  	v23 =	vld [tilespmem:s30+$0x6B20];
	v15 =	vadd.f32 v14, v7;
	v13 =	vadd.f32 v22, v7  }
0x3dc: {  	v22 =	vld [tilespmem:s30+$0x6B30];
	v14 =	vimm.f32 $0.0e+00;
	v12 =	vimm.f32 $0.0e+00;
	v10 =	vimm.f32 $0.0e+00  }
0x3dd: {  	s31 =	sadd.s32 $0x100, s12;
	s2 =	sadd.s32 $0x80, s14;
	s0 =	simm.s32 $0x100;
	v24 =	vld [tilespmem:s30+$0x6B40];
	v11 =	vimm.f32 $0.0e+00;
	v9 =	vimm.f32 $0.0e+00;
	v8 =	vimm.f32 $0.0e+00  }
.LBB2_20:
0x3de: {  	p1 =	sne.s32 s0, $0xC00;
	s19 =	sand.u32 $0x1F800, s31;
	s2 =	sand.u32 $0x380, s2;
	v7 =	vadd.f32 v26, v7;
	v26 =	vld [tilespmem:s30+$0x6B50]  }
0x3df: {  	v14 =	vadd.f32 v25, v14;
	v25 =	vld [tilespmem:s30+$0x6B60];
	s30 =	sor.u32 s2, s19  }
0x3e0: {  	v27 =	vld [tilespmem:s30+$0x6B70];
	v12 =	vadd.f32 v23, v12  }
0x3e1: {  	v23 =	vld [tilespmem:s30+$0x6700];
	v10 =	vadd.f32 v22, v10  }
0x3e2: {  	v22 =	vld [tilespmem:s30+$0x6710];
	v11 =	vadd.f32 v24, v11  }
0x3e3: {  	v24 =	vld [tilespmem:s30+$0x6720];
	v9 =	vadd.f32 v26, v9  }
0x3e4: {  	v26 =	vld [tilespmem:s30+$0x6730];
	v8 =	vadd.f32 v25, v8  }
0x3e5: {  	v25 =	vld [tilespmem:s30+$0x6740];
	v6 =	vadd.f32 v27, v6  }
0x3e6: {  	v21 =	vadd.f32 v23, v21;
	v23 =	vld [tilespmem:s30+$0x6750]  }
0x3e7: {  	v20 =	vadd.f32 v22, v20;
	v22 =	vld [tilespmem:s30+$0x6760]  }
0x3e8: {  	v19 =	vadd.f32 v24, v19;
	v24 =	vld [tilespmem:s30+$0x6770]  }
.Ltmp10:
0x3e9: {  	v18 =	vadd.f32 v26, v18;
	v26 =	vld [tilespmem:s30+$0x6B00];
	(pc) =	sbr.rel @p1 .LBB2_20-.Ltmp10, $4  }
0x3ea: {  	v17 =	vadd.f32 v25, v17;
	v25 =	vld [tilespmem:s30+$0x6B10]  }
0x3eb: {  	v16 =	vadd.f32 v23, v16;
	v23 =	vld [tilespmem:s30+$0x6B20]  }
0x3ec: {  	v15 =	vadd.f32 v22, v15;
	v22 =	vld [tilespmem:s30+$0x6B30]  }
0x3ed: {  	s31 =	sadd.s32 $0x100, s31;
	s2 =	sadd.s32 s0, s14;
	s0 =	sadd.s32 $0x80, s0;
	v13 =	vadd.f32 v24, v13;
	v24 =	vld [tilespmem:s30+$0x6B40]  }
0x3ee: {  	s0 =	sand.u32 $0x1F800, s31;
	s2 =	sand.u32 $0x380, s2;
	v27 =	vld [tilespmem:s30+$0x6B50]  }
0x3ef: {  	v28 =	vld [tilespmem:s30+$0x6B60];
	s0 =	sor.u32 s2, s0  }
0x3f0: {  	v29 =	vld [tilespmem:s0+$0x6B70]  }
0x3f1: {  	v30 =	vld [tilespmem:s0+$0x6700]  }
0x3f2: {  	v31 =	vld [tilespmem:s0+$0x6710]  }
0x3f3: {  	v32 =	vld [tilespmem:s0+$0x6720]  }
0x3f4: {  	v33 =	vld [tilespmem:s0+$0x6730]  }
0x3f5: {  	v34 =	vld [tilespmem:s0+$0x6740]  }
0x3f6: {  	v35 =	vld [tilespmem:s0+$0x6750]  }
0x3f7: {  	v36 =	vld [tilespmem:s0+$0x6760]  }
0x3f8: {  	v37 =	vld [tilespmem:s0+$0x6770]  }
0x3f9: {  	v38 =	vld [tilespmem:s0+$0x6B00]  }
0x3fa: {  	v39 =	vld [tilespmem:s0+$0x6B10]  }
0x3fb: {  	v40 =	vld [tilespmem:s0+$0x6B20];
	v21 =	vadd.f32 v30, v21  }
0x3fc: {  	v59 =	vld [tilespmem:s0+$0x6B30];
	v20 =	vadd.f32 v31, v20  }
0x3fd: {  	s30 =	sshll.u32 s29, $0x7;
	v60 =	vld [tilespmem:s0+$0x6B40];
	v19 =	vadd.f32 v32, v19;
	v21 =	vmul.f32 $3.999999910e-02, v21  }
0x3fe: {  	s31 =	sand.u32 $0x3FFFFF80, s30;
	v61 =	vld [tilespmem:s0+$0x6B50];
	v18 =	vadd.f32 v33, v18;
	v20 =	vmul.f32 $3.999999910e-02, v20  }
0x3ff: {  	v62 =	vld [tilespmem:s0+$0x6B60];
	v17 =	vadd.f32 v34, v17;
	v19 =	vmul.f32 $3.999999910e-02, v19;
	[tilespmem:s31+$0x1F700] =	vst v21  }
0x400: {  	v16 =	vadd.f32 v35, v16;
	v18 =	vmul.f32 $3.999999910e-02, v18;
	[tilespmem:s31+$0x1F710] =	vst v20  }
0x401: {  	v7 =	vadd.f32 v26, v7;
	v15 =	vadd.f32 v36, v15;
	v17 =	vmul.f32 $3.999999910e-02, v17;
	[tilespmem:s31+$0x1F720] =	vst v19  }
0x402: {  	v14 =	vadd.f32 v25, v14;
	v13 =	vadd.f32 v37, v13;
	v16 =	vmul.f32 $3.999999910e-02, v16;
	[tilespmem:s31+$0x1F730] =	vst v18  }
0x403: {  	v10 =	vadd.f32 v22, v10;
	v7 =	vadd.f32 v38, v7;
	v15 =	vmul.f32 $3.999999910e-02, v15;
	[tilespmem:s31+$0x1F740] =	vst v17  }
0x404: {  	v12 =	vadd.f32 v23, v12;
	v14 =	vadd.f32 v39, v14;
	v13 =	vmul.f32 $3.999999910e-02, v13;
	[tilespmem:s31+$0x1F750] =	vst v16  }
0x405: {  	v9 =	vadd.f32 v27, v9;
	v10 =	vadd.f32 v59, v10;
	v7 =	vmul.f32 $3.999999910e-02, v7;
	[tilespmem:s31+$0x1F760] =	vst v15  }
0x406: {  	v11 =	vadd.f32 v24, v11;
	v12 =	vadd.f32 v40, v12;
	v63 =	vmul.f32 $3.999999910e-02, v14;
	[tilespmem:s31+$0x1F770] =	vst v13  }
0x407: {  	v9 =	vadd.f32 v61, v9;
	v10 =	vmul.f32 $3.999999910e-02, v10;
	[tilespmem:s31+$0x1FB00] =	vst v7  }
0x408: {  	s29 =	sadd.s32 $0x1, s29;
	v8 =	vadd.f32 v28, v8;
	v11 =	vadd.f32 v60, v11;
	v7 =	vmul.f32 $3.999999910e-02, v12;
	[tilespmem:s31+$0x1FB10] =	vst v63  }
0x409: {  	p1 =	sne.s32 s29, $0x8;
	v6 =	vadd.f32 v29, v6;
	v9 =	vmul.f32 $3.999999910e-02, v9;
	[tilespmem:s31+$0x1FB30] =	vst v10  }
.Ltmp11:
0x40a: {  	v8 =	vadd.f32 v62, v8;
	[tilespmem:s31+$0x1FB20] =	vst v7;
	v7 =	vmul.f32 $3.999999910e-02, v11;
	(pc) =	sbr.rel @p1 .LBB2_19-.Ltmp11, $4  }
0x40b: {  	v6 =	vmul.f32 $3.999999910e-02, v6;
	[tilespmem:s31+$0x1FB50] =	vst v9  }
0x40c: {  	[tilespmem:s31+$0x1FB40] =	vst v7;
	v7 =	vmul.f32 $3.999999910e-02, v8  }
0x40d: {  	[tilespmem:s31+$0x1FB70] =	vst v6  }
0x40e: {  	s14 =	sadd.s32 $0xC80, s14;
	s12 =	sadd.s32 $0x1900, s12;
	[tilespmem:s31+$0x1FB60] =	vst v7  }
0x40f: {  	s0 =	sshll.u32 s11, $0x9;
	s2 =	rddreg [dreg:$0xf]  }
.Ltmp12:
0x410: {  	s0 =	sadd.s32 s2, s0;
	(pc) =	sbr.rel @p0 .LBB2_24-.Ltmp12, $4  }
0x411: {  	[hbm4b:s0+s3] =	stream.linear.scatter [tilespmem:s9], [sflag:$0x4], $0x800, $0x38;
	[tilespmem:$0x1FF00] =	vst v63  }
0x412: {  	_ =	swait.ge [sflag:s18], $0x800  }
0x413: {  	[sflag:s18] =	ssyncset.done $0x0  }
0x414: {  	[sflag:s18] =	ssyncadd.s32 $0xFFFFF800  }
0x415: {  	s0 =	smul.u32 $0x640, s11;
	_ =	sdelay $0x1  }
0x416: {  	s12 =	sshra.s32 s0, $0x2  }
0x417: {  	v6 =	vld [tilespmem:s12+$0x49D8];
	_ =	sdelay $0x4  }
0x418: {  	v7 =	vshll.u32 v6, $0x1  }
0x419: {  	v6 =	vand.u32 $0x7, v6;
	v7 =	vand.u32 $0xFFFFFFF0, v7  }
0x41a: {  	v6 =	vor.u32 v6, v7  }
0x41b: {  	v7 =	vperm.xlane v6, v3;
	_ =	sdelay $0x1  }
0x41c: {  	v6 =	vperm.xlane v6, v5;
	v7 =	vadd.s32 v4, v7;
	_ =	sdelay $0x1  }
0x41d: {  	v6 =	vadd.s32 v4, v6;
	_ =	sdelay $0x2  }
0x41e: {  	[tilespmem:s20], [sflag:$0x1] =	stream.indirect_vreg.gather [hbm4b:s1+s3], $0x80, v7, vm0, $0xb8;
	[tilespmem:$0x1FF00] =	vst v63  }
0x41f: {  	_ = 	snop  }
0x420: {  	[tilespmem:s26], [sflag:$0x1] =	stream.indirect_vreg.gather [hbm4b:s1+s3], $0x80, v6, vm0, $0xb8;
	[tilespmem:$0x1FF00] =	vst v63  }
0x421: {  	v6 =	vld [tilespmem:s12+$0x49E8];
	_ =	sdelay $0x4  }
0x422: {  	v7 =	vshll.u32 v6, $0x1  }
0x423: {  	v6 =	vand.u32 $0x7, v6;
	v7 =	vand.u32 $0xFFFFFFF0, v7  }
0x424: {  	v6 =	vor.u32 v6, v7  }
0x425: {  	v7 =	vperm.xlane v6, v3;
	_ =	sdelay $0x1  }
0x426: {  	v6 =	vperm.xlane v6, v5;
	v7 =	vadd.s32 v4, v7;
	_ =	sdelay $0x1  }
0x427: {  	v6 =	vadd.s32 v4, v6;
	_ =	sdelay $0x2  }
0x428: {  	[tilespmem:s28], [sflag:$0x1] =	stream.indirect_vreg.gather [hbm4b:s1+s3], $0x80, v7, vm0, $0xb8;
	[tilespmem:$0x1FF00] =	vst v63  }
0x429: {  	_ = 	snop  }
0x42a: {  	[tilespmem:s24], [sflag:$0x1] =	stream.indirect_vreg.gather [hbm4b:s1+s3], $0x80, v6, vm0, $0xb8;
	[tilespmem:$0x1FF00] =	vst v63  }
0x42b: {  	v6 =	vld [tilespmem:s12+$0x49F8];
	_ =	sdelay $0x4  }
0x42c: {  	v7 =	vshll.u32 v6, $0x1  }
0x42d: {  	v6 =	vand.u32 $0x7, v6;
	v7 =	vand.u32 $0xFFFFFFF0, v7  }
0x42e: {  	v6 =	vor.u32 v6, v7  }
0x42f: {  	v7 =	vperm.xlane v6, v3;
	_ =	sdelay $0x1  }
0x430: {  	v6 =	vperm.xlane v6, v5;
	v7 =	vadd.s32 v4, v7;
	_ =	sdelay $0x1  }
0x431: {  	v6 =	vadd.s32 v4, v6;
	_ =	sdelay $0x2  }
0x432: {  	[tilespmem:s25], [sflag:$0x1] =	stream.indirect_vreg.gather [hbm4b:s1+s3], $0x80, v7, vm0, $0xb8;
	[tilespmem:$0x1FF00] =	vst v63  }
0x433: {  	_ = 	snop  }
0x434: {  	[tilespmem:s5], [sflag:$0x1] =	stream.indirect_vreg.gather [hbm4b:s1+s3], $0x80, v6, vm0, $0xb8;
	[tilespmem:$0x1FF00] =	vst v63  }
0x435: {  	v6 =	vld [tilespmem:s12+$0x4A08];
	_ =	sdelay $0x4  }
0x436: {  	v7 =	vshll.u32 v6, $0x1  }
0x437: {  	v6 =	vand.u32 $0x7, v6;
	v7 =	vand.u32 $0xFFFFFFF0, v7  }
0x438: {  	v6 =	vor.u32 v6, v7  }
0x439: {  	v7 =	vperm.xlane v6, v3;
	_ =	sdelay $0x1  }
0x43a: {  	v6 =	vperm.xlane v6, v5;
	v7 =	vadd.s32 v4, v7;
	_ =	sdelay $0x1  }
0x43b: {  	v6 =	vadd.s32 v4, v6;
	_ =	sdelay $0x2  }
0x43c: {  	[tilespmem:s6], [sflag:$0x1] =	stream.indirect_vreg.gather [hbm4b:s1+s3], $0x80, v7, vm0, $0xb8;
	[tilespmem:$0x1FF00] =	vst v63  }
0x43d: {  	_ = 	snop  }
0x43e: {  	[tilespmem:s17], [sflag:$0x1] =	stream.indirect_vreg.gather [hbm4b:s1+s3], $0x80, v6, vm0, $0xb8;
	[tilespmem:$0x1FF00] =	vst v63  }
0x43f: {  	v6 =	vld [tilespmem:s12+$0x4A18];
	_ =	sdelay $0x4  }
0x440: {  	v7 =	vshll.u32 v6, $0x1  }
0x441: {  	v6 =	vand.u32 $0x7, v6;
	v7 =	vand.u32 $0xFFFFFFF0, v7  }
0x442: {  	v6 =	vor.u32 v6, v7  }
0x443: {  	v7 =	vperm.xlane v6, v3;
	_ =	sdelay $0x1  }
0x444: {  	v6 =	vperm.xlane v6, v5;
	v7 =	vadd.s32 v4, v7;
	_ =	sdelay $0x1  }
0x445: {  	v6 =	vadd.s32 v4, v6;
	_ =	sdelay $0x2  }
0x446: {  	[tilespmem:s10], [sflag:$0x1] =	stream.indirect_vreg.gather [hbm4b:s1+s3], $0x80, v7, vm0, $0xb8;
	[tilespmem:$0x1FF00] =	vst v63  }
0x447: {  	_ = 	snop  }
0x448: {  	[tilespmem:s7], [sflag:$0x1] =	stream.indirect_vreg.gather [hbm4b:s1+s3], $0x80, v6, vm0, $0xb8;
	[tilespmem:$0x1FF00] =	vst v63  }
0x449: {  	v6 =	vld [tilespmem:s12+$0x4A28];
	_ =	sdelay $0x4  }
0x44a: {  	v7 =	vshll.u32 v6, $0x1  }
0x44b: {  	v6 =	vand.u32 $0x7, v6;
	v7 =	vand.u32 $0xFFFFFFF0, v7  }
0x44c: {  	v6 =	vor.u32 v6, v7  }
0x44d: {  	v7 =	vperm.xlane v6, v3;
	_ =	sdelay $0x1  }
0x44e: {  	v6 =	vperm.xlane v6, v5;
	v7 =	vadd.s32 v4, v7;
	_ =	sdelay $0x1  }
0x44f: {  	v6 =	vadd.s32 v4, v6;
	_ =	sdelay $0x1  }
0x450: {  	s29 =	simm.s32 $0xB700  }
0x451: {  	[tilespmem:s29], [sflag:$0x1] =	stream.indirect_vreg.gather [hbm4b:s1+s3], $0x80, v7, vm0, $0xb8;
	[tilespmem:$0x1FF00] =	vst v63  }
0x452: {  	s30 =	simm.s32 $0xBF00  }
0x453: {  	[tilespmem:s30], [sflag:$0x1] =	stream.indirect_vreg.gather [hbm4b:s1+s3], $0x80, v6, vm0, $0xb8;
	[tilespmem:$0x1FF00] =	vst v63  }
0x454: {  	v6 =	vld [tilespmem:s12+$0x4A38];
	_ =	sdelay $0x4  }
0x455: {  	v7 =	vshll.u32 v6, $0x1  }
0x456: {  	v6 =	vand.u32 $0x7, v6;
	v7 =	vand.u32 $0xFFFFFFF0, v7  }
0x457: {  	v6 =	vor.u32 v6, v7  }
0x458: {  	v7 =	vperm.xlane v6, v3;
	_ =	sdelay $0x1  }
0x459: {  	v6 =	vperm.xlane v6, v5;
	v7 =	vadd.s32 v4, v7;
	_ =	sdelay $0x1  }
0x45a: {  	v6 =	vadd.s32 v4, v6;
	_ =	sdelay $0x1  }
0x45b: {  	s31 =	simm.s32 $0xC700  }
0x45c: {  	[tilespmem:s31], [sflag:$0x1] =	stream.indirect_vreg.gather [hbm4b:s1+s3], $0x80, v7, vm0, $0xb8;
	[tilespmem:$0x1FF00] =	vst v63  }
0x45d: {  	s2 =	simm.s32 $0xCF00  }
0x45e: {  	[tilespmem:s2], [sflag:$0x1] =	stream.indirect_vreg.gather [hbm4b:s1+s3], $0x80, v6, vm0, $0xb8;
	[tilespmem:$0x1FF00] =	vst v63  }
0x45f: {  	v6 =	vld [tilespmem:s12+$0x4A48];
	_ =	sdelay $0x4  }
0x460: {  	v7 =	vshll.u32 v6, $0x1  }
0x461: {  	v6 =	vand.u32 $0x7, v6;
	v7 =	vand.u32 $0xFFFFFFF0, v7  }
0x462: {  	v6 =	vor.u32 v6, v7  }
0x463: {  	v7 =	vperm.xlane v6, v3;
	_ =	sdelay $0x1  }
0x464: {  	v6 =	vperm.xlane v6, v5;
	v7 =	vadd.s32 v4, v7;
	_ =	sdelay $0x1  }
0x465: {  	v6 =	vadd.s32 v4, v6;
	_ =	sdelay $0x1  }
0x466: {  	s14 =	simm.s32 $0xD700  }
0x467: {  	[tilespmem:s14], [sflag:$0x1] =	stream.indirect_vreg.gather [hbm4b:s1+s3], $0x80, v7, vm0, $0xb8;
	[tilespmem:$0x1FF00] =	vst v63  }
0x468: {  	s19 =	simm.s32 $0xDF00  }
0x469: {  	[tilespmem:s19], [sflag:$0x1] =	stream.indirect_vreg.gather [hbm4b:s1+s3], $0x80, v6, vm0, $0xb8;
	[tilespmem:$0x1FF00] =	vst v63  }
0x46a: {  	v6 =	vld [tilespmem:s12+$0x4A58];
	_ =	sdelay $0x4  }
0x46b: {  	v7 =	vshll.u32 v6, $0x1  }
0x46c: {  	v6 =	vand.u32 $0x7, v6;
	v7 =	vand.u32 $0xFFFFFFF0, v7  }
0x46d: {  	v6 =	vor.u32 v6, v7  }
0x46e: {  	v7 =	vperm.xlane v6, v3;
	_ =	sdelay $0x1  }
0x46f: {  	v6 =	vperm.xlane v6, v5;
	v7 =	vadd.s32 v4, v7;
	_ =	sdelay $0x1  }
0x470: {  	v6 =	vadd.s32 v4, v6;
	_ =	sdelay $0x1  }
0x471: {  	s29 =	simm.s32 $0xE700  }
0x472: {  	[tilespmem:s29], [sflag:$0x1] =	stream.indirect_vreg.gather [hbm4b:s1+s3], $0x80, v7, vm0, $0xb8;
	[tilespmem:$0x1FF00] =	vst v63  }
0x473: {  	s30 =	simm.s32 $0xEF00  }
0x474: {  	[tilespmem:s30], [sflag:$0x1] =	stream.indirect_vreg.gather [hbm4b:s1+s3], $0x80, v6, vm0, $0xb8;
	[tilespmem:$0x1FF00] =	vst v63  }
0x475: {  	v6 =	vld [tilespmem:s12+$0x4A68];
	_ =	sdelay $0x4  }
0x476: {  	v7 =	vshll.u32 v6, $0x1  }
0x477: {  	v6 =	vand.u32 $0x7, v6;
	v7 =	vand.u32 $0xFFFFFFF0, v7  }
0x478: {  	v6 =	vor.u32 v6, v7  }
0x479: {  	v7 =	vperm.xlane v6, v3;
	_ =	sdelay $0x1  }
0x47a: {  	v6 =	vperm.xlane v6, v5;
	v7 =	vadd.s32 v4, v7;
	_ =	sdelay $0x1  }
0x47b: {  	v6 =	vadd.s32 v4, v6;
	_ =	sdelay $0x1  }
0x47c: {  	s31 =	simm.s32 $0xF700  }
0x47d: {  	[tilespmem:s31], [sflag:$0x1] =	stream.indirect_vreg.gather [hbm4b:s1+s3], $0x80, v7, vm0, $0xb8;
	[tilespmem:$0x1FF00] =	vst v63  }
0x47e: {  	s2 =	simm.s32 $0xFF00  }
0x47f: {  	[tilespmem:s2], [sflag:$0x1] =	stream.indirect_vreg.gather [hbm4b:s1+s3], $0x80, v6, vm0, $0xb8;
	[tilespmem:$0x1FF00] =	vst v63  }
0x480: {  	v6 =	vld [tilespmem:s12+$0x4A78];
	_ =	sdelay $0x4  }
0x481: {  	v7 =	vshll.u32 v6, $0x1  }
0x482: {  	v6 =	vand.u32 $0x7, v6;
	v7 =	vand.u32 $0xFFFFFFF0, v7  }
0x483: {  	v6 =	vor.u32 v6, v7  }
0x484: {  	v7 =	vperm.xlane v6, v3;
	_ =	sdelay $0x1  }
0x485: {  	v6 =	vperm.xlane v6, v5;
	v7 =	vadd.s32 v4, v7;
	_ =	sdelay $0x1  }
0x486: {  	v6 =	vadd.s32 v4, v6;
	_ =	sdelay $0x1  }
0x487: {  	s14 =	simm.s32 $0x10700  }
0x488: {  	[tilespmem:s14], [sflag:$0x1] =	stream.indirect_vreg.gather [hbm4b:s1+s3], $0x80, v7, vm0, $0xb8;
	[tilespmem:$0x1FF00] =	vst v63  }
0x489: {  	s19 =	simm.s32 $0x10F00  }
0x48a: {  	[tilespmem:s19], [sflag:$0x1] =	stream.indirect_vreg.gather [hbm4b:s1+s3], $0x80, v6, vm0, $0xb8;
	[tilespmem:$0x1FF00] =	vst v63  }
0x48b: {  	v6 =	vld [tilespmem:s12+$0x4A88];
	_ =	sdelay $0x4  }
0x48c: {  	v7 =	vshll.u32 v6, $0x1  }
0x48d: {  	v6 =	vand.u32 $0x7, v6;
	v7 =	vand.u32 $0xFFFFFFF0, v7  }
0x48e: {  	v6 =	vor.u32 v6, v7  }
0x48f: {  	v7 =	vperm.xlane v6, v3;
	_ =	sdelay $0x1  }
0x490: {  	v6 =	vperm.xlane v6, v5;
	v7 =	vadd.s32 v4, v7;
	_ =	sdelay $0x1  }
0x491: {  	v6 =	vadd.s32 v4, v6;
	_ =	sdelay $0x1  }
0x492: {  	s29 =	simm.s32 $0x11700  }
0x493: {  	[tilespmem:s29], [sflag:$0x1] =	stream.indirect_vreg.gather [hbm4b:s1+s3], $0x80, v7, vm0, $0xb8;
	[tilespmem:$0x1FF00] =	vst v63  }
0x494: {  	s30 =	simm.s32 $0x11F00  }
0x495: {  	[tilespmem:s30], [sflag:$0x1] =	stream.indirect_vreg.gather [hbm4b:s1+s3], $0x80, v6, vm0, $0xb8;
	[tilespmem:$0x1FF00] =	vst v63  }
0x496: {  	v6 =	vld.msk [tilespmem:s12+$0x4A98], $0xff;
	_ =	sdelay $0x4  }
0x497: {  	v7 =	vshll.u32 v6, $0x1  }
0x498: {  	v6 =	vand.u32 $0x7, v6;
	v7 =	vand.u32 $0xFFFFFFF0, v7  }
0x499: {  	v6 =	vor.u32 v6, v7  }
0x49a: {  	v6 =	vperm.xlane v6, v3;
	_ =	sdelay $0x1  }
0x49b: {  	v6 =	vadd.s32 v4, v6  }
.Ltmp13:
0x49c: {  	_ = 	snop;
	(pc) =	sbr.rel .LBB2_12-.Ltmp13, $3  }
0x49d: {  	_ =	sdelay $0x1  }
0x49e: {  	s11 =	sadd.s32 $0x1, s11;
	s31 =	simm.s32 $0x12700  }
0x49f: {  	[tilespmem:s31], [sflag:$0x1] =	stream.indirect_vreg.gather [hbm4b:s1+s3], $0x80, v6, vm0, $0xb8;
	[tilespmem:$0x1FF00] =	vst v63  }
.LBB2_25:
0x4a0: {  	_ =	sfence.sel $0x180000  }
0x4a1: {  	[bflag:$0x0] =	sbarrier.arrive $0xFFFF  }
0x4a2: {  	_ =	strace $0x90000047  }
0x4a3: {  	s0 =	stileid.u32;
	[bflag:$0x2] =	sbarrier.arrive $0xFFFF  }
0x4a4: {  	p0 =	sne.s32 s0, $0x0;
	s0 =	rddreg [dreg:$0x4]  }
0x4a5: {  	s0 =	sadd.s32 @!p0 $0x100000, s0  }
0x4a6: {  	[sflag:s0] =	ssyncadd.tile.s32 @!p0 $0x1;
	_ =	shalt  }
.Lfunc_end2:
_tile_overlayer_lowered:
.L_overlay_start_2:
0x4a7: {  	(tag) =	ssettag $0x2  }
0x4a8: {  	s0 =	rddreg [dreg:$0x0];
	s2 =	stileid.u32  }
0x4a9: {  	s1 =	rddreg [dreg:$0x1];
	p0 =	sne.s32 s2, $0x0  }
0x4aa: {  	s3 =	rddreg [dreg:$0x2];
	[bflag:$0x3] =	sbarrier.arrive $0xFFFF;
	s2 =	simm.s32 @!p0 $0x1C04  }
0x4ab: {  	[timem:s3], [sflag:s2] =	dma.local @!p0 [hbm:s0], s1  }
0x4ac: {  	s0 =	simm.s32 @!p0 $0x4  }
0x4ad: {  	_ =	swait.ge @!p0 [sflag:s0], s1  }
0x4ae: {  	s1 =	ssub.s32 @!p0 $0x0, s1;
	[sflag:s0] =	ssyncset.done @!p0 $0x0  }
0x4af: {  	[sflag:s0] =	ssyncadd.s32 @!p0 s1  }
0x4b0: {  	[bflag:$0x3] =	sbarrier.arrive $0xFFFF  }
0x4b1: {  	_ =	shalt  }

</sc_bundles>
